<compile_context>
chip_gen: v7x
topology: tpu7x:2x2x1
jax: 0.10.2.dev20260603
libtpu: 0.0.44.dev20260713+nightly
codegen_flags: <defaults>
</compile_context>

<pallas_src>
import jax
import jax.numpy as jnp
from jax import lax
from jax.experimental import pallas as pl
from jax.experimental.pallas import tpu as pltpu
from jax.experimental.pallas import tpu_sc as plsc

N = 10000
E = 160000
IN_FEATS = 256
N_HIDDEN = 512
N_CLASSES = 64
ALPHA = 0.1
K_STEPS = 10

NC = 2
NS = 16
CW = N_CLASSES // NC
EPT = E // NS
CH = 125
NCH = EPT // CH
NPAD = 10240
RPT = NPAD // NS
TAIL = N - (NS - 1) * RPT

NBUF = 5
SLACK = 2
GDEPTH = NBUF - SLACK



def _mlp_body(x_ref, w1_ref, b1_ref, w2_ref, b2_ref, w3_ref, b3_ref, o_ref):
    bf = jnp.bfloat16
    h = jnp.maximum(
        jnp.dot(x_ref[...].astype(bf), w1_ref[...].astype(bf),
                preferred_element_type=jnp.float32) + b1_ref[...], 0.0)
    h = jnp.maximum(
        jnp.dot(h.astype(bf), w2_ref[...].astype(bf),
                preferred_element_type=jnp.float32) + b2_ref[...], 0.0)
    o_ref[...] = (
        jnp.dot(h.astype(bf), w3_ref[...].astype(bf),
                preferred_element_type=jnp.float32) + b3_ref[...])


def _mlp(features, W1, b1, W2, b2, W3, b3):
    blk = 1000
    full = lambda shape: pl.BlockSpec(shape, lambda i: (0, 0))
    return pl.pallas_call(
        _mlp_body,
        grid=(N // blk,),
        in_specs=[
            pl.BlockSpec((blk, IN_FEATS), lambda i: (i, 0)),
            full((IN_FEATS, N_HIDDEN)), full((1, N_HIDDEN)),
            full((N_HIDDEN, N_HIDDEN)), full((1, N_HIDDEN)),
            full((N_HIDDEN, N_CLASSES)), full((1, N_CLASSES)),
        ],
        out_specs=pl.BlockSpec((blk, N_CLASSES), lambda i: (i, 0)),
        out_shape=jax.ShapeDtypeStruct((N, N_CLASSES), jnp.float32),
    )(features, W1, b1.reshape(1, -1), W2, b2.reshape(1, -1),
      W3, b3.reshape(1, -1))



def _rsqrt16(x):
    y = plsc.bitcast(jnp.int32(0x5F3759DF)
                     - lax.shift_right_logical(plsc.bitcast(x, jnp.int32), 1),
                     jnp.float32)
    for _ in range(3):
        y = y * (1.5 - 0.5 * x * y * y)
    return y


def _prop_body(h_hbm, src_hbm, dst_hbm, zeros_hbm,
               out_hbm, work_hbm,
               src_v, dst_v, msg_v, s0res, u1res, upd_v,
               agg_sh, *sems):
    gsem = sems[:NBUF]
    ssem = sems[NBUF:2 * NBUF]
    c = lax.axis_index("c")
    s = lax.axis_index("s")
    rows = pl.ds(s * RPT, RPT)
    cols = pl.ds(c * CW, CW)
    mine = work_hbm.at[c]
    LO = pl.ds(0, 16)
    HI = pl.ds(16, 16)

    pltpu.sync_copy(src_hbm.at[s], src_v)
    pltpu.sync_copy(dst_hbm.at[s], dst_v)
    pltpu.sync_copy(zeros_hbm, agg_sh.at[rows])

    @pl.when(s < NS - 1)
    def _():
        pltpu.sync_copy(h_hbm.at[rows, cols], s0res)

    @pl.when(s == NS - 1)
    def _():
        pltpu.sync_copy(h_hbm.at[pl.ds((NS - 1) * RPT, TAIL), cols],
                        s0res.at[pl.ds(0, TAIL)])

    ones = msg_v.at[0]

    def fill_ones(r, _):
        for lanes in (LO, HI):
            ones[r, lanes] = jnp.full((16,), 1.0, jnp.float32)
        return 0

    lax.fori_loop(0, CH, fill_ones, 0, unroll=4)
    plsc.subcore_barrier()

    def deg_fire(j, _):
        pltpu.async_copy(ones, agg_sh.at[dst_v.at[j]], ssem[0], add=True)
        return 0

    def deg_drain(j, _):
        pltpu.make_async_copy(ones, agg_sh.at[dst_v.at[j]], ssem[0]).wait()
        return 0

    lax.fori_loop(0, NCH, deg_fire, 0)
    lax.fori_loop(0, NCH, deg_drain, 0)
    plsc.subcore_barrier()

    pltpu.sync_copy(agg_sh.at[rows], upd_v)
    pltpu.sync_copy(zeros_hbm, agg_sh.at[rows])

    def coeffs(r, _):
        d = jnp.maximum(upd_v[r, LO], 1.0)
        n = _rsqrt16(d)
        u1res[r, LO] = (1.0 - ALPHA) * n * n
        u1res[r, HI] = d * n
        for lanes in (LO, HI):
            s0 = n * s0res[r, lanes]
            upd_v[r, lanes] = s0
            s0res[r, lanes] = ALPHA * s0
        return 0

    lax.fori_loop(0, RPT, coeffs, 0, unroll=2)
    pltpu.sync_copy(upd_v, mine.at[rows])
    plsc.subcore_barrier()

    STEADY = NCH - GDEPTH - SLACK

    def _wait_gather(j, b):
        pltpu.make_async_copy(mine.at[src_v.at[j]], msg_v.at[b],
                              gsem[b]).wait()

    def _scatter(j, b):
        pltpu.async_copy(msg_v.at[b], agg_sh.at[dst_v.at[j]], ssem[b],
                         add=True)

    def _drain(j, b):
        pltpu.make_async_copy(msg_v.at[b], agg_sh.at[dst_v.at[j]],
                              ssem[b]).wait()

    def edge_pass():
        for b in range(GDEPTH):
            pltpu.async_copy(mine.at[src_v.at[b]], msg_v.at[b], gsem[b])
        for j in range(SLACK):
            pb = (j + NBUF - SLACK) % NBUF
            pltpu.async_copy(mine.at[src_v.at[j + GDEPTH]], msg_v.at[pb],
                             gsem[pb])
            _wait_gather(j, j % NBUF)
            _scatter(j, j % NBUF)

        def chunk(g, _):
            for b in range(NBUF):
                j = SLACK + g * NBUF + b
                jb = (SLACK + b) % NBUF
                pb = (jb + NBUF - SLACK) % NBUF
                _drain(j - SLACK, pb)
                pltpu.async_copy(mine.at[src_v.at[j + GDEPTH]], msg_v.at[pb],
                                 gsem[pb])
                _wait_gather(j, jb)
                _scatter(j, jb)
            return 0

        lax.fori_loop(0, STEADY // NBUF, chunk, 0)
        for j in range(NCH - GDEPTH, NCH):
            _drain(j - SLACK, (j - SLACK) % NBUF)
            _wait_gather(j, j % NBUF)
            _scatter(j, j % NBUF)
        for j in range(NCH - SLACK, NCH):
            _drain(j, j % NBUF)
        plsc.subcore_barrier()
        pltpu.sync_copy(agg_sh.at[rows], upd_v)
        pltpu.sync_copy(zeros_hbm, agg_sh.at[rows])

    def update(r, _):
        u1 = u1res[r, LO]
        for lanes in (LO, HI):
            upd_v[r, lanes] = u1 * upd_v[r, lanes] + s0res[r, lanes]
        return 0

    def step(t, _):
        edge_pass()
        lax.fori_loop(0, RPT, update, 0, unroll=4)
        pltpu.sync_copy(upd_v, mine.at[rows])
        plsc.subcore_barrier()
        return 0

    lax.fori_loop(0, K_STEPS - 1, step, 0)

    edge_pass()

    def finalize(r, _):
        u1 = u1res[r, LO]
        inv = u1res[r, HI]
        for lanes in (LO, HI):
            upd_v[r, lanes] = inv * (u1 * upd_v[r, lanes] + s0res[r, lanes])
        return 0

    lax.fori_loop(0, RPT, finalize, 0, unroll=4)

    @pl.when(s < NS - 1)
    def _():
        pltpu.sync_copy(upd_v, out_hbm.at[rows, cols])

    @pl.when(s == NS - 1)
    def _():
        pltpu.sync_copy(upd_v.at[pl.ds(0, TAIL)],
                        out_hbm.at[pl.ds((NS - 1) * RPT, TAIL), cols])


def _propagate(h, src2, dst2, zeros):
    mesh = plsc.VectorSubcoreMesh(core_axis_name="c", subcore_axis_name="s",
                                  num_cores=NC, num_subcores=NS)
    outs = pl.kernel(
        _prop_body,
        out_type=[
            jax.ShapeDtypeStruct((N, N_CLASSES), jnp.float32),
            jax.ShapeDtypeStruct((NC, NPAD, CW), jnp.float32),
        ],
        mesh=mesh,
        compiler_params=pltpu.CompilerParams(use_tc_tiling_on_sc=False,
                                             needs_layout_passes=False),
        scratch_types=[
            pltpu.VMEM((NCH, CH), jnp.int32),
            pltpu.VMEM((NCH, CH), jnp.int32),
            pltpu.VMEM((NBUF, CH, CW), jnp.float32),
            pltpu.VMEM((RPT, CW), jnp.float32),
            pltpu.VMEM((RPT, CW), jnp.float32),
            pltpu.VMEM((RPT, CW), jnp.float32),
            pltpu.VMEM_SHARED((NPAD, CW), jnp.float32),
        ] + [pltpu.SemaphoreType.DMA] * (2 * NBUF),
    )(h, src2, dst2, zeros)
    return outs[0]



def kernel(features, edge_index, W1, b1, W2, b2, W3, b3):
    src2 = edge_index[0].reshape(NS, NCH, CH)
    dst2 = edge_index[1].reshape(NS, NCH, CH)
    zeros_agg = jnp.zeros((RPT, CW), jnp.float32)

    h = _mlp(features, W1, b1, W2, b2, W3, b3)
    return _propagate(h, src2, dst2, zeros_agg)

# --- scband reference (transcript-rebuilt; emitter-appended) ---
"""Pipeline reference for scband-appnp-5789615915636 (READ-ONLY COPY).

The authoritative reference and input builder live on the scoring server;
editing this copy changes nothing except your own understanding.
"""

import jax, jax.numpy as jnp
import numpy as np

N = 10000
E = 160000
IN_FEATS = 256
N_HIDDEN = 512
N_CLASSES = 64
ALPHA = 0.1
K = 10


def setup_inputs(seed: int = 0) -> dict:
    key = jax.random.key(seed)
    ks = jax.random.split(key, 10)
    features = jax.random.normal(ks[0], (N, IN_FEATS), dtype=jnp.float32)
    edge_index = jax.random.randint(ks[1], (2, E), 0, N, dtype=jnp.int32)
    # Linear layer params (Kaiming-uniform-ish init like torch defaults)
    def lin(k, fan_in, fan_out):
        kw, kb = jax.random.split(k)
        bound = 1.0 / np.sqrt(fan_in)
        W = jax.random.uniform(kw, (fan_in, fan_out), dtype=jnp.float32, minval=-bound, maxval=bound)
        b = jax.random.uniform(kb, (fan_out,), dtype=jnp.float32, minval=-bound, maxval=bound)
        return W, b
    W1, b1 = lin(ks[2], IN_FEATS, N_HIDDEN)
    W2, b2 = lin(ks[3], N_HIDDEN, N_HIDDEN)
    W3, b3 = lin(ks[4], N_HIDDEN, N_CLASSES)
    return {"features": features, "edge_index": edge_index,
            "W1": W1, "b1": b1, "W2": W2, "b2": b2, "W3": W3, "b3": b3}


def reference(features, edge_index, W1, b1, W2, b2, W3, b3):
    # MLP: layers[0] -> act, middle hidden layers -> act, final layer (dropout = identity, feat_drop=0)
    h = jax.nn.relu(features @ W1 + b1)
    h = jax.nn.relu(h @ W2 + b2)
    h = h @ W3 + b3
    # APPNPConv: symmetric normalization with in-degrees (DGL semantics), k power-iteration steps
    src = edge_index[0]
    dst = edge_index[1]
    deg = jnp.zeros((N,), jnp.float32).at[dst].add(1.0)
    norm = jnp.power(jnp.clip(deg, 1.0), -0.5)[:, None]
    feat_0 = h
    feat = h
    for _ in range(K):
        msg = (feat * norm)[src]
        agg = jnp.zeros((N, N_CLASSES), jnp.float32).at[dst].add(msg)
        feat = agg * norm
        feat = (1.0 - ALPHA) * feat + ALPHA * feat_0
    return feat

if __name__ == "__main__":
    import jax
    _d = setup_inputs()
    print(jax.jit(kernel)(*tuple(_d.values())))

</pallas_src>

<mosaic_0001>
#map = affine_map<(d0, d1) -> (0, 0)>
#map1 = affine_map<(d0, d1) -> (0, 0, 0)>
module attributes {stable_mosaic.version = 14 : i64} {
  func.func @_prop_body(%arg0: i32, %arg1: i32, %arg2: memref<10000x64xf32, #tpu.memory_space<hbm>>, %arg3: memref<16x80x125xi32, #tpu.memory_space<hbm>>, %arg4: memref<16x80x125xi32, #tpu.memory_space<hbm>>, %arg5: memref<640x32xf32, #tpu.memory_space<hbm>>, %arg6: memref<10000x64xf32, #tpu.memory_space<hbm>>, %arg7: memref<2x10240x32xf32, #tpu.memory_space<hbm>>, %arg8: memref<80x125xi32, #tpu.memory_space<vmem>>, %arg9: memref<80x125xi32, #tpu.memory_space<vmem>>, %arg10: memref<5x125x32xf32, #tpu.memory_space<vmem>>, %arg11: memref<640x32xf32, #tpu.memory_space<vmem>>, %arg12: memref<640x32xf32, #tpu.memory_space<vmem>>, %arg13: memref<640x32xf32, #tpu.memory_space<vmem>>, %arg14: memref<10240x32xf32, #tpu.memory_space<vmem_shared>>, %arg15: memref<!tpu.dma_semaphore, #tpu.memory_space<semaphore_mem>>, %arg16: memref<!tpu.dma_semaphore, #tpu.memory_space<semaphore_mem>>, %arg17: memref<!tpu.dma_semaphore, #tpu.memory_space<semaphore_mem>>, %arg18: memref<!tpu.dma_semaphore, #tpu.memory_space<semaphore_mem>>, %arg19: memref<!tpu.dma_semaphore, #tpu.memory_space<semaphore_mem>>, %arg20: memref<!tpu.dma_semaphore, #tpu.memory_space<semaphore_mem>>, %arg21: memref<!tpu.dma_semaphore, #tpu.memory_space<semaphore_mem>>, %arg22: memref<!tpu.dma_semaphore, #tpu.memory_space<semaphore_mem>>, %arg23: memref<!tpu.dma_semaphore, #tpu.memory_space<semaphore_mem>>, %arg24: memref<!tpu.dma_semaphore, #tpu.memory_space<semaphore_mem>>) attributes {dimension_semantics = [#tpu.dimension_semantics<core_parallel>, #tpu.dimension_semantics<subcore_parallel>], iteration_bounds = array<i64: 2, 16>, scalar_prefetch = 0 : i64, scratch_operands = 17 : i64, tpu.core_type = #tpu.core_type<sc_vector_subcore>, window_params = [{transform_indices = #map}, {transform_indices = #map1}, {transform_indices = #map1}, {transform_indices = #map}, {transform_indices = #map}, {transform_indices = #map1}]} {
    %mul3A = arith.constant 640 : i32
    %mul3A_0 = arith.muli %arg1, %mul3A : i32
    %mul3A_1 = arith.constant 32 : i32
    %mul3A_2 = arith.muli %arg0, %mul3A_1 : i32
    "tpu.region"() ({
      %run_scoped3A = tpu.sem_alloc : memref<!tpu.dma_semaphore, #tpu.memory_space<semaphore_mem>>
      %dma_start3A_370 = arith.constant 0 : i32
      %dma_start3A_371 = arith.constant 0 : i32
      %dma_start3A_372 = tpu.memref_slice %arg3[%arg1, %dma_start3A_370, %dma_start3A_371] : memref<16x80x125xi32, #tpu.memory_space<hbm>> -> memref<1x80x125xi32, #tpu.memory_space<hbm>>
      %dma_start3A_373 = tpu.memref_squeeze %dma_start3A_372 : memref<1x80x125xi32, #tpu.memory_space<hbm>> -> memref<80x125xi32, #tpu.memory_space<hbm>>
      %dma_start3A_374 = arith.constant 0 : i32
      %dma_start3A_375 = arith.constant 0 : i32
      %dma_start3A_376 = tpu.memref_slice %arg3[%arg1, %dma_start3A_374, %dma_start3A_375] : memref<16x80x125xi32, #tpu.memory_space<hbm>> -> memref<1x80x125xi32, #tpu.memory_space<hbm>>
      %dma_start3A_377 = tpu.memref_squeeze %dma_start3A_376 : memref<1x80x125xi32, #tpu.memory_space<hbm>> -> memref<80x125xi32, #tpu.memory_space<hbm>>
      tpu.enqueue_dma source(%dma_start3A_377 : memref<80x125xi32, #tpu.memory_space<hbm>>) target(%arg8 : memref<80x125xi32, #tpu.memory_space<vmem>>) target_semaphore(%run_scoped3A : memref<!tpu.dma_semaphore, #tpu.memory_space<semaphore_mem>>)
      %dma_wait3A_378 = arith.constant 0 : i32
      %dma_wait3A_379 = arith.constant 0 : i32
      %dma_wait3A_380 = tpu.memref_slice %arg3[%arg1, %dma_wait3A_378, %dma_wait3A_379] : memref<16x80x125xi32, #tpu.memory_space<hbm>> -> memref<1x80x125xi32, #tpu.memory_space<hbm>>
      %dma_wait3A_381 = tpu.memref_squeeze %dma_wait3A_380 : memref<1x80x125xi32, #tpu.memory_space<hbm>> -> memref<80x125xi32, #tpu.memory_space<hbm>>
      %dma_wait3A_382 = arith.constant 0 : i32
      %dma_wait3A_383 = arith.constant 0 : i32
      %dma_wait3A_384 = tpu.memref_slice %arg3[%arg1, %dma_wait3A_382, %dma_wait3A_383] : memref<16x80x125xi32, #tpu.memory_space<hbm>> -> memref<1x80x125xi32, #tpu.memory_space<hbm>>
      %dma_wait3A_385 = tpu.memref_squeeze %dma_wait3A_384 : memref<1x80x125xi32, #tpu.memory_space<hbm>> -> memref<80x125xi32, #tpu.memory_space<hbm>>
      tpu.wait_dma2 semaphore(%run_scoped3A : memref<!tpu.dma_semaphore, #tpu.memory_space<semaphore_mem>>) src(%dma_wait3A_385 : memref<80x125xi32, #tpu.memory_space<hbm>>) dst(%arg8 : memref<80x125xi32, #tpu.memory_space<vmem>>)
      tpu.yield
    }) : () -> ()
    "tpu.region"() ({
      %run_scoped3A = tpu.sem_alloc : memref<!tpu.dma_semaphore, #tpu.memory_space<semaphore_mem>>
      %dma_start3A_370 = arith.constant 0 : i32
      %dma_start3A_371 = arith.constant 0 : i32
      %dma_start3A_372 = tpu.memref_slice %arg4[%arg1, %dma_start3A_370, %dma_start3A_371] : memref<16x80x125xi32, #tpu.memory_space<hbm>> -> memref<1x80x125xi32, #tpu.memory_space<hbm>>
      %dma_start3A_373 = tpu.memref_squeeze %dma_start3A_372 : memref<1x80x125xi32, #tpu.memory_space<hbm>> -> memref<80x125xi32, #tpu.memory_space<hbm>>
      %dma_start3A_374 = arith.constant 0 : i32
      %dma_start3A_375 = arith.constant 0 : i32
      %dma_start3A_376 = tpu.memref_slice %arg4[%arg1, %dma_start3A_374, %dma_start3A_375] : memref<16x80x125xi32, #tpu.memory_space<hbm>> -> memref<1x80x125xi32, #tpu.memory_space<hbm>>
      %dma_start3A_377 = tpu.memref_squeeze %dma_start3A_376 : memref<1x80x125xi32, #tpu.memory_space<hbm>> -> memref<80x125xi32, #tpu.memory_space<hbm>>
      tpu.enqueue_dma source(%dma_start3A_377 : memref<80x125xi32, #tpu.memory_space<hbm>>) target(%arg9 : memref<80x125xi32, #tpu.memory_space<vmem>>) target_semaphore(%run_scoped3A : memref<!tpu.dma_semaphore, #tpu.memory_space<semaphore_mem>>)
      %dma_wait3A_378 = arith.constant 0 : i32
      %dma_wait3A_379 = arith.constant 0 : i32
      %dma_wait3A_380 = tpu.memref_slice %arg4[%arg1, %dma_wait3A_378, %dma_wait3A_379] : memref<16x80x125xi32, #tpu.memory_space<hbm>> -> memref<1x80x125xi32, #tpu.memory_space<hbm>>
      %dma_wait3A_381 = tpu.memref_squeeze %dma_wait3A_380 : memref<1x80x125xi32, #tpu.memory_space<hbm>> -> memref<80x125xi32, #tpu.memory_space<hbm>>
      %dma_wait3A_382 = arith.constant 0 : i32
      %dma_wait3A_383 = arith.constant 0 : i32
      %dma_wait3A_384 = tpu.memref_slice %arg4[%arg1, %dma_wait3A_382, %dma_wait3A_383] : memref<16x80x125xi32, #tpu.memory_space<hbm>> -> memref<1x80x125xi32, #tpu.memory_space<hbm>>
      %dma_wait3A_385 = tpu.memref_squeeze %dma_wait3A_384 : memref<1x80x125xi32, #tpu.memory_space<hbm>> -> memref<80x125xi32, #tpu.memory_space<hbm>>
      tpu.wait_dma2 semaphore(%run_scoped3A : memref<!tpu.dma_semaphore, #tpu.memory_space<semaphore_mem>>) src(%dma_wait3A_385 : memref<80x125xi32, #tpu.memory_space<hbm>>) dst(%arg9 : memref<80x125xi32, #tpu.memory_space<vmem>>)
      tpu.yield
    }) : () -> ()
    "tpu.region"() ({
      %run_scoped3A = tpu.sem_alloc : memref<!tpu.dma_semaphore, #tpu.memory_space<semaphore_mem>>
      %dma_start3A_370 = arith.constant 0 : i32
      %dma_start3A_371 = tpu.memref_slice %arg14[%mul3A_0, %dma_start3A_370] : memref<10240x32xf32, #tpu.memory_space<vmem_shared>> -> memref<640x32xf32, #tpu.memory_space<vmem_shared>>
      tpu.enqueue_dma source(%arg5 : memref<640x32xf32, #tpu.memory_space<hbm>>) target(%dma_start3A_371 : memref<640x32xf32, #tpu.memory_space<vmem_shared>>) target_semaphore(%run_scoped3A : memref<!tpu.dma_semaphore, #tpu.memory_space<semaphore_mem>>)
      %dma_wait3A_372 = arith.constant 0 : i32
      %dma_wait3A_373 = tpu.memref_slice %arg14[%mul3A_0, %dma_wait3A_372] : memref<10240x32xf32, #tpu.memory_space<vmem_shared>> -> memref<640x32xf32, #tpu.memory_space<vmem_shared>>
      tpu.wait_dma2 semaphore(%run_scoped3A : memref<!tpu.dma_semaphore, #tpu.memory_space<semaphore_mem>>) src(%arg5 : memref<640x32xf32, #tpu.memory_space<hbm>>) dst(%dma_wait3A_373 : memref<640x32xf32, #tpu.memory_space<vmem_shared>>)
      tpu.yield
    }) : () -> ()
    %lt3A = arith.constant 15 : i32
    %lt3A_3 = arith.cmpi slt, %arg1, %lt3A : i32
    %convert_element_type3A = arith.extui %lt3A_3 : i1 to i32
    %cond3A = arith.constant 0 : i32
    %cond3A_4 = arith.cmpi ne, %convert_element_type3A, %cond3A : i32
    scf.if %cond3A_4 {
      "tpu.region"() ({
        %run_scoped3A = tpu.sem_alloc : memref<!tpu.dma_semaphore, #tpu.memory_space<semaphore_mem>>
        %dma_start3A_370 = tpu.memref_slice %arg2[%mul3A_0, %mul3A_2] : memref<10000x64xf32, #tpu.memory_space<hbm>> -> memref<640x32xf32, #tpu.memory_space<hbm>>
        %dma_start3A_371 = tpu.memref_slice %arg2[%mul3A_0, %mul3A_2] : memref<10000x64xf32, #tpu.memory_space<hbm>> -> memref<640x32xf32, #tpu.memory_space<hbm>>
        tpu.enqueue_dma source(%dma_start3A_371 : memref<640x32xf32, #tpu.memory_space<hbm>>) target(%arg11 : memref<640x32xf32, #tpu.memory_space<vmem>>) target_semaphore(%run_scoped3A : memref<!tpu.dma_semaphore, #tpu.memory_space<semaphore_mem>>)
        %dma_wait3A_372 = tpu.memref_slice %arg2[%mul3A_0, %mul3A_2] : memref<10000x64xf32, #tpu.memory_space<hbm>> -> memref<640x32xf32, #tpu.memory_space<hbm>>
        %dma_wait3A_373 = tpu.memref_slice %arg2[%mul3A_0, %mul3A_2] : memref<10000x64xf32, #tpu.memory_space<hbm>> -> memref<640x32xf32, #tpu.memory_space<hbm>>
        tpu.wait_dma2 semaphore(%run_scoped3A : memref<!tpu.dma_semaphore, #tpu.memory_space<semaphore_mem>>) src(%dma_wait3A_373 : memref<640x32xf32, #tpu.memory_space<hbm>>) dst(%arg11 : memref<640x32xf32, #tpu.memory_space<vmem>>)
        tpu.yield
      }) : () -> ()
    } else {
    }
    %eq3A = arith.constant 15 : i32
    %eq3A_5 = arith.cmpi eq, %arg1, %eq3A : i32
    %convert_element_type3A_6 = arith.extui %eq3A_5 : i1 to i32
    %cond3A_7 = arith.constant 0 : i32
    %cond3A_8 = arith.cmpi ne, %convert_element_type3A_6, %cond3A_7 : i32
    scf.if %cond3A_8 {
      "tpu.region"() ({
        %run_scoped3A = tpu.sem_alloc : memref<!tpu.dma_semaphore, #tpu.memory_space<semaphore_mem>>
        %dma_start3A_370 = arith.constant 0 : i32
        %dma_start3A_371 = arith.constant 0 : i32
        %dma_start3A_372 = tpu.memref_slice %arg11[%dma_start3A_370, %dma_start3A_371] : memref<640x32xf32, #tpu.memory_space<vmem>> -> memref<400x32xf32, #tpu.memory_space<vmem>>
        %dma_start3A_373 = arith.constant 9600 : i32
        %dma_start3A_374 = tpu.memref_slice %arg2[%dma_start3A_373, %mul3A_2] : memref<10000x64xf32, #tpu.memory_space<hbm>> -> memref<400x32xf32, #tpu.memory_space<hbm>>
        %dma_start3A_375 = arith.constant 0 : i32
        %dma_start3A_376 = arith.constant 0 : i32
        %dma_start3A_377 = tpu.memref_slice %arg11[%dma_start3A_375, %dma_start3A_376] : memref<640x32xf32, #tpu.memory_space<vmem>> -> memref<400x32xf32, #tpu.memory_space<vmem>>
        %dma_start3A_378 = arith.constant 9600 : i32
        %dma_start3A_379 = tpu.memref_slice %arg2[%dma_start3A_378, %mul3A_2] : memref<10000x64xf32, #tpu.memory_space<hbm>> -> memref<400x32xf32, #tpu.memory_space<hbm>>
        tpu.enqueue_dma source(%dma_start3A_379 : memref<400x32xf32, #tpu.memory_space<hbm>>) target(%dma_start3A_377 : memref<400x32xf32, #tpu.memory_space<vmem>>) target_semaphore(%run_scoped3A : memref<!tpu.dma_semaphore, #tpu.memory_space<semaphore_mem>>)
        %dma_wait3A_380 = arith.constant 0 : i32
        %dma_wait3A_381 = arith.constant 0 : i32
        %dma_wait3A_382 = tpu.memref_slice %arg11[%dma_wait3A_380, %dma_wait3A_381] : memref<640x32xf32, #tpu.memory_space<vmem>> -> memref<400x32xf32, #tpu.memory_space<vmem>>
        %dma_wait3A_383 = arith.constant 9600 : i32
        %dma_wait3A_384 = tpu.memref_slice %arg2[%dma_wait3A_383, %mul3A_2] : memref<10000x64xf32, #tpu.memory_space<hbm>> -> memref<400x32xf32, #tpu.memory_space<hbm>>
        %dma_wait3A_385 = arith.constant 0 : i32
        %dma_wait3A_386 = arith.constant 0 : i32
        %dma_wait3A_387 = tpu.memref_slice %arg11[%dma_wait3A_385, %dma_wait3A_386] : memref<640x32xf32, #tpu.memory_space<vmem>> -> memref<400x32xf32, #tpu.memory_space<vmem>>
        %dma_wait3A_388 = arith.constant 9600 : i32
        %dma_wait3A_389 = tpu.memref_slice %arg2[%dma_wait3A_388, %mul3A_2] : memref<10000x64xf32, #tpu.memory_space<hbm>> -> memref<400x32xf32, #tpu.memory_space<hbm>>
        tpu.wait_dma2 semaphore(%run_scoped3A : memref<!tpu.dma_semaphore, #tpu.memory_space<semaphore_mem>>) src(%dma_wait3A_389 : memref<400x32xf32, #tpu.memory_space<hbm>>) dst(%dma_wait3A_387 : memref<400x32xf32, #tpu.memory_space<vmem>>)
        tpu.yield
      }) : () -> ()
    } else {
    }
    %scan3A = arith.constant 0 : i32
    %scan3A_9 = arith.constant 0 : i32
    %scan3A_10 = arith.constant 0 : i32
    %scan3A_11 = arith.constant 124 : i32
    %scan3A_12 = arith.addi %scan3A_10, %scan3A_11 : i32
    %scan3A_13 = arith.constant 4 : i32
    %scan3A_14 = scf.for %scan3A_370 = %scan3A_10 to %scan3A_12 step %scan3A_13 iter_args(%scan3A_371 = %scan3A_9) -> (i32)  : i32 {
      %broadcast_in_dim3A_372 = arith.constant 1.000000e+00 : f32
      %broadcast_in_dim3A_373 = vector.broadcast %broadcast_in_dim3A_372 : f32 to vector<16xf32>
      %swap3A_374 = arith.constant 0 : i32
      %swap3A_375 = arith.constant 0 : i32
      %swap3A_376 = tpu.memref_slice %arg10[%scan3A, %swap3A_374, %swap3A_375] : memref<5x125x32xf32, #tpu.memory_space<vmem>> -> memref<1x125x32xf32, #tpu.memory_space<vmem>>
      %swap3A_377 = tpu.memref_squeeze %swap3A_376 : memref<1x125x32xf32, #tpu.memory_space<vmem>> -> memref<125x32xf32, #tpu.memory_space<vmem>>
      %swap3A_378 = arith.index_cast %scan3A_370 : i32 to index
      %swap3A_379 = arith.constant 0 : index
      %swap3A_380 = tpu.vector_load %swap3A_377[%swap3A_378, %swap3A_379] {strides = array<i32>} : memref<125x32xf32, #tpu.memory_space<vmem>>, vector<16xf32>,
      tpu.vector_store %swap3A_377[%swap3A_378, %swap3A_379], %broadcast_in_dim3A_373 {strides = array<i32>} : memref<125x32xf32, #tpu.memory_space<vmem>>, vector<16xf32>,
      %broadcast_in_dim3A_381 = arith.constant 1.000000e+00 : f32
      %broadcast_in_dim3A_382 = vector.broadcast %broadcast_in_dim3A_381 : f32 to vector<16xf32>
      %swap3A_383 = arith.constant 0 : i32
      %swap3A_384 = arith.constant 0 : i32
      %swap3A_385 = tpu.memref_slice %arg10[%scan3A, %swap3A_383, %swap3A_384] : memref<5x125x32xf32, #tpu.memory_space<vmem>> -> memref<1x125x32xf32, #tpu.memory_space<vmem>>
      %swap3A_386 = tpu.memref_squeeze %swap3A_385 : memref<1x125x32xf32, #tpu.memory_space<vmem>> -> memref<125x32xf32, #tpu.memory_space<vmem>>
      %swap3A_387 = arith.index_cast %scan3A_370 : i32 to index
      %swap3A_388 = arith.constant 16 : index
      %swap3A_389 = tpu.vector_load %swap3A_386[%swap3A_387, %swap3A_388] {strides = array<i32>} : memref<125x32xf32, #tpu.memory_space<vmem>>, vector<16xf32>,
      tpu.vector_store %swap3A_386[%swap3A_387, %swap3A_388], %broadcast_in_dim3A_382 {strides = array<i32>} : memref<125x32xf32, #tpu.memory_space<vmem>>, vector<16xf32>,
      %scan3A_390 = arith.constant 0 : i32
      %scan3A_391 = arith.constant 1 : i32
      %scan3A_392 = arith.addi %scan3A_370, %scan3A_391 : i32
      %broadcast_in_dim3A_393 = arith.constant 1.000000e+00 : f32
      %broadcast_in_dim3A_394 = vector.broadcast %broadcast_in_dim3A_393 : f32 to vector<16xf32>
      %swap3A_395 = arith.constant 0 : i32
      %swap3A_396 = arith.constant 0 : i32
      %swap3A_397 = tpu.memref_slice %arg10[%scan3A, %swap3A_395, %swap3A_396] : memref<5x125x32xf32, #tpu.memory_space<vmem>> -> memref<1x125x32xf32, #tpu.memory_space<vmem>>
      %swap3A_398 = tpu.memref_squeeze %swap3A_397 : memref<1x125x32xf32, #tpu.memory_space<vmem>> -> memref<125x32xf32, #tpu.memory_space<vmem>>
      %swap3A_399 = arith.index_cast %scan3A_392 : i32 to index
      %swap3A_400 = arith.constant 0 : index
      %swap3A_401 = tpu.vector_load %swap3A_398[%swap3A_399, %swap3A_400] {strides = array<i32>} : memref<125x32xf32, #tpu.memory_space<vmem>>, vector<16xf32>,
      tpu.vector_store %swap3A_398[%swap3A_399, %swap3A_400], %broadcast_in_dim3A_394 {strides = array<i32>} : memref<125x32xf32, #tpu.memory_space<vmem>>, vector<16xf32>,
      %broadcast_in_dim3A_402 = arith.constant 1.000000e+00 : f32
      %broadcast_in_dim3A_403 = vector.broadcast %broadcast_in_dim3A_402 : f32 to vector<16xf32>
      %swap3A_404 = arith.constant 0 : i32
      %swap3A_405 = arith.constant 0 : i32
      %swap3A_406 = tpu.memref_slice %arg10[%scan3A, %swap3A_404, %swap3A_405] : memref<5x125x32xf32, #tpu.memory_space<vmem>> -> memref<1x125x32xf32, #tpu.memory_space<vmem>>
      %swap3A_407 = tpu.memref_squeeze %swap3A_406 : memref<1x125x32xf32, #tpu.memory_space<vmem>> -> memref<125x32xf32, #tpu.memory_space<vmem>>
      %swap3A_408 = arith.index_cast %scan3A_392 : i32 to index
      %swap3A_409 = arith.constant 16 : index
      %swap3A_410 = tpu.vector_load %swap3A_407[%swap3A_408, %swap3A_409] {strides = array<i32>} : memref<125x32xf32, #tpu.memory_space<vmem>>, vector<16xf32>,
      tpu.vector_store %swap3A_407[%swap3A_408, %swap3A_409], %broadcast_in_dim3A_403 {strides = array<i32>} : memref<125x32xf32, #tpu.memory_space<vmem>>, vector<16xf32>,
      %scan3A_411 = arith.constant 0 : i32
      %scan3A_412 = arith.constant 2 : i32
      %scan3A_413 = arith.addi %scan3A_370, %scan3A_412 : i32
      %broadcast_in_dim3A_414 = arith.constant 1.000000e+00 : f32
      %broadcast_in_dim3A_415 = vector.broadcast %broadcast_in_dim3A_414 : f32 to vector<16xf32>
      %swap3A_416 = arith.constant 0 : i32
      %swap3A_417 = arith.constant 0 : i32
      %swap3A_418 = tpu.memref_slice %arg10[%scan3A, %swap3A_416, %swap3A_417] : memref<5x125x32xf32, #tpu.memory_space<vmem>> -> memref<1x125x32xf32, #tpu.memory_space<vmem>>
      %swap3A_419 = tpu.memref_squeeze %swap3A_418 : memref<1x125x32xf32, #tpu.memory_space<vmem>> -> memref<125x32xf32, #tpu.memory_space<vmem>>
      %swap3A_420 = arith.index_cast %scan3A_413 : i32 to index
      %swap3A_421 = arith.constant 0 : index
      %swap3A_422 = tpu.vector_load %swap3A_419[%swap3A_420, %swap3A_421] {strides = array<i32>} : memref<125x32xf32, #tpu.memory_space<vmem>>, vector<16xf32>,
      tpu.vector_store %swap3A_419[%swap3A_420, %swap3A_421], %broadcast_in_dim3A_415 {strides = array<i32>} : memref<125x32xf32, #tpu.memory_space<vmem>>, vector<16xf32>,
      %broadcast_in_dim3A_423 = arith.constant 1.000000e+00 : f32
      %broadcast_in_dim3A_424 = vector.broadcast %broadcast_in_dim3A_423 : f32 to vector<16xf32>
      %swap3A_425 = arith.constant 0 : i32
      %swap3A_426 = arith.constant 0 : i32
      %swap3A_427 = tpu.memref_slice %arg10[%scan3A, %swap3A_425, %swap3A_426] : memref<5x125x32xf32, #tpu.memory_space<vmem>> -> memref<1x125x32xf32, #tpu.memory_space<vmem>>
      %swap3A_428 = tpu.memref_squeeze %swap3A_427 : memref<1x125x32xf32, #tpu.memory_space<vmem>> -> memref<125x32xf32, #tpu.memory_space<vmem>>
      %swap3A_429 = arith.index_cast %scan3A_413 : i32 to index
      %swap3A_430 = arith.constant 16 : index
      %swap3A_431 = tpu.vector_load %swap3A_428[%swap3A_429, %swap3A_430] {strides = array<i32>} : memref<125x32xf32, #tpu.memory_space<vmem>>, vector<16xf32>,
      tpu.vector_store %swap3A_428[%swap3A_429, %swap3A_430], %broadcast_in_dim3A_424 {strides = array<i32>} : memref<125x32xf32, #tpu.memory_space<vmem>>, vector<16xf32>,
      %scan3A_432 = arith.constant 0 : i32
      %scan3A_433 = arith.constant 3 : i32
      %scan3A_434 = arith.addi %scan3A_370, %scan3A_433 : i32
      %broadcast_in_dim3A_435 = arith.constant 1.000000e+00 : f32
      %broadcast_in_dim3A_436 = vector.broadcast %broadcast_in_dim3A_435 : f32 to vector<16xf32>
      %swap3A_437 = arith.constant 0 : i32
      %swap3A_438 = arith.constant 0 : i32
      %swap3A_439 = tpu.memref_slice %arg10[%scan3A, %swap3A_437, %swap3A_438] : memref<5x125x32xf32, #tpu.memory_space<vmem>> -> memref<1x125x32xf32, #tpu.memory_space<vmem>>
      %swap3A_440 = tpu.memref_squeeze %swap3A_439 : memref<1x125x32xf32, #tpu.memory_space<vmem>> -> memref<125x32xf32, #tpu.memory_space<vmem>>
      %swap3A_441 = arith.index_cast %scan3A_434 : i32 to index
      %swap3A_442 = arith.constant 0 : index
      %swap3A_443 = tpu.vector_load %swap3A_440[%swap3A_441, %swap3A_442] {strides = array<i32>} : memref<125x32xf32, #tpu.memory_space<vmem>>, vector<16xf32>,
      tpu.vector_store %swap3A_440[%swap3A_441, %swap3A_442], %broadcast_in_dim3A_436 {strides = array<i32>} : memref<125x32xf32, #tpu.memory_space<vmem>>, vector<16xf32>,
      %broadcast_in_dim3A_444 = arith.constant 1.000000e+00 : f32
      %broadcast_in_dim3A_445 = vector.broadcast %broadcast_in_dim3A_444 : f32 to vector<16xf32>
      %swap3A_446 = arith.constant 0 : i32
      %swap3A_447 = arith.constant 0 : i32
      %swap3A_448 = tpu.memref_slice %arg10[%scan3A, %swap3A_446, %swap3A_447] : memref<5x125x32xf32, #tpu.memory_space<vmem>> -> memref<1x125x32xf32, #tpu.memory_space<vmem>>
      %swap3A_449 = tpu.memref_squeeze %swap3A_448 : memref<1x125x32xf32, #tpu.memory_space<vmem>> -> memref<125x32xf32, #tpu.memory_space<vmem>>
      %swap3A_450 = arith.index_cast %scan3A_434 : i32 to index
      %swap3A_451 = arith.constant 16 : index
      %swap3A_452 = tpu.vector_load %swap3A_449[%swap3A_450, %swap3A_451] {strides = array<i32>} : memref<125x32xf32, #tpu.memory_space<vmem>>, vector<16xf32>,
      tpu.vector_store %swap3A_449[%swap3A_450, %swap3A_451], %broadcast_in_dim3A_445 {strides = array<i32>} : memref<125x32xf32, #tpu.memory_space<vmem>>, vector<16xf32>,
      %scan3A_453 = arith.constant 0 : i32
      scf.yield %scan3A_453 : i32
    }
    %scan3A_15 = arith.constant 124 : i32
    %scan3A_16 = arith.addi %scan3A_10, %scan3A_15 : i32
    %broadcast_in_dim3A = arith.constant 1.000000e+00 : f32
    %broadcast_in_dim3A_17 = vector.broadcast %broadcast_in_dim3A : f32 to vector<16xf32>
    %swap3A = arith.constant 0 : i32
    %swap3A_18 = arith.constant 0 : i32
    %swap3A_19 = tpu.memref_slice %arg10[%scan3A, %swap3A, %swap3A_18] : memref<5x125x32xf32, #tpu.memory_space<vmem>> -> memref<1x125x32xf32, #tpu.memory_space<vmem>>
    %swap3A_20 = tpu.memref_squeeze %swap3A_19 : memref<1x125x32xf32, #tpu.memory_space<vmem>> -> memref<125x32xf32, #tpu.memory_space<vmem>>
    %swap3A_21 = arith.index_cast %scan3A_16 : i32 to index
    %swap3A_22 = arith.constant 0 : index
    %swap3A_23 = tpu.vector_load %swap3A_20[%swap3A_21, %swap3A_22] {strides = array<i32>} : memref<125x32xf32, #tpu.memory_space<vmem>>, vector<16xf32>,
    tpu.vector_store %swap3A_20[%swap3A_21, %swap3A_22], %broadcast_in_dim3A_17 {strides = array<i32>} : memref<125x32xf32, #tpu.memory_space<vmem>>, vector<16xf32>,
    %broadcast_in_dim3A_24 = arith.constant 1.000000e+00 : f32
    %broadcast_in_dim3A_25 = vector.broadcast %broadcast_in_dim3A_24 : f32 to vector<16xf32>
    %swap3A_26 = arith.constant 0 : i32
    %swap3A_27 = arith.constant 0 : i32
    %swap3A_28 = tpu.memref_slice %arg10[%scan3A, %swap3A_26, %swap3A_27] : memref<5x125x32xf32, #tpu.memory_space<vmem>> -> memref<1x125x32xf32, #tpu.memory_space<vmem>>
    %swap3A_29 = tpu.memref_squeeze %swap3A_28 : memref<1x125x32xf32, #tpu.memory_space<vmem>> -> memref<125x32xf32, #tpu.memory_space<vmem>>
    %swap3A_30 = arith.index_cast %scan3A_16 : i32 to index
    %swap3A_31 = arith.constant 16 : index
    %swap3A_32 = tpu.vector_load %swap3A_29[%swap3A_30, %swap3A_31] {strides = array<i32>} : memref<125x32xf32, #tpu.memory_space<vmem>>, vector<16xf32>,
    tpu.vector_store %swap3A_29[%swap3A_30, %swap3A_31], %broadcast_in_dim3A_25 {strides = array<i32>} : memref<125x32xf32, #tpu.memory_space<vmem>>, vector<16xf32>,
    %scan3A_33 = arith.constant 0 : i32
    %scan3A_34 = arith.constant 125 : i32
    %barrier3A = arith.constant 0 : index
    tpu.barrier barrier_id(%barrier3A)
    %scan3A_35 = arith.constant 0 : i32
    %scan3A_36 = arith.constant 0 : i32
    %scan3A_37 = arith.constant 0 : i32
    %scan3A_38 = arith.constant 80 : i32
    %scan3A_39 = arith.addi %scan3A_37, %scan3A_38 : i32
    %scan3A_40 = arith.constant 1 : i32
    %scan3A_41 = scf.for %scan3A_370 = %scan3A_37 to %scan3A_39 step %scan3A_40 iter_args(%scan3A_371 = %scan3A_36) -> (i32)  : i32 {
      %dma_start3A_372 = arith.constant 0 : i32
      %dma_start3A_373 = arith.constant 0 : i32
      %dma_start3A_374 = tpu.memref_slice %arg10[%scan3A_35, %dma_start3A_372, %dma_start3A_373] : memref<5x125x32xf32, #tpu.memory_space<vmem>> -> memref<1x125x32xf32, #tpu.memory_space<vmem>>
      %dma_start3A_375 = tpu.memref_squeeze %dma_start3A_374 : memref<1x125x32xf32, #tpu.memory_space<vmem>> -> memref<125x32xf32, #tpu.memory_space<vmem>>
      %dma_start3A_376 = arith.constant 0 : i32
      %dma_start3A_377 = tpu.memref_slice %arg9[%scan3A_370, %dma_start3A_376] : memref<80x125xi32, #tpu.memory_space<vmem>> -> memref<1x125xi32, #tpu.memory_space<vmem>>
      %dma_start3A_378 = tpu.memref_squeeze %dma_start3A_377 : memref<1x125xi32, #tpu.memory_space<vmem>> -> memref<125xi32, #tpu.memory_space<vmem>>
      %dma_start3A_379 = arith.constant 0 : i32
      %dma_start3A_380 = arith.constant 0 : i32
      %dma_start3A_381 = tpu.memref_slice %arg14[%dma_start3A_379, %dma_start3A_380] : memref<10240x32xf32, #tpu.memory_space<vmem_shared>> -> memref<10240x32xf32, #tpu.memory_space<vmem_shared>>
      tpu.enqueue_indirect_dma source(%dma_start3A_375 : memref<125x32xf32, #tpu.memory_space<vmem>>) target(%dma_start3A_381 : memref<10240x32xf32, #tpu.memory_space<vmem_shared>>) offsets(%dma_start3A_378 : memref<125xi32, #tpu.memory_space<vmem>>) semaphore(%arg20 : memref<!tpu.dma_semaphore, #tpu.memory_space<semaphore_mem>>) {add = true}
      %scan3A_382 = arith.constant 0 : i32
      scf.yield %scan3A_382 : i32
    }
    %scan3A_42 = arith.constant 80 : i32
    %scan3A_43 = arith.constant 0 : i32
    %scan3A_44 = arith.constant 0 : i32
    %scan3A_45 = arith.constant 0 : i32
    %scan3A_46 = arith.constant 80 : i32
    %scan3A_47 = arith.addi %scan3A_45, %scan3A_46 : i32
    %scan3A_48 = arith.constant 1 : i32
    %scan3A_49 = scf.for %scan3A_370 = %scan3A_45 to %scan3A_47 step %scan3A_48 iter_args(%scan3A_371 = %scan3A_44) -> (i32)  : i32 {
      %dma_wait3A_372 = arith.constant 0 : i32
      %dma_wait3A_373 = arith.constant 0 : i32
      %dma_wait3A_374 = tpu.memref_slice %arg10[%scan3A_43, %dma_wait3A_372, %dma_wait3A_373] : memref<5x125x32xf32, #tpu.memory_space<vmem>> -> memref<1x125x32xf32, #tpu.memory_space<vmem>>
      %dma_wait3A_375 = tpu.memref_squeeze %dma_wait3A_374 : memref<1x125x32xf32, #tpu.memory_space<vmem>> -> memref<125x32xf32, #tpu.memory_space<vmem>>
      %dma_wait3A_376 = arith.constant 0 : i32
      %dma_wait3A_377 = tpu.memref_slice %arg9[%scan3A_370, %dma_wait3A_376] : memref<80x125xi32, #tpu.memory_space<vmem>> -> memref<1x125xi32, #tpu.memory_space<vmem>>
      %dma_wait3A_378 = tpu.memref_squeeze %dma_wait3A_377 : memref<1x125xi32, #tpu.memory_space<vmem>> -> memref<125xi32, #tpu.memory_space<vmem>>
      %dma_wait3A_379 = arith.constant 0 : i32
      %dma_wait3A_380 = arith.constant 0 : i32
      %dma_wait3A_381 = tpu.memref_slice %arg14[%dma_wait3A_379, %dma_wait3A_380] : memref<10240x32xf32, #tpu.memory_space<vmem_shared>> -> memref<10240x32xf32, #tpu.memory_space<vmem_shared>>
      tpu.wait_indirect_dma semaphore(%arg20 : memref<!tpu.dma_semaphore, #tpu.memory_space<semaphore_mem>>) src(%dma_wait3A_375 : memref<125x32xf32, #tpu.memory_space<vmem>>) dst(%dma_wait3A_381 : memref<10240x32xf32, #tpu.memory_space<vmem_shared>>)
      %scan3A_382 = arith.constant 0 : i32
      scf.yield %scan3A_382 : i32
    }
    %scan3A_50 = arith.constant 80 : i32
    %barrier3A_51 = arith.constant 0 : index
    tpu.barrier barrier_id(%barrier3A_51)
    "tpu.region"() ({
      %run_scoped3A = tpu.sem_alloc : memref<!tpu.dma_semaphore, #tpu.memory_space<semaphore_mem>>
      %dma_start3A_370 = arith.constant 0 : i32
      %dma_start3A_371 = tpu.memref_slice %arg14[%mul3A_0, %dma_start3A_370] : memref<10240x32xf32, #tpu.memory_space<vmem_shared>> -> memref<640x32xf32, #tpu.memory_space<vmem_shared>>
      %dma_start3A_372 = arith.constant 0 : i32
      %dma_start3A_373 = tpu.memref_slice %arg14[%mul3A_0, %dma_start3A_372] : memref<10240x32xf32, #tpu.memory_space<vmem_shared>> -> memref<640x32xf32, #tpu.memory_space<vmem_shared>>
      tpu.enqueue_dma source(%dma_start3A_373 : memref<640x32xf32, #tpu.memory_space<vmem_shared>>) target(%arg13 : memref<640x32xf32, #tpu.memory_space<vmem>>) target_semaphore(%run_scoped3A : memref<!tpu.dma_semaphore, #tpu.memory_space<semaphore_mem>>)
      %dma_wait3A_374 = arith.constant 0 : i32
      %dma_wait3A_375 = tpu.memref_slice %arg14[%mul3A_0, %dma_wait3A_374] : memref<10240x32xf32, #tpu.memory_space<vmem_shared>> -> memref<640x32xf32, #tpu.memory_space<vmem_shared>>
      %dma_wait3A_376 = arith.constant 0 : i32
      %dma_wait3A_377 = tpu.memref_slice %arg14[%mul3A_0, %dma_wait3A_376] : memref<10240x32xf32, #tpu.memory_space<vmem_shared>> -> memref<640x32xf32, #tpu.memory_space<vmem_shared>>
      tpu.wait_dma2 semaphore(%run_scoped3A : memref<!tpu.dma_semaphore, #tpu.memory_space<semaphore_mem>>) src(%dma_wait3A_377 : memref<640x32xf32, #tpu.memory_space<vmem_shared>>) dst(%arg13 : memref<640x32xf32, #tpu.memory_space<vmem>>)
      tpu.yield
    }) : () -> ()
    "tpu.region"() ({
      %run_scoped3A = tpu.sem_alloc : memref<!tpu.dma_semaphore, #tpu.memory_space<semaphore_mem>>
      %dma_start3A_370 = arith.constant 0 : i32
      %dma_start3A_371 = tpu.memref_slice %arg14[%mul3A_0, %dma_start3A_370] : memref<10240x32xf32, #tpu.memory_space<vmem_shared>> -> memref<640x32xf32, #tpu.memory_space<vmem_shared>>
      tpu.enqueue_dma source(%arg5 : memref<640x32xf32, #tpu.memory_space<hbm>>) target(%dma_start3A_371 : memref<640x32xf32, #tpu.memory_space<vmem_shared>>) target_semaphore(%run_scoped3A : memref<!tpu.dma_semaphore, #tpu.memory_space<semaphore_mem>>)
      %dma_wait3A_372 = arith.constant 0 : i32
      %dma_wait3A_373 = tpu.memref_slice %arg14[%mul3A_0, %dma_wait3A_372] : memref<10240x32xf32, #tpu.memory_space<vmem_shared>> -> memref<640x32xf32, #tpu.memory_space<vmem_shared>>
      tpu.wait_dma2 semaphore(%run_scoped3A : memref<!tpu.dma_semaphore, #tpu.memory_space<semaphore_mem>>) src(%arg5 : memref<640x32xf32, #tpu.memory_space<hbm>>) dst(%dma_wait3A_373 : memref<640x32xf32, #tpu.memory_space<vmem_shared>>)
      tpu.yield
    }) : () -> ()
    %scan3A_52 = arith.constant 0 : i32
    %scan3A_53 = arith.constant 0 : i32
    %scan3A_54 = arith.constant 640 : i32
    %scan3A_55 = arith.addi %scan3A_53, %scan3A_54 : i32
    %scan3A_56 = arith.constant 2 : i32
    %scan3A_57 = scf.for %scan3A_370 = %scan3A_53 to %scan3A_55 step %scan3A_56 iter_args(%scan3A_371 = %scan3A_52) -> (i32)  : i32 {
      %get3A = arith.index_cast %scan3A_370 : i32 to index
      %get3A_372 = arith.constant 0 : index
      %get3A_373 = tpu.vector_load %arg13[%get3A, %get3A_372] {strides = array<i32>} : memref<640x32xf32, #tpu.memory_space<vmem>>, vector<16xf32>,
      %max3A = arith.constant 1.000000e+00 : f32
      %max3A_374 = vector.broadcast %max3A : f32 to vector<16xf32>
      %max3A_375 = arith.maximumf %get3A_373, %max3A_374 : vector<16xf32>
      %bitcast3A = vector.bitcast %max3A_375 : vector<16xf32> to vector<16xi32>
      %shift_right_logical3A = arith.constant 1 : i32
      %shift_right_logical3A_376 = vector.broadcast %shift_right_logical3A : i32 to vector<16xi32>
      %shift_right_logical3A_377 = arith.shrui %bitcast3A, %shift_right_logical3A_376 : vector<16xi32>
      %sub3A = arith.constant 1597463007 : i32
      %sub3A_378 = vector.broadcast %sub3A : i32 to vector<16xi32>
      %sub3A_379 = arith.subi %sub3A_378, %shift_right_logical3A_377 : vector<16xi32>
      %bitcast3A_380 = vector.bitcast %sub3A_379 : vector<16xi32> to vector<16xf32>
      %mul3A_381 = arith.constant 5.000000e-01 : f32
      %mul3A_382 = vector.broadcast %mul3A_381 : f32 to vector<16xf32>
      %mul3A_383 = arith.mulf %mul3A_382, %max3A_375 : vector<16xf32>
      %mul3A_384 = arith.mulf %mul3A_383, %bitcast3A_380 : vector<16xf32>
      %mul3A_385 = arith.mulf %mul3A_384, %bitcast3A_380 : vector<16xf32>
      %sub3A_386 = arith.constant 1.500000e+00 : f32
      %sub3A_387 = vector.broadcast %sub3A_386 : f32 to vector<16xf32>
      %sub3A_388 = arith.subf %sub3A_387, %mul3A_385 : vector<16xf32>
      %mul3A_389 = arith.mulf %bitcast3A_380, %sub3A_388 : vector<16xf32>
      %mul3A_390 = arith.constant 5.000000e-01 : f32
      %mul3A_391 = vector.broadcast %mul3A_390 : f32 to vector<16xf32>
      %mul3A_392 = arith.mulf %mul3A_391, %max3A_375 : vector<16xf32>
      %mul3A_393 = arith.mulf %mul3A_392, %mul3A_389 : vector<16xf32>
      %mul3A_394 = arith.mulf %mul3A_393, %mul3A_389 : vector<16xf32>
      %sub3A_395 = arith.constant 1.500000e+00 : f32
      %sub3A_396 = vector.broadcast %sub3A_395 : f32 to vector<16xf32>
      %sub3A_397 = arith.subf %sub3A_396, %mul3A_394 : vector<16xf32>
      %mul3A_398 = arith.mulf %mul3A_389, %sub3A_397 : vector<16xf32>
      %mul3A_399 = arith.constant 5.000000e-01 : f32
      %mul3A_400 = vector.broadcast %mul3A_399 : f32 to vector<16xf32>
      %mul3A_401 = arith.mulf %mul3A_400, %max3A_375 : vector<16xf32>
      %mul3A_402 = arith.mulf %mul3A_401, %mul3A_398 : vector<16xf32>
      %mul3A_403 = arith.mulf %mul3A_402, %mul3A_398 : vector<16xf32>
      %sub3A_404 = arith.constant 1.500000e+00 : f32
      %sub3A_405 = vector.broadcast %sub3A_404 : f32 to vector<16xf32>
      %sub3A_406 = arith.subf %sub3A_405, %mul3A_403 : vector<16xf32>
      %mul3A_407 = arith.mulf %mul3A_398, %sub3A_406 : vector<16xf32>
      %mul3A_408 = arith.constant 0.899999976 : f32
      %mul3A_409 = vector.broadcast %mul3A_408 : f32 to vector<16xf32>
      %mul3A_410 = arith.mulf %mul3A_409, %mul3A_407 : vector<16xf32>
      %mul3A_411 = arith.mulf %mul3A_410, %mul3A_407 : vector<16xf32>
      %swap3A_412 = arith.index_cast %scan3A_370 : i32 to index
      %swap3A_413 = arith.constant 0 : index
      %swap3A_414 = tpu.vector_load %arg12[%swap3A_412, %swap3A_413] {strides = array<i32>} : memref<640x32xf32, #tpu.memory_space<vmem>>, vector<16xf32>,
      tpu.vector_store %arg12[%swap3A_412, %swap3A_413], %mul3A_411 {strides = array<i32>} : memref<640x32xf32, #tpu.memory_space<vmem>>, vector<16xf32>,
      %mul3A_415 = arith.mulf %max3A_375, %mul3A_407 : vector<16xf32>
      %swap3A_416 = arith.index_cast %scan3A_370 : i32 to index
      %swap3A_417 = arith.constant 16 : index
      %swap3A_418 = tpu.vector_load %arg12[%swap3A_416, %swap3A_417] {strides = array<i32>} : memref<640x32xf32, #tpu.memory_space<vmem>>, vector<16xf32>,
      tpu.vector_store %arg12[%swap3A_416, %swap3A_417], %mul3A_415 {strides = array<i32>} : memref<640x32xf32, #tpu.memory_space<vmem>>, vector<16xf32>,
      %get3A_419 = arith.index_cast %scan3A_370 : i32 to index
      %get3A_420 = arith.constant 0 : index
      %get3A_421 = tpu.vector_load %arg11[%get3A_419, %get3A_420] {strides = array<i32>} : memref<640x32xf32, #tpu.memory_space<vmem>>, vector<16xf32>,
      %mul3A_422 = arith.mulf %mul3A_407, %get3A_421 : vector<16xf32>
      %swap3A_423 = arith.index_cast %scan3A_370 : i32 to index
      %swap3A_424 = arith.constant 0 : index
      %swap3A_425 = tpu.vector_load %arg13[%swap3A_423, %swap3A_424] {strides = array<i32>} : memref<640x32xf32, #tpu.memory_space<vmem>>, vector<16xf32>,
      tpu.vector_store %arg13[%swap3A_423, %swap3A_424], %mul3A_422 {strides = array<i32>} : memref<640x32xf32, #tpu.memory_space<vmem>>, vector<16xf32>,
      %mul3A_426 = arith.constant 1.000000e-01 : f32
      %mul3A_427 = vector.broadcast %mul3A_426 : f32 to vector<16xf32>
      %mul3A_428 = arith.mulf %mul3A_427, %mul3A_422 : vector<16xf32>
      %swap3A_429 = arith.index_cast %scan3A_370 : i32 to index
      %swap3A_430 = arith.constant 0 : index
      %swap3A_431 = tpu.vector_load %arg11[%swap3A_429, %swap3A_430] {strides = array<i32>} : memref<640x32xf32, #tpu.memory_space<vmem>>, vector<16xf32>,
      tpu.vector_store %arg11[%swap3A_429, %swap3A_430], %mul3A_428 {strides = array<i32>} : memref<640x32xf32, #tpu.memory_space<vmem>>, vector<16xf32>,
      %get3A_432 = arith.index_cast %scan3A_370 : i32 to index
      %get3A_433 = arith.constant 16 : index
      %get3A_434 = tpu.vector_load %arg11[%get3A_432, %get3A_433] {strides = array<i32>} : memref<640x32xf32, #tpu.memory_space<vmem>>, vector<16xf32>,
      %mul3A_435 = arith.mulf %mul3A_407, %get3A_434 : vector<16xf32>
      %swap3A_436 = arith.index_cast %scan3A_370 : i32 to index
      %swap3A_437 = arith.constant 16 : index
      %swap3A_438 = tpu.vector_load %arg13[%swap3A_436, %swap3A_437] {strides = array<i32>} : memref<640x32xf32, #tpu.memory_space<vmem>>, vector<16xf32>,
      tpu.vector_store %arg13[%swap3A_436, %swap3A_437], %mul3A_435 {strides = array<i32>} : memref<640x32xf32, #tpu.memory_space<vmem>>, vector<16xf32>,
      %mul3A_439 = arith.constant 1.000000e-01 : f32
      %mul3A_440 = vector.broadcast %mul3A_439 : f32 to vector<16xf32>
      %mul3A_441 = arith.mulf %mul3A_440, %mul3A_435 : vector<16xf32>
      %swap3A_442 = arith.index_cast %scan3A_370 : i32 to index
      %swap3A_443 = arith.constant 16 : index
      %swap3A_444 = tpu.vector_load %arg11[%swap3A_442, %swap3A_443] {strides = array<i32>} : memref<640x32xf32, #tpu.memory_space<vmem>>, vector<16xf32>,
      tpu.vector_store %arg11[%swap3A_442, %swap3A_443], %mul3A_441 {strides = array<i32>} : memref<640x32xf32, #tpu.memory_space<vmem>>, vector<16xf32>,
      %scan3A_445 = arith.constant 0 : i32
      %scan3A_446 = arith.constant 1 : i32
      %scan3A_447 = arith.addi %scan3A_370, %scan3A_446 : i32
      %get3A_448 = arith.index_cast %scan3A_447 : i32 to index
      %get3A_449 = arith.constant 0 : index
      %get3A_450 = tpu.vector_load %arg13[%get3A_448, %get3A_449] {strides = array<i32>} : memref<640x32xf32, #tpu.memory_space<vmem>>, vector<16xf32>,
      %max3A_451 = arith.constant 1.000000e+00 : f32
      %max3A_452 = vector.broadcast %max3A_451 : f32 to vector<16xf32>
      %max3A_453 = arith.maximumf %get3A_450, %max3A_452 : vector<16xf32>
      %bitcast3A_454 = vector.bitcast %max3A_453 : vector<16xf32> to vector<16xi32>
      %shift_right_logical3A_455 = arith.constant 1 : i32
      %shift_right_logical3A_456 = vector.broadcast %shift_right_logical3A_455 : i32 to vector<16xi32>
      %shift_right_logical3A_457 = arith.shrui %bitcast3A_454, %shift_right_logical3A_456 : vector<16xi32>
      %sub3A_458 = arith.constant 1597463007 : i32
      %sub3A_459 = vector.broadcast %sub3A_458 : i32 to vector<16xi32>
      %sub3A_460 = arith.subi %sub3A_459, %shift_right_logical3A_457 : vector<16xi32>
      %bitcast3A_461 = vector.bitcast %sub3A_460 : vector<16xi32> to vector<16xf32>
      %mul3A_462 = arith.constant 5.000000e-01 : f32
      %mul3A_463 = vector.broadcast %mul3A_462 : f32 to vector<16xf32>
      %mul3A_464 = arith.mulf %mul3A_463, %max3A_453 : vector<16xf32>
      %mul3A_465 = arith.mulf %mul3A_464, %bitcast3A_461 : vector<16xf32>
      %mul3A_466 = arith.mulf %mul3A_465, %bitcast3A_461 : vector<16xf32>
      %sub3A_467 = arith.constant 1.500000e+00 : f32
      %sub3A_468 = vector.broadcast %sub3A_467 : f32 to vector<16xf32>
      %sub3A_469 = arith.subf %sub3A_468, %mul3A_466 : vector<16xf32>
      %mul3A_470 = arith.mulf %bitcast3A_461, %sub3A_469 : vector<16xf32>
      %mul3A_471 = arith.constant 5.000000e-01 : f32
      %mul3A_472 = vector.broadcast %mul3A_471 : f32 to vector<16xf32>
      %mul3A_473 = arith.mulf %mul3A_472, %max3A_453 : vector<16xf32>
      %mul3A_474 = arith.mulf %mul3A_473, %mul3A_470 : vector<16xf32>
      %mul3A_475 = arith.mulf %mul3A_474, %mul3A_470 : vector<16xf32>
      %sub3A_476 = arith.constant 1.500000e+00 : f32
      %sub3A_477 = vector.broadcast %sub3A_476 : f32 to vector<16xf32>
      %sub3A_478 = arith.subf %sub3A_477, %mul3A_475 : vector<16xf32>
      %mul3A_479 = arith.mulf %mul3A_470, %sub3A_478 : vector<16xf32>
      %mul3A_480 = arith.constant 5.000000e-01 : f32
      %mul3A_481 = vector.broadcast %mul3A_480 : f32 to vector<16xf32>
      %mul3A_482 = arith.mulf %mul3A_481, %max3A_453 : vector<16xf32>
      %mul3A_483 = arith.mulf %mul3A_482, %mul3A_479 : vector<16xf32>
      %mul3A_484 = arith.mulf %mul3A_483, %mul3A_479 : vector<16xf32>
      %sub3A_485 = arith.constant 1.500000e+00 : f32
      %sub3A_486 = vector.broadcast %sub3A_485 : f32 to vector<16xf32>
      %sub3A_487 = arith.subf %sub3A_486, %mul3A_484 : vector<16xf32>
      %mul3A_488 = arith.mulf %mul3A_479, %sub3A_487 : vector<16xf32>
      %mul3A_489 = arith.constant 0.899999976 : f32
      %mul3A_490 = vector.broadcast %mul3A_489 : f32 to vector<16xf32>
      %mul3A_491 = arith.mulf %mul3A_490, %mul3A_488 : vector<16xf32>
      %mul3A_492 = arith.mulf %mul3A_491, %mul3A_488 : vector<16xf32>
      %swap3A_493 = arith.index_cast %scan3A_447 : i32 to index
      %swap3A_494 = arith.constant 0 : index
      %swap3A_495 = tpu.vector_load %arg12[%swap3A_493, %swap3A_494] {strides = array<i32>} : memref<640x32xf32, #tpu.memory_space<vmem>>, vector<16xf32>,
      tpu.vector_store %arg12[%swap3A_493, %swap3A_494], %mul3A_492 {strides = array<i32>} : memref<640x32xf32, #tpu.memory_space<vmem>>, vector<16xf32>,
      %mul3A_496 = arith.mulf %max3A_453, %mul3A_488 : vector<16xf32>
      %swap3A_497 = arith.index_cast %scan3A_447 : i32 to index
      %swap3A_498 = arith.constant 16 : index
      %swap3A_499 = tpu.vector_load %arg12[%swap3A_497, %swap3A_498] {strides = array<i32>} : memref<640x32xf32, #tpu.memory_space<vmem>>, vector<16xf32>,
      tpu.vector_store %arg12[%swap3A_497, %swap3A_498], %mul3A_496 {strides = array<i32>} : memref<640x32xf32, #tpu.memory_space<vmem>>, vector<16xf32>,
      %get3A_500 = arith.index_cast %scan3A_447 : i32 to index
      %get3A_501 = arith.constant 0 : index
      %get3A_502 = tpu.vector_load %arg11[%get3A_500, %get3A_501] {strides = array<i32>} : memref<640x32xf32, #tpu.memory_space<vmem>>, vector<16xf32>,
      %mul3A_503 = arith.mulf %mul3A_488, %get3A_502 : vector<16xf32>
      %swap3A_504 = arith.index_cast %scan3A_447 : i32 to index
      %swap3A_505 = arith.constant 0 : index
      %swap3A_506 = tpu.vector_load %arg13[%swap3A_504, %swap3A_505] {strides = array<i32>} : memref<640x32xf32, #tpu.memory_space<vmem>>, vector<16xf32>,
      tpu.vector_store %arg13[%swap3A_504, %swap3A_505], %mul3A_503 {strides = array<i32>} : memref<640x32xf32, #tpu.memory_space<vmem>>, vector<16xf32>,
      %mul3A_507 = arith.constant 1.000000e-01 : f32
      %mul3A_508 = vector.broadcast %mul3A_507 : f32 to vector<16xf32>
      %mul3A_509 = arith.mulf %mul3A_508, %mul3A_503 : vector<16xf32>
      %swap3A_510 = arith.index_cast %scan3A_447 : i32 to index
      %swap3A_511 = arith.constant 0 : index
      %swap3A_512 = tpu.vector_load %arg11[%swap3A_510, %swap3A_511] {strides = array<i32>} : memref<640x32xf32, #tpu.memory_space<vmem>>, vector<16xf32>,
      tpu.vector_store %arg11[%swap3A_510, %swap3A_511], %mul3A_509 {strides = array<i32>} : memref<640x32xf32, #tpu.memory_space<vmem>>, vector<16xf32>,
      %get3A_513 = arith.index_cast %scan3A_447 : i32 to index
      %get3A_514 = arith.constant 16 : index
      %get3A_515 = tpu.vector_load %arg11[%get3A_513, %get3A_514] {strides = array<i32>} : memref<640x32xf32, #tpu.memory_space<vmem>>, vector<16xf32>,
      %mul3A_516 = arith.mulf %mul3A_488, %get3A_515 : vector<16xf32>
      %swap3A_517 = arith.index_cast %scan3A_447 : i32 to index
      %swap3A_518 = arith.constant 16 : index
      %swap3A_519 = tpu.vector_load %arg13[%swap3A_517, %swap3A_518] {strides = array<i32>} : memref<640x32xf32, #tpu.memory_space<vmem>>, vector<16xf32>,
      tpu.vector_store %arg13[%swap3A_517, %swap3A_518], %mul3A_516 {strides = array<i32>} : memref<640x32xf32, #tpu.memory_space<vmem>>, vector<16xf32>,
      %mul3A_520 = arith.constant 1.000000e-01 : f32
      %mul3A_521 = vector.broadcast %mul3A_520 : f32 to vector<16xf32>
      %mul3A_522 = arith.mulf %mul3A_521, %mul3A_516 : vector<16xf32>
      %swap3A_523 = arith.index_cast %scan3A_447 : i32 to index
      %swap3A_524 = arith.constant 16 : index
      %swap3A_525 = tpu.vector_load %arg11[%swap3A_523, %swap3A_524] {strides = array<i32>} : memref<640x32xf32, #tpu.memory_space<vmem>>, vector<16xf32>,
      tpu.vector_store %arg11[%swap3A_523, %swap3A_524], %mul3A_522 {strides = array<i32>} : memref<640x32xf32, #tpu.memory_space<vmem>>, vector<16xf32>,
      %scan3A_526 = arith.constant 0 : i32
      scf.yield %scan3A_526 : i32
    }
    %scan3A_58 = arith.constant 640 : i32
    "tpu.region"() ({
      %run_scoped3A = tpu.sem_alloc : memref<!tpu.dma_semaphore, #tpu.memory_space<semaphore_mem>>
      %dma_start3A_370 = arith.constant 0 : i32
      %dma_start3A_371 = arith.constant 0 : i32
      %dma_start3A_372 = tpu.memref_slice %arg7[%arg0, %dma_start3A_370, %dma_start3A_371] : memref<2x10240x32xf32, #tpu.memory_space<hbm>> -> memref<1x10240x32xf32, #tpu.memory_space<hbm>>
      %dma_start3A_373 = tpu.memref_squeeze %dma_start3A_372 : memref<1x10240x32xf32, #tpu.memory_space<hbm>> -> memref<10240x32xf32, #tpu.memory_space<hbm>>
      %dma_start3A_374 = arith.constant 0 : i32
      %dma_start3A_375 = tpu.memref_slice %dma_start3A_373[%mul3A_0, %dma_start3A_374] : memref<10240x32xf32, #tpu.memory_space<hbm>> -> memref<640x32xf32, #tpu.memory_space<hbm>>
      %dma_start3A_376 = arith.constant 0 : i32
      %dma_start3A_377 = arith.constant 0 : i32
      %dma_start3A_378 = tpu.memref_slice %arg7[%arg0, %dma_start3A_376, %dma_start3A_377] : memref<2x10240x32xf32, #tpu.memory_space<hbm>> -> memref<1x10240x32xf32, #tpu.memory_space<hbm>>
      %dma_start3A_379 = tpu.memref_squeeze %dma_start3A_378 : memref<1x10240x32xf32, #tpu.memory_space<hbm>> -> memref<10240x32xf32, #tpu.memory_space<hbm>>
      %dma_start3A_380 = arith.constant 0 : i32
      %dma_start3A_381 = tpu.memref_slice %dma_start3A_379[%mul3A_0, %dma_start3A_380] : memref<10240x32xf32, #tpu.memory_space<hbm>> -> memref<640x32xf32, #tpu.memory_space<hbm>>
      tpu.enqueue_dma source(%arg13 : memref<640x32xf32, #tpu.memory_space<vmem>>) target(%dma_start3A_381 : memref<640x32xf32, #tpu.memory_space<hbm>>) target_semaphore(%run_scoped3A : memref<!tpu.dma_semaphore, #tpu.memory_space<semaphore_mem>>)
      %dma_wait3A_382 = arith.constant 0 : i32
      %dma_wait3A_383 = arith.constant 0 : i32
      %dma_wait3A_384 = tpu.memref_slice %arg7[%arg0, %dma_wait3A_382, %dma_wait3A_383] : memref<2x10240x32xf32, #tpu.memory_space<hbm>> -> memref<1x10240x32xf32, #tpu.memory_space<hbm>>
      %dma_wait3A_385 = tpu.memref_squeeze %dma_wait3A_384 : memref<1x10240x32xf32, #tpu.memory_space<hbm>> -> memref<10240x32xf32, #tpu.memory_space<hbm>>
      %dma_wait3A_386 = arith.constant 0 : i32
      %dma_wait3A_387 = tpu.memref_slice %dma_wait3A_385[%mul3A_0, %dma_wait3A_386] : memref<10240x32xf32, #tpu.memory_space<hbm>> -> memref<640x32xf32, #tpu.memory_space<hbm>>
      %dma_wait3A_388 = arith.constant 0 : i32
      %dma_wait3A_389 = arith.constant 0 : i32
      %dma_wait3A_390 = tpu.memref_slice %arg7[%arg0, %dma_wait3A_388, %dma_wait3A_389] : memref<2x10240x32xf32, #tpu.memory_space<hbm>> -> memref<1x10240x32xf32, #tpu.memory_space<hbm>>
      %dma_wait3A_391 = tpu.memref_squeeze %dma_wait3A_390 : memref<1x10240x32xf32, #tpu.memory_space<hbm>> -> memref<10240x32xf32, #tpu.memory_space<hbm>>
      %dma_wait3A_392 = arith.constant 0 : i32
      %dma_wait3A_393 = tpu.memref_slice %dma_wait3A_391[%mul3A_0, %dma_wait3A_392] : memref<10240x32xf32, #tpu.memory_space<hbm>> -> memref<640x32xf32, #tpu.memory_space<hbm>>
      tpu.wait_dma2 semaphore(%run_scoped3A : memref<!tpu.dma_semaphore, #tpu.memory_space<semaphore_mem>>) src(%arg13 : memref<640x32xf32, #tpu.memory_space<vmem>>) dst(%dma_wait3A_393 : memref<640x32xf32, #tpu.memory_space<hbm>>)
      tpu.yield
    }) : () -> ()
    %barrier3A_59 = arith.constant 0 : index
    tpu.barrier barrier_id(%barrier3A_59)
    %scan3A_60 = arith.constant 0 : i32
    %scan3A_61 = arith.constant 0 : i32
    %scan3A_62 = arith.constant 9 : i32
    %scan3A_63 = arith.addi %scan3A_61, %scan3A_62 : i32
    %scan3A_64 = arith.constant 1 : i32
    %scan3A_65 = scf.for %scan3A_370 = %scan3A_61 to %scan3A_63 step %scan3A_64 iter_args(%scan3A_371 = %scan3A_60) -> (i32)  : i32 {
      %dma_start3A_372 = arith.constant 0 : i32
      %dma_start3A_373 = arith.constant 0 : i32
      %dma_start3A_374 = arith.constant 0 : i32
      %dma_start3A_375 = arith.constant 0 : i32
      %dma_start3A_376 = tpu.memref_slice %arg10[%dma_start3A_373, %dma_start3A_374, %dma_start3A_375] : memref<5x125x32xf32, #tpu.memory_space<vmem>> -> memref<1x125x32xf32, #tpu.memory_space<vmem>>
      %dma_start3A_377 = tpu.memref_squeeze %dma_start3A_376 : memref<1x125x32xf32, #tpu.memory_space<vmem>> -> memref<125x32xf32, #tpu.memory_space<vmem>>
      %dma_start3A_378 = arith.constant 0 : i32
      %dma_start3A_379 = tpu.memref_slice %arg8[%dma_start3A_372, %dma_start3A_378] : memref<80x125xi32, #tpu.memory_space<vmem>> -> memref<1x125xi32, #tpu.memory_space<vmem>>
      %dma_start3A_380 = tpu.memref_squeeze %dma_start3A_379 : memref<1x125xi32, #tpu.memory_space<vmem>> -> memref<125xi32, #tpu.memory_space<vmem>>
      %dma_start3A_381 = arith.constant 0 : i32
      %dma_start3A_382 = arith.constant 0 : i32
      %dma_start3A_383 = tpu.memref_slice %arg7[%arg0, %dma_start3A_381, %dma_start3A_382] : memref<2x10240x32xf32, #tpu.memory_space<hbm>> -> memref<1x10240x32xf32, #tpu.memory_space<hbm>>
      %dma_start3A_384 = tpu.memref_squeeze %dma_start3A_383 : memref<1x10240x32xf32, #tpu.memory_space<hbm>> -> memref<10240x32xf32, #tpu.memory_space<hbm>>
      %dma_start3A_385 = arith.constant 0 : i32
      %dma_start3A_386 = arith.constant 0 : i32
      %dma_start3A_387 = tpu.memref_slice %dma_start3A_384[%dma_start3A_385, %dma_start3A_386] : memref<10240x32xf32, #tpu.memory_space<hbm>> -> memref<10240x32xf32, #tpu.memory_space<hbm>>
      tpu.enqueue_indirect_dma source(%dma_start3A_387 : memref<10240x32xf32, #tpu.memory_space<hbm>>) target(%dma_start3A_377 : memref<125x32xf32, #tpu.memory_space<vmem>>) offsets(%dma_start3A_380 : memref<125xi32, #tpu.memory_space<vmem>>) semaphore(%arg15 : memref<!tpu.dma_semaphore, #tpu.memory_space<semaphore_mem>>)
      %dma_start3A_388 = arith.constant 1 : i32
      %dma_start3A_389 = arith.constant 1 : i32
      %dma_start3A_390 = arith.constant 0 : i32
      %dma_start3A_391 = arith.constant 0 : i32
      %dma_start3A_392 = tpu.memref_slice %arg10[%dma_start3A_389, %dma_start3A_390, %dma_start3A_391] : memref<5x125x32xf32, #tpu.memory_space<vmem>> -> memref<1x125x32xf32, #tpu.memory_space<vmem>>
      %dma_start3A_393 = tpu.memref_squeeze %dma_start3A_392 : memref<1x125x32xf32, #tpu.memory_space<vmem>> -> memref<125x32xf32, #tpu.memory_space<vmem>>
      %dma_start3A_394 = arith.constant 0 : i32
      %dma_start3A_395 = tpu.memref_slice %arg8[%dma_start3A_388, %dma_start3A_394] : memref<80x125xi32, #tpu.memory_space<vmem>> -> memref<1x125xi32, #tpu.memory_space<vmem>>
      %dma_start3A_396 = tpu.memref_squeeze %dma_start3A_395 : memref<1x125xi32, #tpu.memory_space<vmem>> -> memref<125xi32, #tpu.memory_space<vmem>>
      %dma_start3A_397 = arith.constant 0 : i32
      %dma_start3A_398 = arith.constant 0 : i32
      %dma_start3A_399 = tpu.memref_slice %arg7[%arg0, %dma_start3A_397, %dma_start3A_398] : memref<2x10240x32xf32, #tpu.memory_space<hbm>> -> memref<1x10240x32xf32, #tpu.memory_space<hbm>>
      %dma_start3A_400 = tpu.memref_squeeze %dma_start3A_399 : memref<1x10240x32xf32, #tpu.memory_space<hbm>> -> memref<10240x32xf32, #tpu.memory_space<hbm>>
      %dma_start3A_401 = arith.constant 0 : i32
      %dma_start3A_402 = arith.constant 0 : i32
      %dma_start3A_403 = tpu.memref_slice %dma_start3A_400[%dma_start3A_401, %dma_start3A_402] : memref<10240x32xf32, #tpu.memory_space<hbm>> -> memref<10240x32xf32, #tpu.memory_space<hbm>>
      tpu.enqueue_indirect_dma source(%dma_start3A_403 : memref<10240x32xf32, #tpu.memory_space<hbm>>) target(%dma_start3A_393 : memref<125x32xf32, #tpu.memory_space<vmem>>) offsets(%dma_start3A_396 : memref<125xi32, #tpu.memory_space<vmem>>) semaphore(%arg16 : memref<!tpu.dma_semaphore, #tpu.memory_space<semaphore_mem>>)
      %dma_start3A_404 = arith.constant 2 : i32
      %dma_start3A_405 = arith.constant 2 : i32
      %dma_start3A_406 = arith.constant 0 : i32
      %dma_start3A_407 = arith.constant 0 : i32
      %dma_start3A_408 = tpu.memref_slice %arg10[%dma_start3A_405, %dma_start3A_406, %dma_start3A_407] : memref<5x125x32xf32, #tpu.memory_space<vmem>> -> memref<1x125x32xf32, #tpu.memory_space<vmem>>
      %dma_start3A_409 = tpu.memref_squeeze %dma_start3A_408 : memref<1x125x32xf32, #tpu.memory_space<vmem>> -> memref<125x32xf32, #tpu.memory_space<vmem>>
      %dma_start3A_410 = arith.constant 0 : i32
      %dma_start3A_411 = tpu.memref_slice %arg8[%dma_start3A_404, %dma_start3A_410] : memref<80x125xi32, #tpu.memory_space<vmem>> -> memref<1x125xi32, #tpu.memory_space<vmem>>
      %dma_start3A_412 = tpu.memref_squeeze %dma_start3A_411 : memref<1x125xi32, #tpu.memory_space<vmem>> -> memref<125xi32, #tpu.memory_space<vmem>>
      %dma_start3A_413 = arith.constant 0 : i32
      %dma_start3A_414 = arith.constant 0 : i32
      %dma_start3A_415 = tpu.memref_slice %arg7[%arg0, %dma_start3A_413, %dma_start3A_414] : memref<2x10240x32xf32, #tpu.memory_space<hbm>> -> memref<1x10240x32xf32, #tpu.memory_space<hbm>>
      %dma_start3A_416 = tpu.memref_squeeze %dma_start3A_415 : memref<1x10240x32xf32, #tpu.memory_space<hbm>> -> memref<10240x32xf32, #tpu.memory_space<hbm>>
      %dma_start3A_417 = arith.constant 0 : i32
      %dma_start3A_418 = arith.constant 0 : i32
      %dma_start3A_419 = tpu.memref_slice %dma_start3A_416[%dma_start3A_417, %dma_start3A_418] : memref<10240x32xf32, #tpu.memory_space<hbm>> -> memref<10240x32xf32, #tpu.memory_space<hbm>>
      tpu.enqueue_indirect_dma source(%dma_start3A_419 : memref<10240x32xf32, #tpu.memory_space<hbm>>) target(%dma_start3A_409 : memref<125x32xf32, #tpu.memory_space<vmem>>) offsets(%dma_start3A_412 : memref<125xi32, #tpu.memory_space<vmem>>) semaphore(%arg17 : memref<!tpu.dma_semaphore, #tpu.memory_space<semaphore_mem>>)
      %dma_start3A_420 = arith.constant 3 : i32
      %dma_start3A_421 = arith.constant 3 : i32
      %dma_start3A_422 = arith.constant 0 : i32
      %dma_start3A_423 = arith.constant 0 : i32
      %dma_start3A_424 = tpu.memref_slice %arg10[%dma_start3A_421, %dma_start3A_422, %dma_start3A_423] : memref<5x125x32xf32, #tpu.memory_space<vmem>> -> memref<1x125x32xf32, #tpu.memory_space<vmem>>
      %dma_start3A_425 = tpu.memref_squeeze %dma_start3A_424 : memref<1x125x32xf32, #tpu.memory_space<vmem>> -> memref<125x32xf32, #tpu.memory_space<vmem>>
      %dma_start3A_426 = arith.constant 0 : i32
      %dma_start3A_427 = tpu.memref_slice %arg8[%dma_start3A_420, %dma_start3A_426] : memref<80x125xi32, #tpu.memory_space<vmem>> -> memref<1x125xi32, #tpu.memory_space<vmem>>
      %dma_start3A_428 = tpu.memref_squeeze %dma_start3A_427 : memref<1x125xi32, #tpu.memory_space<vmem>> -> memref<125xi32, #tpu.memory_space<vmem>>
      %dma_start3A_429 = arith.constant 0 : i32
      %dma_start3A_430 = arith.constant 0 : i32
      %dma_start3A_431 = tpu.memref_slice %arg7[%arg0, %dma_start3A_429, %dma_start3A_430] : memref<2x10240x32xf32, #tpu.memory_space<hbm>> -> memref<1x10240x32xf32, #tpu.memory_space<hbm>>
      %dma_start3A_432 = tpu.memref_squeeze %dma_start3A_431 : memref<1x10240x32xf32, #tpu.memory_space<hbm>> -> memref<10240x32xf32, #tpu.memory_space<hbm>>
      %dma_start3A_433 = arith.constant 0 : i32
      %dma_start3A_434 = arith.constant 0 : i32
      %dma_start3A_435 = tpu.memref_slice %dma_start3A_432[%dma_start3A_433, %dma_start3A_434] : memref<10240x32xf32, #tpu.memory_space<hbm>> -> memref<10240x32xf32, #tpu.memory_space<hbm>>
      tpu.enqueue_indirect_dma source(%dma_start3A_435 : memref<10240x32xf32, #tpu.memory_space<hbm>>) target(%dma_start3A_425 : memref<125x32xf32, #tpu.memory_space<vmem>>) offsets(%dma_start3A_428 : memref<125xi32, #tpu.memory_space<vmem>>) semaphore(%arg18 : memref<!tpu.dma_semaphore, #tpu.memory_space<semaphore_mem>>)
      %dma_wait3A_436 = arith.constant 0 : i32
      %dma_wait3A_437 = arith.constant 0 : i32
      %dma_wait3A_438 = arith.constant 0 : i32
      %dma_wait3A_439 = arith.constant 0 : i32
      %dma_wait3A_440 = tpu.memref_slice %arg10[%dma_wait3A_437, %dma_wait3A_438, %dma_wait3A_439] : memref<5x125x32xf32, #tpu.memory_space<vmem>> -> memref<1x125x32xf32, #tpu.memory_space<vmem>>
      %dma_wait3A_441 = tpu.memref_squeeze %dma_wait3A_440 : memref<1x125x32xf32, #tpu.memory_space<vmem>> -> memref<125x32xf32, #tpu.memory_space<vmem>>
      %dma_wait3A_442 = arith.constant 0 : i32
      %dma_wait3A_443 = tpu.memref_slice %arg8[%dma_wait3A_436, %dma_wait3A_442] : memref<80x125xi32, #tpu.memory_space<vmem>> -> memref<1x125xi32, #tpu.memory_space<vmem>>
      %dma_wait3A_444 = tpu.memref_squeeze %dma_wait3A_443 : memref<1x125xi32, #tpu.memory_space<vmem>> -> memref<125xi32, #tpu.memory_space<vmem>>
      %dma_wait3A_445 = arith.constant 0 : i32
      %dma_wait3A_446 = arith.constant 0 : i32
      %dma_wait3A_447 = tpu.memref_slice %arg7[%arg0, %dma_wait3A_445, %dma_wait3A_446] : memref<2x10240x32xf32, #tpu.memory_space<hbm>> -> memref<1x10240x32xf32, #tpu.memory_space<hbm>>
      %dma_wait3A_448 = tpu.memref_squeeze %dma_wait3A_447 : memref<1x10240x32xf32, #tpu.memory_space<hbm>> -> memref<10240x32xf32, #tpu.memory_space<hbm>>
      %dma_wait3A_449 = arith.constant 0 : i32
      %dma_wait3A_450 = arith.constant 0 : i32
      %dma_wait3A_451 = tpu.memref_slice %dma_wait3A_448[%dma_wait3A_449, %dma_wait3A_450] : memref<10240x32xf32, #tpu.memory_space<hbm>> -> memref<10240x32xf32, #tpu.memory_space<hbm>>
      tpu.wait_indirect_dma semaphore(%arg15 : memref<!tpu.dma_semaphore, #tpu.memory_space<semaphore_mem>>) src(%dma_wait3A_451 : memref<10240x32xf32, #tpu.memory_space<hbm>>) dst(%dma_wait3A_441 : memref<125x32xf32, #tpu.memory_space<vmem>>)
      %dma_start3A_452 = arith.constant 0 : i32
      %dma_start3A_453 = arith.constant 0 : i32
      %dma_start3A_454 = arith.constant 0 : i32
      %dma_start3A_455 = arith.constant 0 : i32
      %dma_start3A_456 = tpu.memref_slice %arg10[%dma_start3A_452, %dma_start3A_454, %dma_start3A_455] : memref<5x125x32xf32, #tpu.memory_space<vmem>> -> memref<1x125x32xf32, #tpu.memory_space<vmem>>
      %dma_start3A_457 = tpu.memref_squeeze %dma_start3A_456 : memref<1x125x32xf32, #tpu.memory_space<vmem>> -> memref<125x32xf32, #tpu.memory_space<vmem>>
      %dma_start3A_458 = arith.constant 0 : i32
      %dma_start3A_459 = tpu.memref_slice %arg9[%dma_start3A_453, %dma_start3A_458] : memref<80x125xi32, #tpu.memory_space<vmem>> -> memref<1x125xi32, #tpu.memory_space<vmem>>
      %dma_start3A_460 = tpu.memref_squeeze %dma_start3A_459 : memref<1x125xi32, #tpu.memory_space<vmem>> -> memref<125xi32, #tpu.memory_space<vmem>>
      %dma_start3A_461 = arith.constant 0 : i32
      %dma_start3A_462 = arith.constant 0 : i32
      %dma_start3A_463 = tpu.memref_slice %arg14[%dma_start3A_461, %dma_start3A_462] : memref<10240x32xf32, #tpu.memory_space<vmem_shared>> -> memref<10240x32xf32, #tpu.memory_space<vmem_shared>>
      tpu.enqueue_indirect_dma source(%dma_start3A_457 : memref<125x32xf32, #tpu.memory_space<vmem>>) target(%dma_start3A_463 : memref<10240x32xf32, #tpu.memory_space<vmem_shared>>) offsets(%dma_start3A_460 : memref<125xi32, #tpu.memory_space<vmem>>) semaphore(%arg20 : memref<!tpu.dma_semaphore, #tpu.memory_space<semaphore_mem>>) {add = true}
      %dma_start3A_464 = arith.constant 4 : i32
      %dma_start3A_465 = arith.constant 4 : i32
      %dma_start3A_466 = arith.constant 0 : i32
      %dma_start3A_467 = arith.constant 0 : i32
      %dma_start3A_468 = tpu.memref_slice %arg10[%dma_start3A_465, %dma_start3A_466, %dma_start3A_467] : memref<5x125x32xf32, #tpu.memory_space<vmem>> -> memref<1x125x32xf32, #tpu.memory_space<vmem>>
      %dma_start3A_469 = tpu.memref_squeeze %dma_start3A_468 : memref<1x125x32xf32, #tpu.memory_space<vmem>> -> memref<125x32xf32, #tpu.memory_space<vmem>>
      %dma_start3A_470 = arith.constant 0 : i32
      %dma_start3A_471 = tpu.memref_slice %arg8[%dma_start3A_464, %dma_start3A_470] : memref<80x125xi32, #tpu.memory_space<vmem>> -> memref<1x125xi32, #tpu.memory_space<vmem>>
      %dma_start3A_472 = tpu.memref_squeeze %dma_start3A_471 : memref<1x125xi32, #tpu.memory_space<vmem>> -> memref<125xi32, #tpu.memory_space<vmem>>
      %dma_start3A_473 = arith.constant 0 : i32
      %dma_start3A_474 = arith.constant 0 : i32
      %dma_start3A_475 = tpu.memref_slice %arg7[%arg0, %dma_start3A_473, %dma_start3A_474] : memref<2x10240x32xf32, #tpu.memory_space<hbm>> -> memref<1x10240x32xf32, #tpu.memory_space<hbm>>
      %dma_start3A_476 = tpu.memref_squeeze %dma_start3A_475 : memref<1x10240x32xf32, #tpu.memory_space<hbm>> -> memref<10240x32xf32, #tpu.memory_space<hbm>>
      %dma_start3A_477 = arith.constant 0 : i32
      %dma_start3A_478 = arith.constant 0 : i32
      %dma_start3A_479 = tpu.memref_slice %dma_start3A_476[%dma_start3A_477, %dma_start3A_478] : memref<10240x32xf32, #tpu.memory_space<hbm>> -> memref<10240x32xf32, #tpu.memory_space<hbm>>
      tpu.enqueue_indirect_dma source(%dma_start3A_479 : memref<10240x32xf32, #tpu.memory_space<hbm>>) target(%dma_start3A_469 : memref<125x32xf32, #tpu.memory_space<vmem>>) offsets(%dma_start3A_472 : memref<125xi32, #tpu.memory_space<vmem>>) semaphore(%arg19 : memref<!tpu.dma_semaphore, #tpu.memory_space<semaphore_mem>>)
      %dma_wait3A_480 = arith.constant 1 : i32
      %dma_wait3A_481 = arith.constant 1 : i32
      %dma_wait3A_482 = arith.constant 0 : i32
      %dma_wait3A_483 = arith.constant 0 : i32
      %dma_wait3A_484 = tpu.memref_slice %arg10[%dma_wait3A_481, %dma_wait3A_482, %dma_wait3A_483] : memref<5x125x32xf32, #tpu.memory_space<vmem>> -> memref<1x125x32xf32, #tpu.memory_space<vmem>>
      %dma_wait3A_485 = tpu.memref_squeeze %dma_wait3A_484 : memref<1x125x32xf32, #tpu.memory_space<vmem>> -> memref<125x32xf32, #tpu.memory_space<vmem>>
      %dma_wait3A_486 = arith.constant 0 : i32
      %dma_wait3A_487 = tpu.memref_slice %arg8[%dma_wait3A_480, %dma_wait3A_486] : memref<80x125xi32, #tpu.memory_space<vmem>> -> memref<1x125xi32, #tpu.memory_space<vmem>>
      %dma_wait3A_488 = tpu.memref_squeeze %dma_wait3A_487 : memref<1x125xi32, #tpu.memory_space<vmem>> -> memref<125xi32, #tpu.memory_space<vmem>>
      %dma_wait3A_489 = arith.constant 0 : i32
      %dma_wait3A_490 = arith.constant 0 : i32
      %dma_wait3A_491 = tpu.memref_slice %arg7[%arg0, %dma_wait3A_489, %dma_wait3A_490] : memref<2x10240x32xf32, #tpu.memory_space<hbm>> -> memref<1x10240x32xf32, #tpu.memory_space<hbm>>
      %dma_wait3A_492 = tpu.memref_squeeze %dma_wait3A_491 : memref<1x10240x32xf32, #tpu.memory_space<hbm>> -> memref<10240x32xf32, #tpu.memory_space<hbm>>
      %dma_wait3A_493 = arith.constant 0 : i32
      %dma_wait3A_494 = arith.constant 0 : i32
      %dma_wait3A_495 = tpu.memref_slice %dma_wait3A_492[%dma_wait3A_493, %dma_wait3A_494] : memref<10240x32xf32, #tpu.memory_space<hbm>> -> memref<10240x32xf32, #tpu.memory_space<hbm>>
      tpu.wait_indirect_dma semaphore(%arg16 : memref<!tpu.dma_semaphore, #tpu.memory_space<semaphore_mem>>) src(%dma_wait3A_495 : memref<10240x32xf32, #tpu.memory_space<hbm>>) dst(%dma_wait3A_485 : memref<125x32xf32, #tpu.memory_space<vmem>>)
      %dma_start3A_496 = arith.constant 1 : i32
      %dma_start3A_497 = arith.constant 1 : i32
      %dma_start3A_498 = arith.constant 0 : i32
      %dma_start3A_499 = arith.constant 0 : i32
      %dma_start3A_500 = tpu.memref_slice %arg10[%dma_start3A_496, %dma_start3A_498, %dma_start3A_499] : memref<5x125x32xf32, #tpu.memory_space<vmem>> -> memref<1x125x32xf32, #tpu.memory_space<vmem>>
      %dma_start3A_501 = tpu.memref_squeeze %dma_start3A_500 : memref<1x125x32xf32, #tpu.memory_space<vmem>> -> memref<125x32xf32, #tpu.memory_space<vmem>>
      %dma_start3A_502 = arith.constant 0 : i32
      %dma_start3A_503 = tpu.memref_slice %arg9[%dma_start3A_497, %dma_start3A_502] : memref<80x125xi32, #tpu.memory_space<vmem>> -> memref<1x125xi32, #tpu.memory_space<vmem>>
      %dma_start3A_504 = tpu.memref_squeeze %dma_start3A_503 : memref<1x125xi32, #tpu.memory_space<vmem>> -> memref<125xi32, #tpu.memory_space<vmem>>
      %dma_start3A_505 = arith.constant 0 : i32
      %dma_start3A_506 = arith.constant 0 : i32
      %dma_start3A_507 = tpu.memref_slice %arg14[%dma_start3A_505, %dma_start3A_506] : memref<10240x32xf32, #tpu.memory_space<vmem_shared>> -> memref<10240x32xf32, #tpu.memory_space<vmem_shared>>
      tpu.enqueue_indirect_dma source(%dma_start3A_501 : memref<125x32xf32, #tpu.memory_space<vmem>>) target(%dma_start3A_507 : memref<10240x32xf32, #tpu.memory_space<vmem_shared>>) offsets(%dma_start3A_504 : memref<125xi32, #tpu.memory_space<vmem>>) semaphore(%arg21 : memref<!tpu.dma_semaphore, #tpu.memory_space<semaphore_mem>>) {add = true}
      %scan3A_508 = arith.constant 0 : i32
      %scan3A_509 = arith.constant 0 : i32
      %scan3A_510 = arith.constant 15 : i32
      %scan3A_511 = arith.addi %scan3A_509, %scan3A_510 : i32
      %scan3A_512 = arith.constant 1 : i32
      %scan3A_513 = scf.for %scan3A_669 = %scan3A_509 to %scan3A_511 step %scan3A_512 iter_args(%scan3A_670 = %scan3A_508) -> (i32)  : i32 {
        %mul3A_671 = arith.constant 5 : i32
        %mul3A_672 = arith.muli %scan3A_669, %mul3A_671 : i32
        %add3A = arith.constant 2 : i32
        %add3A_673 = arith.addi %add3A, %mul3A_672 : i32
        %add3A_674 = arith.constant 0 : i32
        %add3A_675 = arith.addi %add3A_673, %add3A_674 : i32
        %sub3A = arith.constant 2 : i32
        %sub3A_676 = arith.subi %add3A_675, %sub3A : i32
        %dma_wait3A_677 = arith.constant 0 : i32
        %dma_wait3A_678 = arith.constant 0 : i32
        %dma_wait3A_679 = arith.constant 0 : i32
        %dma_wait3A_680 = tpu.memref_slice %arg10[%dma_wait3A_677, %dma_wait3A_678, %dma_wait3A_679] : memref<5x125x32xf32, #tpu.memory_space<vmem>> -> memref<1x125x32xf32, #tpu.memory_space<vmem>>
        %dma_wait3A_681 = tpu.memref_squeeze %dma_wait3A_680 : memref<1x125x32xf32, #tpu.memory_space<vmem>> -> memref<125x32xf32, #tpu.memory_space<vmem>>
        %dma_wait3A_682 = arith.constant 0 : i32
        %dma_wait3A_683 = tpu.memref_slice %arg9[%sub3A_676, %dma_wait3A_682] : memref<80x125xi32, #tpu.memory_space<vmem>> -> memref<1x125xi32, #tpu.memory_space<vmem>>
        %dma_wait3A_684 = tpu.memref_squeeze %dma_wait3A_683 : memref<1x125xi32, #tpu.memory_space<vmem>> -> memref<125xi32, #tpu.memory_space<vmem>>
        %dma_wait3A_685 = arith.constant 0 : i32
        %dma_wait3A_686 = arith.constant 0 : i32
        %dma_wait3A_687 = tpu.memref_slice %arg14[%dma_wait3A_685, %dma_wait3A_686] : memref<10240x32xf32, #tpu.memory_space<vmem_shared>> -> memref<10240x32xf32, #tpu.memory_space<vmem_shared>>
        tpu.wait_indirect_dma semaphore(%arg20 : memref<!tpu.dma_semaphore, #tpu.memory_space<semaphore_mem>>) src(%dma_wait3A_681 : memref<125x32xf32, #tpu.memory_space<vmem>>) dst(%dma_wait3A_687 : memref<10240x32xf32, #tpu.memory_space<vmem_shared>>)
        %add3A_688 = arith.constant 3 : i32
        %add3A_689 = arith.addi %add3A_675, %add3A_688 : i32
        %dma_start3A_690 = arith.constant 0 : i32
        %dma_start3A_691 = arith.constant 0 : i32
        %dma_start3A_692 = arith.constant 0 : i32
        %dma_start3A_693 = tpu.memref_slice %arg10[%dma_start3A_690, %dma_start3A_691, %dma_start3A_692] : memref<5x125x32xf32, #tpu.memory_space<vmem>> -> memref<1x125x32xf32, #tpu.memory_space<vmem>>
        %dma_start3A_694 = tpu.memref_squeeze %dma_start3A_693 : memref<1x125x32xf32, #tpu.memory_space<vmem>> -> memref<125x32xf32, #tpu.memory_space<vmem>>
        %dma_start3A_695 = arith.constant 0 : i32
        %dma_start3A_696 = tpu.memref_slice %arg8[%add3A_689, %dma_start3A_695] : memref<80x125xi32, #tpu.memory_space<vmem>> -> memref<1x125xi32, #tpu.memory_space<vmem>>
        %dma_start3A_697 = tpu.memref_squeeze %dma_start3A_696 : memref<1x125xi32, #tpu.memory_space<vmem>> -> memref<125xi32, #tpu.memory_space<vmem>>
        %dma_start3A_698 = arith.constant 0 : i32
        %dma_start3A_699 = arith.constant 0 : i32
        %dma_start3A_700 = tpu.memref_slice %arg7[%arg0, %dma_start3A_698, %dma_start3A_699] : memref<2x10240x32xf32, #tpu.memory_space<hbm>> -> memref<1x10240x32xf32, #tpu.memory_space<hbm>>
        %dma_start3A_701 = tpu.memref_squeeze %dma_start3A_700 : memref<1x10240x32xf32, #tpu.memory_space<hbm>> -> memref<10240x32xf32, #tpu.memory_space<hbm>>
        %dma_start3A_702 = arith.constant 0 : i32
        %dma_start3A_703 = arith.constant 0 : i32
        %dma_start3A_704 = tpu.memref_slice %dma_start3A_701[%dma_start3A_702, %dma_start3A_703] : memref<10240x32xf32, #tpu.memory_space<hbm>> -> memref<10240x32xf32, #tpu.memory_space<hbm>>
        tpu.enqueue_indirect_dma source(%dma_start3A_704 : memref<10240x32xf32, #tpu.memory_space<hbm>>) target(%dma_start3A_694 : memref<125x32xf32, #tpu.memory_space<vmem>>) offsets(%dma_start3A_697 : memref<125xi32, #tpu.memory_space<vmem>>) semaphore(%arg15 : memref<!tpu.dma_semaphore, #tpu.memory_space<semaphore_mem>>)
        %dma_wait3A_705 = arith.constant 2 : i32
        %dma_wait3A_706 = arith.constant 0 : i32
        %dma_wait3A_707 = arith.constant 0 : i32
        %dma_wait3A_708 = tpu.memref_slice %arg10[%dma_wait3A_705, %dma_wait3A_706, %dma_wait3A_707] : memref<5x125x32xf32, #tpu.memory_space<vmem>> -> memref<1x125x32xf32, #tpu.memory_space<vmem>>
        %dma_wait3A_709 = tpu.memref_squeeze %dma_wait3A_708 : memref<1x125x32xf32, #tpu.memory_space<vmem>> -> memref<125x32xf32, #tpu.memory_space<vmem>>
        %dma_wait3A_710 = arith.constant 0 : i32
        %dma_wait3A_711 = tpu.memref_slice %arg8[%add3A_675, %dma_wait3A_710] : memref<80x125xi32, #tpu.memory_space<vmem>> -> memref<1x125xi32, #tpu.memory_space<vmem>>
        %dma_wait3A_712 = tpu.memref_squeeze %dma_wait3A_711 : memref<1x125xi32, #tpu.memory_space<vmem>> -> memref<125xi32, #tpu.memory_space<vmem>>
        %dma_wait3A_713 = arith.constant 0 : i32
        %dma_wait3A_714 = arith.constant 0 : i32
        %dma_wait3A_715 = tpu.memref_slice %arg7[%arg0, %dma_wait3A_713, %dma_wait3A_714] : memref<2x10240x32xf32, #tpu.memory_space<hbm>> -> memref<1x10240x32xf32, #tpu.memory_space<hbm>>
        %dma_wait3A_716 = tpu.memref_squeeze %dma_wait3A_715 : memref<1x10240x32xf32, #tpu.memory_space<hbm>> -> memref<10240x32xf32, #tpu.memory_space<hbm>>
        %dma_wait3A_717 = arith.constant 0 : i32
        %dma_wait3A_718 = arith.constant 0 : i32
        %dma_wait3A_719 = tpu.memref_slice %dma_wait3A_716[%dma_wait3A_717, %dma_wait3A_718] : memref<10240x32xf32, #tpu.memory_space<hbm>> -> memref<10240x32xf32, #tpu.memory_space<hbm>>
        tpu.wait_indirect_dma semaphore(%arg17 : memref<!tpu.dma_semaphore, #tpu.memory_space<semaphore_mem>>) src(%dma_wait3A_719 : memref<10240x32xf32, #tpu.memory_space<hbm>>) dst(%dma_wait3A_709 : memref<125x32xf32, #tpu.memory_space<vmem>>)
        %dma_start3A_720 = arith.constant 2 : i32
        %dma_start3A_721 = arith.constant 0 : i32
        %dma_start3A_722 = arith.constant 0 : i32
        %dma_start3A_723 = tpu.memref_slice %arg10[%dma_start3A_720, %dma_start3A_721, %dma_start3A_722] : memref<5x125x32xf32, #tpu.memory_space<vmem>> -> memref<1x125x32xf32, #tpu.memory_space<vmem>>
        %dma_start3A_724 = tpu.memref_squeeze %dma_start3A_723 : memref<1x125x32xf32, #tpu.memory_space<vmem>> -> memref<125x32xf32, #tpu.memory_space<vmem>>
        %dma_start3A_725 = arith.constant 0 : i32
        %dma_start3A_726 = tpu.memref_slice %arg9[%add3A_675, %dma_start3A_725] : memref<80x125xi32, #tpu.memory_space<vmem>> -> memref<1x125xi32, #tpu.memory_space<vmem>>
        %dma_start3A_727 = tpu.memref_squeeze %dma_start3A_726 : memref<1x125xi32, #tpu.memory_space<vmem>> -> memref<125xi32, #tpu.memory_space<vmem>>
        %dma_start3A_728 = arith.constant 0 : i32
        %dma_start3A_729 = arith.constant 0 : i32
        %dma_start3A_730 = tpu.memref_slice %arg14[%dma_start3A_728, %dma_start3A_729] : memref<10240x32xf32, #tpu.memory_space<vmem_shared>> -> memref<10240x32xf32, #tpu.memory_space<vmem_shared>>
        tpu.enqueue_indirect_dma source(%dma_start3A_724 : memref<125x32xf32, #tpu.memory_space<vmem>>) target(%dma_start3A_730 : memref<10240x32xf32, #tpu.memory_space<vmem_shared>>) offsets(%dma_start3A_727 : memref<125xi32, #tpu.memory_space<vmem>>) semaphore(%arg22 : memref<!tpu.dma_semaphore, #tpu.memory_space<semaphore_mem>>) {add = true}
        %mul3A_731 = arith.constant 5 : i32
        %mul3A_732 = arith.muli %scan3A_669, %mul3A_731 : i32
        %add3A_733 = arith.constant 2 : i32
        %add3A_734 = arith.addi %add3A_733, %mul3A_732 : i32
        %add3A_735 = arith.constant 1 : i32
        %add3A_736 = arith.addi %add3A_734, %add3A_735 : i32
        %sub3A_737 = arith.constant 2 : i32
        %sub3A_738 = arith.subi %add3A_736, %sub3A_737 : i32
        %dma_wait3A_739 = arith.constant 1 : i32
        %dma_wait3A_740 = arith.constant 0 : i32
        %dma_wait3A_741 = arith.constant 0 : i32
        %dma_wait3A_742 = tpu.memref_slice %arg10[%dma_wait3A_739, %dma_wait3A_740, %dma_wait3A_741] : memref<5x125x32xf32, #tpu.memory_space<vmem>> -> memref<1x125x32xf32, #tpu.memory_space<vmem>>
        %dma_wait3A_743 = tpu.memref_squeeze %dma_wait3A_742 : memref<1x125x32xf32, #tpu.memory_space<vmem>> -> memref<125x32xf32, #tpu.memory_space<vmem>>
        %dma_wait3A_744 = arith.constant 0 : i32
        %dma_wait3A_745 = tpu.memref_slice %arg9[%sub3A_738, %dma_wait3A_744] : memref<80x125xi32, #tpu.memory_space<vmem>> -> memref<1x125xi32, #tpu.memory_space<vmem>>
        %dma_wait3A_746 = tpu.memref_squeeze %dma_wait3A_745 : memref<1x125xi32, #tpu.memory_space<vmem>> -> memref<125xi32, #tpu.memory_space<vmem>>
        %dma_wait3A_747 = arith.constant 0 : i32
        %dma_wait3A_748 = arith.constant 0 : i32
        %dma_wait3A_749 = tpu.memref_slice %arg14[%dma_wait3A_747, %dma_wait3A_748] : memref<10240x32xf32, #tpu.memory_space<vmem_shared>> -> memref<10240x32xf32, #tpu.memory_space<vmem_shared>>
        tpu.wait_indirect_dma semaphore(%arg21 : memref<!tpu.dma_semaphore, #tpu.memory_space<semaphore_mem>>) src(%dma_wait3A_743 : memref<125x32xf32, #tpu.memory_space<vmem>>) dst(%dma_wait3A_749 : memref<10240x32xf32, #tpu.memory_space<vmem_shared>>)
        %add3A_750 = arith.constant 3 : i32
        %add3A_751 = arith.addi %add3A_736, %add3A_750 : i32
        %dma_start3A_752 = arith.constant 1 : i32
        %dma_start3A_753 = arith.constant 0 : i32
        %dma_start3A_754 = arith.constant 0 : i32
        %dma_start3A_755 = tpu.memref_slice %arg10[%dma_start3A_752, %dma_start3A_753, %dma_start3A_754] : memref<5x125x32xf32, #tpu.memory_space<vmem>> -> memref<1x125x32xf32, #tpu.memory_space<vmem>>
        %dma_start3A_756 = tpu.memref_squeeze %dma_start3A_755 : memref<1x125x32xf32, #tpu.memory_space<vmem>> -> memref<125x32xf32, #tpu.memory_space<vmem>>
        %dma_start3A_757 = arith.constant 0 : i32
        %dma_start3A_758 = tpu.memref_slice %arg8[%add3A_751, %dma_start3A_757] : memref<80x125xi32, #tpu.memory_space<vmem>> -> memref<1x125xi32, #tpu.memory_space<vmem>>
        %dma_start3A_759 = tpu.memref_squeeze %dma_start3A_758 : memref<1x125xi32, #tpu.memory_space<vmem>> -> memref<125xi32, #tpu.memory_space<vmem>>
        %dma_start3A_760 = arith.constant 0 : i32
        %dma_start3A_761 = arith.constant 0 : i32
        %dma_start3A_762 = tpu.memref_slice %arg7[%arg0, %dma_start3A_760, %dma_start3A_761] : memref<2x10240x32xf32, #tpu.memory_space<hbm>> -> memref<1x10240x32xf32, #tpu.memory_space<hbm>>
        %dma_start3A_763 = tpu.memref_squeeze %dma_start3A_762 : memref<1x10240x32xf32, #tpu.memory_space<hbm>> -> memref<10240x32xf32, #tpu.memory_space<hbm>>
        %dma_start3A_764 = arith.constant 0 : i32
        %dma_start3A_765 = arith.constant 0 : i32
        %dma_start3A_766 = tpu.memref_slice %dma_start3A_763[%dma_start3A_764, %dma_start3A_765] : memref<10240x32xf32, #tpu.memory_space<hbm>> -> memref<10240x32xf32, #tpu.memory_space<hbm>>
        tpu.enqueue_indirect_dma source(%dma_start3A_766 : memref<10240x32xf32, #tpu.memory_space<hbm>>) target(%dma_start3A_756 : memref<125x32xf32, #tpu.memory_space<vmem>>) offsets(%dma_start3A_759 : memref<125xi32, #tpu.memory_space<vmem>>) semaphore(%arg16 : memref<!tpu.dma_semaphore, #tpu.memory_space<semaphore_mem>>)
        %dma_wait3A_767 = arith.constant 3 : i32
        %dma_wait3A_768 = arith.constant 0 : i32
        %dma_wait3A_769 = arith.constant 0 : i32
        %dma_wait3A_770 = tpu.memref_slice %arg10[%dma_wait3A_767, %dma_wait3A_768, %dma_wait3A_769] : memref<5x125x32xf32, #tpu.memory_space<vmem>> -> memref<1x125x32xf32, #tpu.memory_space<vmem>>
        %dma_wait3A_771 = tpu.memref_squeeze %dma_wait3A_770 : memref<1x125x32xf32, #tpu.memory_space<vmem>> -> memref<125x32xf32, #tpu.memory_space<vmem>>
        %dma_wait3A_772 = arith.constant 0 : i32
        %dma_wait3A_773 = tpu.memref_slice %arg8[%add3A_736, %dma_wait3A_772] : memref<80x125xi32, #tpu.memory_space<vmem>> -> memref<1x125xi32, #tpu.memory_space<vmem>>
        %dma_wait3A_774 = tpu.memref_squeeze %dma_wait3A_773 : memref<1x125xi32, #tpu.memory_space<vmem>> -> memref<125xi32, #tpu.memory_space<vmem>>
        %dma_wait3A_775 = arith.constant 0 : i32
        %dma_wait3A_776 = arith.constant 0 : i32
        %dma_wait3A_777 = tpu.memref_slice %arg7[%arg0, %dma_wait3A_775, %dma_wait3A_776] : memref<2x10240x32xf32, #tpu.memory_space<hbm>> -> memref<1x10240x32xf32, #tpu.memory_space<hbm>>
        %dma_wait3A_778 = tpu.memref_squeeze %dma_wait3A_777 : memref<1x10240x32xf32, #tpu.memory_space<hbm>> -> memref<10240x32xf32, #tpu.memory_space<hbm>>
        %dma_wait3A_779 = arith.constant 0 : i32
        %dma_wait3A_780 = arith.constant 0 : i32
        %dma_wait3A_781 = tpu.memref_slice %dma_wait3A_778[%dma_wait3A_779, %dma_wait3A_780] : memref<10240x32xf32, #tpu.memory_space<hbm>> -> memref<10240x32xf32, #tpu.memory_space<hbm>>
        tpu.wait_indirect_dma semaphore(%arg18 : memref<!tpu.dma_semaphore, #tpu.memory_space<semaphore_mem>>) src(%dma_wait3A_781 : memref<10240x32xf32, #tpu.memory_space<hbm>>) dst(%dma_wait3A_771 : memref<125x32xf32, #tpu.memory_space<vmem>>)
        %dma_start3A_782 = arith.constant 3 : i32
        %dma_start3A_783 = arith.constant 0 : i32
        %dma_start3A_784 = arith.constant 0 : i32
        %dma_start3A_785 = tpu.memref_slice %arg10[%dma_start3A_782, %dma_start3A_783, %dma_start3A_784] : memref<5x125x32xf32, #tpu.memory_space<vmem>> -> memref<1x125x32xf32, #tpu.memory_space<vmem>>
        %dma_start3A_786 = tpu.memref_squeeze %dma_start3A_785 : memref<1x125x32xf32, #tpu.memory_space<vmem>> -> memref<125x32xf32, #tpu.memory_space<vmem>>
        %dma_start3A_787 = arith.constant 0 : i32
        %dma_start3A_788 = tpu.memref_slice %arg9[%add3A_736, %dma_start3A_787] : memref<80x125xi32, #tpu.memory_space<vmem>> -> memref<1x125xi32, #tpu.memory_space<vmem>>
        %dma_start3A_789 = tpu.memref_squeeze %dma_start3A_788 : memref<1x125xi32, #tpu.memory_space<vmem>> -> memref<125xi32, #tpu.memory_space<vmem>>
        %dma_start3A_790 = arith.constant 0 : i32
        %dma_start3A_791 = arith.constant 0 : i32
        %dma_start3A_792 = tpu.memref_slice %arg14[%dma_start3A_790, %dma_start3A_791] : memref<10240x32xf32, #tpu.memory_space<vmem_shared>> -> memref<10240x32xf32, #tpu.memory_space<vmem_shared>>
        tpu.enqueue_indirect_dma source(%dma_start3A_786 : memref<125x32xf32, #tpu.memory_space<vmem>>) target(%dma_start3A_792 : memref<10240x32xf32, #tpu.memory_space<vmem_shared>>) offsets(%dma_start3A_789 : memref<125xi32, #tpu.memory_space<vmem>>) semaphore(%arg23 : memref<!tpu.dma_semaphore, #tpu.memory_space<semaphore_mem>>) {add = true}
        %mul3A_793 = arith.constant 5 : i32
        %mul3A_794 = arith.muli %scan3A_669, %mul3A_793 : i32
        %add3A_795 = arith.constant 2 : i32
        %add3A_796 = arith.addi %add3A_795, %mul3A_794 : i32
        %add3A_797 = arith.constant 2 : i32
        %add3A_798 = arith.addi %add3A_796, %add3A_797 : i32
        %sub3A_799 = arith.constant 2 : i32
        %sub3A_800 = arith.subi %add3A_798, %sub3A_799 : i32
        %dma_wait3A_801 = arith.constant 2 : i32
        %dma_wait3A_802 = arith.constant 0 : i32
        %dma_wait3A_803 = arith.constant 0 : i32
        %dma_wait3A_804 = tpu.memref_slice %arg10[%dma_wait3A_801, %dma_wait3A_802, %dma_wait3A_803] : memref<5x125x32xf32, #tpu.memory_space<vmem>> -> memref<1x125x32xf32, #tpu.memory_space<vmem>>
        %dma_wait3A_805 = tpu.memref_squeeze %dma_wait3A_804 : memref<1x125x32xf32, #tpu.memory_space<vmem>> -> memref<125x32xf32, #tpu.memory_space<vmem>>
        %dma_wait3A_806 = arith.constant 0 : i32
        %dma_wait3A_807 = tpu.memref_slice %arg9[%sub3A_800, %dma_wait3A_806] : memref<80x125xi32, #tpu.memory_space<vmem>> -> memref<1x125xi32, #tpu.memory_space<vmem>>
        %dma_wait3A_808 = tpu.memref_squeeze %dma_wait3A_807 : memref<1x125xi32, #tpu.memory_space<vmem>> -> memref<125xi32, #tpu.memory_space<vmem>>
        %dma_wait3A_809 = arith.constant 0 : i32
        %dma_wait3A_810 = arith.constant 0 : i32
        %dma_wait3A_811 = tpu.memref_slice %arg14[%dma_wait3A_809, %dma_wait3A_810] : memref<10240x32xf32, #tpu.memory_space<vmem_shared>> -> memref<10240x32xf32, #tpu.memory_space<vmem_shared>>
        tpu.wait_indirect_dma semaphore(%arg22 : memref<!tpu.dma_semaphore, #tpu.memory_space<semaphore_mem>>) src(%dma_wait3A_805 : memref<125x32xf32, #tpu.memory_space<vmem>>) dst(%dma_wait3A_811 : memref<10240x32xf32, #tpu.memory_space<vmem_shared>>)
        %add3A_812 = arith.constant 3 : i32
        %add3A_813 = arith.addi %add3A_798, %add3A_812 : i32
        %dma_start3A_814 = arith.constant 2 : i32
        %dma_start3A_815 = arith.constant 0 : i32
        %dma_start3A_816 = arith.constant 0 : i32
        %dma_start3A_817 = tpu.memref_slice %arg10[%dma_start3A_814, %dma_start3A_815, %dma_start3A_816] : memref<5x125x32xf32, #tpu.memory_space<vmem>> -> memref<1x125x32xf32, #tpu.memory_space<vmem>>
        %dma_start3A_818 = tpu.memref_squeeze %dma_start3A_817 : memref<1x125x32xf32, #tpu.memory_space<vmem>> -> memref<125x32xf32, #tpu.memory_space<vmem>>
        %dma_start3A_819 = arith.constant 0 : i32
        %dma_start3A_820 = tpu.memref_slice %arg8[%add3A_813, %dma_start3A_819] : memref<80x125xi32, #tpu.memory_space<vmem>> -> memref<1x125xi32, #tpu.memory_space<vmem>>
        %dma_start3A_821 = tpu.memref_squeeze %dma_start3A_820 : memref<1x125xi32, #tpu.memory_space<vmem>> -> memref<125xi32, #tpu.memory_space<vmem>>
        %dma_start3A_822 = arith.constant 0 : i32
        %dma_start3A_823 = arith.constant 0 : i32
        %dma_start3A_824 = tpu.memref_slice %arg7[%arg0, %dma_start3A_822, %dma_start3A_823] : memref<2x10240x32xf32, #tpu.memory_space<hbm>> -> memref<1x10240x32xf32, #tpu.memory_space<hbm>>
        %dma_start3A_825 = tpu.memref_squeeze %dma_start3A_824 : memref<1x10240x32xf32, #tpu.memory_space<hbm>> -> memref<10240x32xf32, #tpu.memory_space<hbm>>
        %dma_start3A_826 = arith.constant 0 : i32
        %dma_start3A_827 = arith.constant 0 : i32
        %dma_start3A_828 = tpu.memref_slice %dma_start3A_825[%dma_start3A_826, %dma_start3A_827] : memref<10240x32xf32, #tpu.memory_space<hbm>> -> memref<10240x32xf32, #tpu.memory_space<hbm>>
        tpu.enqueue_indirect_dma source(%dma_start3A_828 : memref<10240x32xf32, #tpu.memory_space<hbm>>) target(%dma_start3A_818 : memref<125x32xf32, #tpu.memory_space<vmem>>) offsets(%dma_start3A_821 : memref<125xi32, #tpu.memory_space<vmem>>) semaphore(%arg17 : memref<!tpu.dma_semaphore, #tpu.memory_space<semaphore_mem>>)
        %dma_wait3A_829 = arith.constant 4 : i32
        %dma_wait3A_830 = arith.constant 0 : i32
        %dma_wait3A_831 = arith.constant 0 : i32
        %dma_wait3A_832 = tpu.memref_slice %arg10[%dma_wait3A_829, %dma_wait3A_830, %dma_wait3A_831] : memref<5x125x32xf32, #tpu.memory_space<vmem>> -> memref<1x125x32xf32, #tpu.memory_space<vmem>>
        %dma_wait3A_833 = tpu.memref_squeeze %dma_wait3A_832 : memref<1x125x32xf32, #tpu.memory_space<vmem>> -> memref<125x32xf32, #tpu.memory_space<vmem>>
        %dma_wait3A_834 = arith.constant 0 : i32
        %dma_wait3A_835 = tpu.memref_slice %arg8[%add3A_798, %dma_wait3A_834] : memref<80x125xi32, #tpu.memory_space<vmem>> -> memref<1x125xi32, #tpu.memory_space<vmem>>
        %dma_wait3A_836 = tpu.memref_squeeze %dma_wait3A_835 : memref<1x125xi32, #tpu.memory_space<vmem>> -> memref<125xi32, #tpu.memory_space<vmem>>
        %dma_wait3A_837 = arith.constant 0 : i32
        %dma_wait3A_838 = arith.constant 0 : i32
        %dma_wait3A_839 = tpu.memref_slice %arg7[%arg0, %dma_wait3A_837, %dma_wait3A_838] : memref<2x10240x32xf32, #tpu.memory_space<hbm>> -> memref<1x10240x32xf32, #tpu.memory_space<hbm>>
        %dma_wait3A_840 = tpu.memref_squeeze %dma_wait3A_839 : memref<1x10240x32xf32, #tpu.memory_space<hbm>> -> memref<10240x32xf32, #tpu.memory_space<hbm>>
        %dma_wait3A_841 = arith.constant 0 : i32
        %dma_wait3A_842 = arith.constant 0 : i32
        %dma_wait3A_843 = tpu.memref_slice %dma_wait3A_840[%dma_wait3A_841, %dma_wait3A_842] : memref<10240x32xf32, #tpu.memory_space<hbm>> -> memref<10240x32xf32, #tpu.memory_space<hbm>>
        tpu.wait_indirect_dma semaphore(%arg19 : memref<!tpu.dma_semaphore, #tpu.memory_space<semaphore_mem>>) src(%dma_wait3A_843 : memref<10240x32xf32, #tpu.memory_space<hbm>>) dst(%dma_wait3A_833 : memref<125x32xf32, #tpu.memory_space<vmem>>)
        %dma_start3A_844 = arith.constant 4 : i32
        %dma_start3A_845 = arith.constant 0 : i32
        %dma_start3A_846 = arith.constant 0 : i32
        %dma_start3A_847 = tpu.memref_slice %arg10[%dma_start3A_844, %dma_start3A_845, %dma_start3A_846] : memref<5x125x32xf32, #tpu.memory_space<vmem>> -> memref<1x125x32xf32, #tpu.memory_space<vmem>>
        %dma_start3A_848 = tpu.memref_squeeze %dma_start3A_847 : memref<1x125x32xf32, #tpu.memory_space<vmem>> -> memref<125x32xf32, #tpu.memory_space<vmem>>
        %dma_start3A_849 = arith.constant 0 : i32
        %dma_start3A_850 = tpu.memref_slice %arg9[%add3A_798, %dma_start3A_849] : memref<80x125xi32, #tpu.memory_space<vmem>> -> memref<1x125xi32, #tpu.memory_space<vmem>>
        %dma_start3A_851 = tpu.memref_squeeze %dma_start3A_850 : memref<1x125xi32, #tpu.memory_space<vmem>> -> memref<125xi32, #tpu.memory_space<vmem>>
        %dma_start3A_852 = arith.constant 0 : i32
        %dma_start3A_853 = arith.constant 0 : i32
        %dma_start3A_854 = tpu.memref_slice %arg14[%dma_start3A_852, %dma_start3A_853] : memref<10240x32xf32, #tpu.memory_space<vmem_shared>> -> memref<10240x32xf32, #tpu.memory_space<vmem_shared>>
        tpu.enqueue_indirect_dma source(%dma_start3A_848 : memref<125x32xf32, #tpu.memory_space<vmem>>) target(%dma_start3A_854 : memref<10240x32xf32, #tpu.memory_space<vmem_shared>>) offsets(%dma_start3A_851 : memref<125xi32, #tpu.memory_space<vmem>>) semaphore(%arg24 : memref<!tpu.dma_semaphore, #tpu.memory_space<semaphore_mem>>) {add = true}
        %mul3A_855 = arith.constant 5 : i32
        %mul3A_856 = arith.muli %scan3A_669, %mul3A_855 : i32
        %add3A_857 = arith.constant 2 : i32
        %add3A_858 = arith.addi %add3A_857, %mul3A_856 : i32
        %add3A_859 = arith.constant 3 : i32
        %add3A_860 = arith.addi %add3A_858, %add3A_859 : i32
        %sub3A_861 = arith.constant 2 : i32
        %sub3A_862 = arith.subi %add3A_860, %sub3A_861 : i32
        %dma_wait3A_863 = arith.constant 3 : i32
        %dma_wait3A_864 = arith.constant 0 : i32
        %dma_wait3A_865 = arith.constant 0 : i32
        %dma_wait3A_866 = tpu.memref_slice %arg10[%dma_wait3A_863, %dma_wait3A_864, %dma_wait3A_865] : memref<5x125x32xf32, #tpu.memory_space<vmem>> -> memref<1x125x32xf32, #tpu.memory_space<vmem>>
        %dma_wait3A_867 = tpu.memref_squeeze %dma_wait3A_866 : memref<1x125x32xf32, #tpu.memory_space<vmem>> -> memref<125x32xf32, #tpu.memory_space<vmem>>
        %dma_wait3A_868 = arith.constant 0 : i32
        %dma_wait3A_869 = tpu.memref_slice %arg9[%sub3A_862, %dma_wait3A_868] : memref<80x125xi32, #tpu.memory_space<vmem>> -> memref<1x125xi32, #tpu.memory_space<vmem>>
        %dma_wait3A_870 = tpu.memref_squeeze %dma_wait3A_869 : memref<1x125xi32, #tpu.memory_space<vmem>> -> memref<125xi32, #tpu.memory_space<vmem>>
        %dma_wait3A_871 = arith.constant 0 : i32
        %dma_wait3A_872 = arith.constant 0 : i32
        %dma_wait3A_873 = tpu.memref_slice %arg14[%dma_wait3A_871, %dma_wait3A_872] : memref<10240x32xf32, #tpu.memory_space<vmem_shared>> -> memref<10240x32xf32, #tpu.memory_space<vmem_shared>>
        tpu.wait_indirect_dma semaphore(%arg23 : memref<!tpu.dma_semaphore, #tpu.memory_space<semaphore_mem>>) src(%dma_wait3A_867 : memref<125x32xf32, #tpu.memory_space<vmem>>) dst(%dma_wait3A_873 : memref<10240x32xf32, #tpu.memory_space<vmem_shared>>)
        %add3A_874 = arith.constant 3 : i32
        %add3A_875 = arith.addi %add3A_860, %add3A_874 : i32
        %dma_start3A_876 = arith.constant 3 : i32
        %dma_start3A_877 = arith.constant 0 : i32
        %dma_start3A_878 = arith.constant 0 : i32
        %dma_start3A_879 = tpu.memref_slice %arg10[%dma_start3A_876, %dma_start3A_877, %dma_start3A_878] : memref<5x125x32xf32, #tpu.memory_space<vmem>> -> memref<1x125x32xf32, #tpu.memory_space<vmem>>
        %dma_start3A_880 = tpu.memref_squeeze %dma_start3A_879 : memref<1x125x32xf32, #tpu.memory_space<vmem>> -> memref<125x32xf32, #tpu.memory_space<vmem>>
        %dma_start3A_881 = arith.constant 0 : i32
        %dma_start3A_882 = tpu.memref_slice %arg8[%add3A_875, %dma_start3A_881] : memref<80x125xi32, #tpu.memory_space<vmem>> -> memref<1x125xi32, #tpu.memory_space<vmem>>
        %dma_start3A_883 = tpu.memref_squeeze %dma_start3A_882 : memref<1x125xi32, #tpu.memory_space<vmem>> -> memref<125xi32, #tpu.memory_space<vmem>>
        %dma_start3A_884 = arith.constant 0 : i32
        %dma_start3A_885 = arith.constant 0 : i32
        %dma_start3A_886 = tpu.memref_slice %arg7[%arg0, %dma_start3A_884, %dma_start3A_885] : memref<2x10240x32xf32, #tpu.memory_space<hbm>> -> memref<1x10240x32xf32, #tpu.memory_space<hbm>>
        %dma_start3A_887 = tpu.memref_squeeze %dma_start3A_886 : memref<1x10240x32xf32, #tpu.memory_space<hbm>> -> memref<10240x32xf32, #tpu.memory_space<hbm>>
        %dma_start3A_888 = arith.constant 0 : i32
        %dma_start3A_889 = arith.constant 0 : i32
        %dma_start3A_890 = tpu.memref_slice %dma_start3A_887[%dma_start3A_888, %dma_start3A_889] : memref<10240x32xf32, #tpu.memory_space<hbm>> -> memref<10240x32xf32, #tpu.memory_space<hbm>>
        tpu.enqueue_indirect_dma source(%dma_start3A_890 : memref<10240x32xf32, #tpu.memory_space<hbm>>) target(%dma_start3A_880 : memref<125x32xf32, #tpu.memory_space<vmem>>) offsets(%dma_start3A_883 : memref<125xi32, #tpu.memory_space<vmem>>) semaphore(%arg18 : memref<!tpu.dma_semaphore, #tpu.memory_space<semaphore_mem>>)
        %dma_wait3A_891 = arith.constant 0 : i32
        %dma_wait3A_892 = arith.constant 0 : i32
        %dma_wait3A_893 = arith.constant 0 : i32
        %dma_wait3A_894 = tpu.memref_slice %arg10[%dma_wait3A_891, %dma_wait3A_892, %dma_wait3A_893] : memref<5x125x32xf32, #tpu.memory_space<vmem>> -> memref<1x125x32xf32, #tpu.memory_space<vmem>>
        %dma_wait3A_895 = tpu.memref_squeeze %dma_wait3A_894 : memref<1x125x32xf32, #tpu.memory_space<vmem>> -> memref<125x32xf32, #tpu.memory_space<vmem>>
        %dma_wait3A_896 = arith.constant 0 : i32
        %dma_wait3A_897 = tpu.memref_slice %arg8[%add3A_860, %dma_wait3A_896] : memref<80x125xi32, #tpu.memory_space<vmem>> -> memref<1x125xi32, #tpu.memory_space<vmem>>
        %dma_wait3A_898 = tpu.memref_squeeze %dma_wait3A_897 : memref<1x125xi32, #tpu.memory_space<vmem>> -> memref<125xi32, #tpu.memory_space<vmem>>
        %dma_wait3A_899 = arith.constant 0 : i32
        %dma_wait3A_900 = arith.constant 0 : i32
        %dma_wait3A_901 = tpu.memref_slice %arg7[%arg0, %dma_wait3A_899, %dma_wait3A_900] : memref<2x10240x32xf32, #tpu.memory_space<hbm>> -> memref<1x10240x32xf32, #tpu.memory_space<hbm>>
        %dma_wait3A_902 = tpu.memref_squeeze %dma_wait3A_901 : memref<1x10240x32xf32, #tpu.memory_space<hbm>> -> memref<10240x32xf32, #tpu.memory_space<hbm>>
        %dma_wait3A_903 = arith.constant 0 : i32
        %dma_wait3A_904 = arith.constant 0 : i32
        %dma_wait3A_905 = tpu.memref_slice %dma_wait3A_902[%dma_wait3A_903, %dma_wait3A_904] : memref<10240x32xf32, #tpu.memory_space<hbm>> -> memref<10240x32xf32, #tpu.memory_space<hbm>>
        tpu.wait_indirect_dma semaphore(%arg15 : memref<!tpu.dma_semaphore, #tpu.memory_space<semaphore_mem>>) src(%dma_wait3A_905 : memref<10240x32xf32, #tpu.memory_space<hbm>>) dst(%dma_wait3A_895 : memref<125x32xf32, #tpu.memory_space<vmem>>)
        %dma_start3A_906 = arith.constant 0 : i32
        %dma_start3A_907 = arith.constant 0 : i32
        %dma_start3A_908 = arith.constant 0 : i32
        %dma_start3A_909 = tpu.memref_slice %arg10[%dma_start3A_906, %dma_start3A_907, %dma_start3A_908] : memref<5x125x32xf32, #tpu.memory_space<vmem>> -> memref<1x125x32xf32, #tpu.memory_space<vmem>>
        %dma_start3A_910 = tpu.memref_squeeze %dma_start3A_909 : memref<1x125x32xf32, #tpu.memory_space<vmem>> -> memref<125x32xf32, #tpu.memory_space<vmem>>
        %dma_start3A_911 = arith.constant 0 : i32
        %dma_start3A_912 = tpu.memref_slice %arg9[%add3A_860, %dma_start3A_911] : memref<80x125xi32, #tpu.memory_space<vmem>> -> memref<1x125xi32, #tpu.memory_space<vmem>>
        %dma_start3A_913 = tpu.memref_squeeze %dma_start3A_912 : memref<1x125xi32, #tpu.memory_space<vmem>> -> memref<125xi32, #tpu.memory_space<vmem>>
        %dma_start3A_914 = arith.constant 0 : i32
        %dma_start3A_915 = arith.constant 0 : i32
        %dma_start3A_916 = tpu.memref_slice %arg14[%dma_start3A_914, %dma_start3A_915] : memref<10240x32xf32, #tpu.memory_space<vmem_shared>> -> memref<10240x32xf32, #tpu.memory_space<vmem_shared>>
        tpu.enqueue_indirect_dma source(%dma_start3A_910 : memref<125x32xf32, #tpu.memory_space<vmem>>) target(%dma_start3A_916 : memref<10240x32xf32, #tpu.memory_space<vmem_shared>>) offsets(%dma_start3A_913 : memref<125xi32, #tpu.memory_space<vmem>>) semaphore(%arg20 : memref<!tpu.dma_semaphore, #tpu.memory_space<semaphore_mem>>) {add = true}
        %mul3A_917 = arith.constant 5 : i32
        %mul3A_918 = arith.muli %scan3A_669, %mul3A_917 : i32
        %add3A_919 = arith.constant 2 : i32
        %add3A_920 = arith.addi %add3A_919, %mul3A_918 : i32
        %add3A_921 = arith.constant 4 : i32
        %add3A_922 = arith.addi %add3A_920, %add3A_921 : i32
        %sub3A_923 = arith.constant 2 : i32
        %sub3A_924 = arith.subi %add3A_922, %sub3A_923 : i32
        %dma_wait3A_925 = arith.constant 4 : i32
        %dma_wait3A_926 = arith.constant 0 : i32
        %dma_wait3A_927 = arith.constant 0 : i32
        %dma_wait3A_928 = tpu.memref_slice %arg10[%dma_wait3A_925, %dma_wait3A_926, %dma_wait3A_927] : memref<5x125x32xf32, #tpu.memory_space<vmem>> -> memref<1x125x32xf32, #tpu.memory_space<vmem>>
        %dma_wait3A_929 = tpu.memref_squeeze %dma_wait3A_928 : memref<1x125x32xf32, #tpu.memory_space<vmem>> -> memref<125x32xf32, #tpu.memory_space<vmem>>
        %dma_wait3A_930 = arith.constant 0 : i32
        %dma_wait3A_931 = tpu.memref_slice %arg9[%sub3A_924, %dma_wait3A_930] : memref<80x125xi32, #tpu.memory_space<vmem>> -> memref<1x125xi32, #tpu.memory_space<vmem>>
        %dma_wait3A_932 = tpu.memref_squeeze %dma_wait3A_931 : memref<1x125xi32, #tpu.memory_space<vmem>> -> memref<125xi32, #tpu.memory_space<vmem>>
        %dma_wait3A_933 = arith.constant 0 : i32
        %dma_wait3A_934 = arith.constant 0 : i32
        %dma_wait3A_935 = tpu.memref_slice %arg14[%dma_wait3A_933, %dma_wait3A_934] : memref<10240x32xf32, #tpu.memory_space<vmem_shared>> -> memref<10240x32xf32, #tpu.memory_space<vmem_shared>>
        tpu.wait_indirect_dma semaphore(%arg24 : memref<!tpu.dma_semaphore, #tpu.memory_space<semaphore_mem>>) src(%dma_wait3A_929 : memref<125x32xf32, #tpu.memory_space<vmem>>) dst(%dma_wait3A_935 : memref<10240x32xf32, #tpu.memory_space<vmem_shared>>)
        %add3A_936 = arith.constant 3 : i32
        %add3A_937 = arith.addi %add3A_922, %add3A_936 : i32
        %dma_start3A_938 = arith.constant 4 : i32
        %dma_start3A_939 = arith.constant 0 : i32
        %dma_start3A_940 = arith.constant 0 : i32
        %dma_start3A_941 = tpu.memref_slice %arg10[%dma_start3A_938, %dma_start3A_939, %dma_start3A_940] : memref<5x125x32xf32, #tpu.memory_space<vmem>> -> memref<1x125x32xf32, #tpu.memory_space<vmem>>
        %dma_start3A_942 = tpu.memref_squeeze %dma_start3A_941 : memref<1x125x32xf32, #tpu.memory_space<vmem>> -> memref<125x32xf32, #tpu.memory_space<vmem>>
        %dma_start3A_943 = arith.constant 0 : i32
        %dma_start3A_944 = tpu.memref_slice %arg8[%add3A_937, %dma_start3A_943] : memref<80x125xi32, #tpu.memory_space<vmem>> -> memref<1x125xi32, #tpu.memory_space<vmem>>
        %dma_start3A_945 = tpu.memref_squeeze %dma_start3A_944 : memref<1x125xi32, #tpu.memory_space<vmem>> -> memref<125xi32, #tpu.memory_space<vmem>>
        %dma_start3A_946 = arith.constant 0 : i32
        %dma_start3A_947 = arith.constant 0 : i32
        %dma_start3A_948 = tpu.memref_slice %arg7[%arg0, %dma_start3A_946, %dma_start3A_947] : memref<2x10240x32xf32, #tpu.memory_space<hbm>> -> memref<1x10240x32xf32, #tpu.memory_space<hbm>>
        %dma_start3A_949 = tpu.memref_squeeze %dma_start3A_948 : memref<1x10240x32xf32, #tpu.memory_space<hbm>> -> memref<10240x32xf32, #tpu.memory_space<hbm>>
        %dma_start3A_950 = arith.constant 0 : i32
        %dma_start3A_951 = arith.constant 0 : i32
        %dma_start3A_952 = tpu.memref_slice %dma_start3A_949[%dma_start3A_950, %dma_start3A_951] : memref<10240x32xf32, #tpu.memory_space<hbm>> -> memref<10240x32xf32, #tpu.memory_space<hbm>>
        tpu.enqueue_indirect_dma source(%dma_start3A_952 : memref<10240x32xf32, #tpu.memory_space<hbm>>) target(%dma_start3A_942 : memref<125x32xf32, #tpu.memory_space<vmem>>) offsets(%dma_start3A_945 : memref<125xi32, #tpu.memory_space<vmem>>) semaphore(%arg19 : memref<!tpu.dma_semaphore, #tpu.memory_space<semaphore_mem>>)
        %dma_wait3A_953 = arith.constant 1 : i32
        %dma_wait3A_954 = arith.constant 0 : i32
        %dma_wait3A_955 = arith.constant 0 : i32
        %dma_wait3A_956 = tpu.memref_slice %arg10[%dma_wait3A_953, %dma_wait3A_954, %dma_wait3A_955] : memref<5x125x32xf32, #tpu.memory_space<vmem>> -> memref<1x125x32xf32, #tpu.memory_space<vmem>>
        %dma_wait3A_957 = tpu.memref_squeeze %dma_wait3A_956 : memref<1x125x32xf32, #tpu.memory_space<vmem>> -> memref<125x32xf32, #tpu.memory_space<vmem>>
        %dma_wait3A_958 = arith.constant 0 : i32
        %dma_wait3A_959 = tpu.memref_slice %arg8[%add3A_922, %dma_wait3A_958] : memref<80x125xi32, #tpu.memory_space<vmem>> -> memref<1x125xi32, #tpu.memory_space<vmem>>
        %dma_wait3A_960 = tpu.memref_squeeze %dma_wait3A_959 : memref<1x125xi32, #tpu.memory_space<vmem>> -> memref<125xi32, #tpu.memory_space<vmem>>
        %dma_wait3A_961 = arith.constant 0 : i32
        %dma_wait3A_962 = arith.constant 0 : i32
        %dma_wait3A_963 = tpu.memref_slice %arg7[%arg0, %dma_wait3A_961, %dma_wait3A_962] : memref<2x10240x32xf32, #tpu.memory_space<hbm>> -> memref<1x10240x32xf32, #tpu.memory_space<hbm>>
        %dma_wait3A_964 = tpu.memref_squeeze %dma_wait3A_963 : memref<1x10240x32xf32, #tpu.memory_space<hbm>> -> memref<10240x32xf32, #tpu.memory_space<hbm>>
        %dma_wait3A_965 = arith.constant 0 : i32
        %dma_wait3A_966 = arith.constant 0 : i32
        %dma_wait3A_967 = tpu.memref_slice %dma_wait3A_964[%dma_wait3A_965, %dma_wait3A_966] : memref<10240x32xf32, #tpu.memory_space<hbm>> -> memref<10240x32xf32, #tpu.memory_space<hbm>>
        tpu.wait_indirect_dma semaphore(%arg16 : memref<!tpu.dma_semaphore, #tpu.memory_space<semaphore_mem>>) src(%dma_wait3A_967 : memref<10240x32xf32, #tpu.memory_space<hbm>>) dst(%dma_wait3A_957 : memref<125x32xf32, #tpu.memory_space<vmem>>)
        %dma_start3A_968 = arith.constant 1 : i32
        %dma_start3A_969 = arith.constant 0 : i32
        %dma_start3A_970 = arith.constant 0 : i32
        %dma_start3A_971 = tpu.memref_slice %arg10[%dma_start3A_968, %dma_start3A_969, %dma_start3A_970] : memref<5x125x32xf32, #tpu.memory_space<vmem>> -> memref<1x125x32xf32, #tpu.memory_space<vmem>>
        %dma_start3A_972 = tpu.memref_squeeze %dma_start3A_971 : memref<1x125x32xf32, #tpu.memory_space<vmem>> -> memref<125x32xf32, #tpu.memory_space<vmem>>
        %dma_start3A_973 = arith.constant 0 : i32
        %dma_start3A_974 = tpu.memref_slice %arg9[%add3A_922, %dma_start3A_973] : memref<80x125xi32, #tpu.memory_space<vmem>> -> memref<1x125xi32, #tpu.memory_space<vmem>>
        %dma_start3A_975 = tpu.memref_squeeze %dma_start3A_974 : memref<1x125xi32, #tpu.memory_space<vmem>> -> memref<125xi32, #tpu.memory_space<vmem>>
        %dma_start3A_976 = arith.constant 0 : i32
        %dma_start3A_977 = arith.constant 0 : i32
        %dma_start3A_978 = tpu.memref_slice %arg14[%dma_start3A_976, %dma_start3A_977] : memref<10240x32xf32, #tpu.memory_space<vmem_shared>> -> memref<10240x32xf32, #tpu.memory_space<vmem_shared>>
        tpu.enqueue_indirect_dma source(%dma_start3A_972 : memref<125x32xf32, #tpu.memory_space<vmem>>) target(%dma_start3A_978 : memref<10240x32xf32, #tpu.memory_space<vmem_shared>>) offsets(%dma_start3A_975 : memref<125xi32, #tpu.memory_space<vmem>>) semaphore(%arg21 : memref<!tpu.dma_semaphore, #tpu.memory_space<semaphore_mem>>) {add = true}
        %scan3A_979 = arith.constant 0 : i32
        scf.yield %scan3A_979 : i32
      }
      %scan3A_514 = arith.constant 15 : i32
      %dma_wait3A_515 = arith.constant 0 : i32
      %dma_wait3A_516 = arith.constant 75 : i32
      %dma_wait3A_517 = arith.constant 0 : i32
      %dma_wait3A_518 = arith.constant 0 : i32
      %dma_wait3A_519 = tpu.memref_slice %arg10[%dma_wait3A_515, %dma_wait3A_517, %dma_wait3A_518] : memref<5x125x32xf32, #tpu.memory_space<vmem>> -> memref<1x125x32xf32, #tpu.memory_space<vmem>>
      %dma_wait3A_520 = tpu.memref_squeeze %dma_wait3A_519 : memref<1x125x32xf32, #tpu.memory_space<vmem>> -> memref<125x32xf32, #tpu.memory_space<vmem>>
      %dma_wait3A_521 = arith.constant 0 : i32
      %dma_wait3A_522 = tpu.memref_slice %arg9[%dma_wait3A_516, %dma_wait3A_521] : memref<80x125xi32, #tpu.memory_space<vmem>> -> memref<1x125xi32, #tpu.memory_space<vmem>>
      %dma_wait3A_523 = tpu.memref_squeeze %dma_wait3A_522 : memref<1x125xi32, #tpu.memory_space<vmem>> -> memref<125xi32, #tpu.memory_space<vmem>>
      %dma_wait3A_524 = arith.constant 0 : i32
      %dma_wait3A_525 = arith.constant 0 : i32
      %dma_wait3A_526 = tpu.memref_slice %arg14[%dma_wait3A_524, %dma_wait3A_525] : memref<10240x32xf32, #tpu.memory_space<vmem_shared>> -> memref<10240x32xf32, #tpu.memory_space<vmem_shared>>
      tpu.wait_indirect_dma semaphore(%arg20 : memref<!tpu.dma_semaphore, #tpu.memory_space<semaphore_mem>>) src(%dma_wait3A_520 : memref<125x32xf32, #tpu.memory_space<vmem>>) dst(%dma_wait3A_526 : memref<10240x32xf32, #tpu.memory_space<vmem_shared>>)
      %dma_wait3A_527 = arith.constant 77 : i32
      %dma_wait3A_528 = arith.constant 2 : i32
      %dma_wait3A_529 = arith.constant 0 : i32
      %dma_wait3A_530 = arith.constant 0 : i32
      %dma_wait3A_531 = tpu.memref_slice %arg10[%dma_wait3A_528, %dma_wait3A_529, %dma_wait3A_530] : memref<5x125x32xf32, #tpu.memory_space<vmem>> -> memref<1x125x32xf32, #tpu.memory_space<vmem>>
      %dma_wait3A_532 = tpu.memref_squeeze %dma_wait3A_531 : memref<1x125x32xf32, #tpu.memory_space<vmem>> -> memref<125x32xf32, #tpu.memory_space<vmem>>
      %dma_wait3A_533 = arith.constant 0 : i32
      %dma_wait3A_534 = tpu.memref_slice %arg8[%dma_wait3A_527, %dma_wait3A_533] : memref<80x125xi32, #tpu.memory_space<vmem>> -> memref<1x125xi32, #tpu.memory_space<vmem>>
      %dma_wait3A_535 = tpu.memref_squeeze %dma_wait3A_534 : memref<1x125xi32, #tpu.memory_space<vmem>> -> memref<125xi32, #tpu.memory_space<vmem>>
      %dma_wait3A_536 = arith.constant 0 : i32
      %dma_wait3A_537 = arith.constant 0 : i32
      %dma_wait3A_538 = tpu.memref_slice %arg7[%arg0, %dma_wait3A_536, %dma_wait3A_537] : memref<2x10240x32xf32, #tpu.memory_space<hbm>> -> memref<1x10240x32xf32, #tpu.memory_space<hbm>>
      %dma_wait3A_539 = tpu.memref_squeeze %dma_wait3A_538 : memref<1x10240x32xf32, #tpu.memory_space<hbm>> -> memref<10240x32xf32, #tpu.memory_space<hbm>>
      %dma_wait3A_540 = arith.constant 0 : i32
      %dma_wait3A_541 = arith.constant 0 : i32
      %dma_wait3A_542 = tpu.memref_slice %dma_wait3A_539[%dma_wait3A_540, %dma_wait3A_541] : memref<10240x32xf32, #tpu.memory_space<hbm>> -> memref<10240x32xf32, #tpu.memory_space<hbm>>
      tpu.wait_indirect_dma semaphore(%arg17 : memref<!tpu.dma_semaphore, #tpu.memory_space<semaphore_mem>>) src(%dma_wait3A_542 : memref<10240x32xf32, #tpu.memory_space<hbm>>) dst(%dma_wait3A_532 : memref<125x32xf32, #tpu.memory_space<vmem>>)
      %dma_start3A_543 = arith.constant 2 : i32
      %dma_start3A_544 = arith.constant 77 : i32
      %dma_start3A_545 = arith.constant 0 : i32
      %dma_start3A_546 = arith.constant 0 : i32
      %dma_start3A_547 = tpu.memref_slice %arg10[%dma_start3A_543, %dma_start3A_545, %dma_start3A_546] : memref<5x125x32xf32, #tpu.memory_space<vmem>> -> memref<1x125x32xf32, #tpu.memory_space<vmem>>
      %dma_start3A_548 = tpu.memref_squeeze %dma_start3A_547 : memref<1x125x32xf32, #tpu.memory_space<vmem>> -> memref<125x32xf32, #tpu.memory_space<vmem>>
      %dma_start3A_549 = arith.constant 0 : i32
      %dma_start3A_550 = tpu.memref_slice %arg9[%dma_start3A_544, %dma_start3A_549] : memref<80x125xi32, #tpu.memory_space<vmem>> -> memref<1x125xi32, #tpu.memory_space<vmem>>
      %dma_start3A_551 = tpu.memref_squeeze %dma_start3A_550 : memref<1x125xi32, #tpu.memory_space<vmem>> -> memref<125xi32, #tpu.memory_space<vmem>>
      %dma_start3A_552 = arith.constant 0 : i32
      %dma_start3A_553 = arith.constant 0 : i32
      %dma_start3A_554 = tpu.memref_slice %arg14[%dma_start3A_552, %dma_start3A_553] : memref<10240x32xf32, #tpu.memory_space<vmem_shared>> -> memref<10240x32xf32, #tpu.memory_space<vmem_shared>>
      tpu.enqueue_indirect_dma source(%dma_start3A_548 : memref<125x32xf32, #tpu.memory_space<vmem>>) target(%dma_start3A_554 : memref<10240x32xf32, #tpu.memory_space<vmem_shared>>) offsets(%dma_start3A_551 : memref<125xi32, #tpu.memory_space<vmem>>) semaphore(%arg22 : memref<!tpu.dma_semaphore, #tpu.memory_space<semaphore_mem>>) {add = true}
      %dma_wait3A_555 = arith.constant 1 : i32
      %dma_wait3A_556 = arith.constant 76 : i32
      %dma_wait3A_557 = arith.constant 0 : i32
      %dma_wait3A_558 = arith.constant 0 : i32
      %dma_wait3A_559 = tpu.memref_slice %arg10[%dma_wait3A_555, %dma_wait3A_557, %dma_wait3A_558] : memref<5x125x32xf32, #tpu.memory_space<vmem>> -> memref<1x125x32xf32, #tpu.memory_space<vmem>>
      %dma_wait3A_560 = tpu.memref_squeeze %dma_wait3A_559 : memref<1x125x32xf32, #tpu.memory_space<vmem>> -> memref<125x32xf32, #tpu.memory_space<vmem>>
      %dma_wait3A_561 = arith.constant 0 : i32
      %dma_wait3A_562 = tpu.memref_slice %arg9[%dma_wait3A_556, %dma_wait3A_561] : memref<80x125xi32, #tpu.memory_space<vmem>> -> memref<1x125xi32, #tpu.memory_space<vmem>>
      %dma_wait3A_563 = tpu.memref_squeeze %dma_wait3A_562 : memref<1x125xi32, #tpu.memory_space<vmem>> -> memref<125xi32, #tpu.memory_space<vmem>>
      %dma_wait3A_564 = arith.constant 0 : i32
      %dma_wait3A_565 = arith.constant 0 : i32
      %dma_wait3A_566 = tpu.memref_slice %arg14[%dma_wait3A_564, %dma_wait3A_565] : memref<10240x32xf32, #tpu.memory_space<vmem_shared>> -> memref<10240x32xf32, #tpu.memory_space<vmem_shared>>
      tpu.wait_indirect_dma semaphore(%arg21 : memref<!tpu.dma_semaphore, #tpu.memory_space<semaphore_mem>>) src(%dma_wait3A_560 : memref<125x32xf32, #tpu.memory_space<vmem>>) dst(%dma_wait3A_566 : memref<10240x32xf32, #tpu.memory_space<vmem_shared>>)
      %dma_wait3A_567 = arith.constant 78 : i32
      %dma_wait3A_568 = arith.constant 3 : i32
      %dma_wait3A_569 = arith.constant 0 : i32
      %dma_wait3A_570 = arith.constant 0 : i32
      %dma_wait3A_571 = tpu.memref_slice %arg10[%dma_wait3A_568, %dma_wait3A_569, %dma_wait3A_570] : memref<5x125x32xf32, #tpu.memory_space<vmem>> -> memref<1x125x32xf32, #tpu.memory_space<vmem>>
      %dma_wait3A_572 = tpu.memref_squeeze %dma_wait3A_571 : memref<1x125x32xf32, #tpu.memory_space<vmem>> -> memref<125x32xf32, #tpu.memory_space<vmem>>
      %dma_wait3A_573 = arith.constant 0 : i32
      %dma_wait3A_574 = tpu.memref_slice %arg8[%dma_wait3A_567, %dma_wait3A_573] : memref<80x125xi32, #tpu.memory_space<vmem>> -> memref<1x125xi32, #tpu.memory_space<vmem>>
      %dma_wait3A_575 = tpu.memref_squeeze %dma_wait3A_574 : memref<1x125xi32, #tpu.memory_space<vmem>> -> memref<125xi32, #tpu.memory_space<vmem>>
      %dma_wait3A_576 = arith.constant 0 : i32
      %dma_wait3A_577 = arith.constant 0 : i32
      %dma_wait3A_578 = tpu.memref_slice %arg7[%arg0, %dma_wait3A_576, %dma_wait3A_577] : memref<2x10240x32xf32, #tpu.memory_space<hbm>> -> memref<1x10240x32xf32, #tpu.memory_space<hbm>>
      %dma_wait3A_579 = tpu.memref_squeeze %dma_wait3A_578 : memref<1x10240x32xf32, #tpu.memory_space<hbm>> -> memref<10240x32xf32, #tpu.memory_space<hbm>>
      %dma_wait3A_580 = arith.constant 0 : i32
      %dma_wait3A_581 = arith.constant 0 : i32
      %dma_wait3A_582 = tpu.memref_slice %dma_wait3A_579[%dma_wait3A_580, %dma_wait3A_581] : memref<10240x32xf32, #tpu.memory_space<hbm>> -> memref<10240x32xf32, #tpu.memory_space<hbm>>
      tpu.wait_indirect_dma semaphore(%arg18 : memref<!tpu.dma_semaphore, #tpu.memory_space<semaphore_mem>>) src(%dma_wait3A_582 : memref<10240x32xf32, #tpu.memory_space<hbm>>) dst(%dma_wait3A_572 : memref<125x32xf32, #tpu.memory_space<vmem>>)
      %dma_start3A_583 = arith.constant 3 : i32
      %dma_start3A_584 = arith.constant 78 : i32
      %dma_start3A_585 = arith.constant 0 : i32
      %dma_start3A_586 = arith.constant 0 : i32
      %dma_start3A_587 = tpu.memref_slice %arg10[%dma_start3A_583, %dma_start3A_585, %dma_start3A_586] : memref<5x125x32xf32, #tpu.memory_space<vmem>> -> memref<1x125x32xf32, #tpu.memory_space<vmem>>
      %dma_start3A_588 = tpu.memref_squeeze %dma_start3A_587 : memref<1x125x32xf32, #tpu.memory_space<vmem>> -> memref<125x32xf32, #tpu.memory_space<vmem>>
      %dma_start3A_589 = arith.constant 0 : i32
      %dma_start3A_590 = tpu.memref_slice %arg9[%dma_start3A_584, %dma_start3A_589] : memref<80x125xi32, #tpu.memory_space<vmem>> -> memref<1x125xi32, #tpu.memory_space<vmem>>
      %dma_start3A_591 = tpu.memref_squeeze %dma_start3A_590 : memref<1x125xi32, #tpu.memory_space<vmem>> -> memref<125xi32, #tpu.memory_space<vmem>>
      %dma_start3A_592 = arith.constant 0 : i32
      %dma_start3A_593 = arith.constant 0 : i32
      %dma_start3A_594 = tpu.memref_slice %arg14[%dma_start3A_592, %dma_start3A_593] : memref<10240x32xf32, #tpu.memory_space<vmem_shared>> -> memref<10240x32xf32, #tpu.memory_space<vmem_shared>>
      tpu.enqueue_indirect_dma source(%dma_start3A_588 : memref<125x32xf32, #tpu.memory_space<vmem>>) target(%dma_start3A_594 : memref<10240x32xf32, #tpu.memory_space<vmem_shared>>) offsets(%dma_start3A_591 : memref<125xi32, #tpu.memory_space<vmem>>) semaphore(%arg23 : memref<!tpu.dma_semaphore, #tpu.memory_space<semaphore_mem>>) {add = true}
      %dma_wait3A_595 = arith.constant 2 : i32
      %dma_wait3A_596 = arith.constant 77 : i32
      %dma_wait3A_597 = arith.constant 0 : i32
      %dma_wait3A_598 = arith.constant 0 : i32
      %dma_wait3A_599 = tpu.memref_slice %arg10[%dma_wait3A_595, %dma_wait3A_597, %dma_wait3A_598] : memref<5x125x32xf32, #tpu.memory_space<vmem>> -> memref<1x125x32xf32, #tpu.memory_space<vmem>>
      %dma_wait3A_600 = tpu.memref_squeeze %dma_wait3A_599 : memref<1x125x32xf32, #tpu.memory_space<vmem>> -> memref<125x32xf32, #tpu.memory_space<vmem>>
      %dma_wait3A_601 = arith.constant 0 : i32
      %dma_wait3A_602 = tpu.memref_slice %arg9[%dma_wait3A_596, %dma_wait3A_601] : memref<80x125xi32, #tpu.memory_space<vmem>> -> memref<1x125xi32, #tpu.memory_space<vmem>>
      %dma_wait3A_603 = tpu.memref_squeeze %dma_wait3A_602 : memref<1x125xi32, #tpu.memory_space<vmem>> -> memref<125xi32, #tpu.memory_space<vmem>>
      %dma_wait3A_604 = arith.constant 0 : i32
      %dma_wait3A_605 = arith.constant 0 : i32
      %dma_wait3A_606 = tpu.memref_slice %arg14[%dma_wait3A_604, %dma_wait3A_605] : memref<10240x32xf32, #tpu.memory_space<vmem_shared>> -> memref<10240x32xf32, #tpu.memory_space<vmem_shared>>
      tpu.wait_indirect_dma semaphore(%arg22 : memref<!tpu.dma_semaphore, #tpu.memory_space<semaphore_mem>>) src(%dma_wait3A_600 : memref<125x32xf32, #tpu.memory_space<vmem>>) dst(%dma_wait3A_606 : memref<10240x32xf32, #tpu.memory_space<vmem_shared>>)
      %dma_wait3A_607 = arith.constant 79 : i32
      %dma_wait3A_608 = arith.constant 4 : i32
      %dma_wait3A_609 = arith.constant 0 : i32
      %dma_wait3A_610 = arith.constant 0 : i32
      %dma_wait3A_611 = tpu.memref_slice %arg10[%dma_wait3A_608, %dma_wait3A_609, %dma_wait3A_610] : memref<5x125x32xf32, #tpu.memory_space<vmem>> -> memref<1x125x32xf32, #tpu.memory_space<vmem>>
      %dma_wait3A_612 = tpu.memref_squeeze %dma_wait3A_611 : memref<1x125x32xf32, #tpu.memory_space<vmem>> -> memref<125x32xf32, #tpu.memory_space<vmem>>
      %dma_wait3A_613 = arith.constant 0 : i32
      %dma_wait3A_614 = tpu.memref_slice %arg8[%dma_wait3A_607, %dma_wait3A_613] : memref<80x125xi32, #tpu.memory_space<vmem>> -> memref<1x125xi32, #tpu.memory_space<vmem>>
      %dma_wait3A_615 = tpu.memref_squeeze %dma_wait3A_614 : memref<1x125xi32, #tpu.memory_space<vmem>> -> memref<125xi32, #tpu.memory_space<vmem>>
      %dma_wait3A_616 = arith.constant 0 : i32
      %dma_wait3A_617 = arith.constant 0 : i32
      %dma_wait3A_618 = tpu.memref_slice %arg7[%arg0, %dma_wait3A_616, %dma_wait3A_617] : memref<2x10240x32xf32, #tpu.memory_space<hbm>> -> memref<1x10240x32xf32, #tpu.memory_space<hbm>>
      %dma_wait3A_619 = tpu.memref_squeeze %dma_wait3A_618 : memref<1x10240x32xf32, #tpu.memory_space<hbm>> -> memref<10240x32xf32, #tpu.memory_space<hbm>>
      %dma_wait3A_620 = arith.constant 0 : i32
      %dma_wait3A_621 = arith.constant 0 : i32
      %dma_wait3A_622 = tpu.memref_slice %dma_wait3A_619[%dma_wait3A_620, %dma_wait3A_621] : memref<10240x32xf32, #tpu.memory_space<hbm>> -> memref<10240x32xf32, #tpu.memory_space<hbm>>
      tpu.wait_indirect_dma semaphore(%arg19 : memref<!tpu.dma_semaphore, #tpu.memory_space<semaphore_mem>>) src(%dma_wait3A_622 : memref<10240x32xf32, #tpu.memory_space<hbm>>) dst(%dma_wait3A_612 : memref<125x32xf32, #tpu.memory_space<vmem>>)
      %dma_start3A_623 = arith.constant 4 : i32
      %dma_start3A_624 = arith.constant 79 : i32
      %dma_start3A_625 = arith.constant 0 : i32
      %dma_start3A_626 = arith.constant 0 : i32
      %dma_start3A_627 = tpu.memref_slice %arg10[%dma_start3A_623, %dma_start3A_625, %dma_start3A_626] : memref<5x125x32xf32, #tpu.memory_space<vmem>> -> memref<1x125x32xf32, #tpu.memory_space<vmem>>
      %dma_start3A_628 = tpu.memref_squeeze %dma_start3A_627 : memref<1x125x32xf32, #tpu.memory_space<vmem>> -> memref<125x32xf32, #tpu.memory_space<vmem>>
      %dma_start3A_629 = arith.constant 0 : i32
      %dma_start3A_630 = tpu.memref_slice %arg9[%dma_start3A_624, %dma_start3A_629] : memref<80x125xi32, #tpu.memory_space<vmem>> -> memref<1x125xi32, #tpu.memory_space<vmem>>
      %dma_start3A_631 = tpu.memref_squeeze %dma_start3A_630 : memref<1x125xi32, #tpu.memory_space<vmem>> -> memref<125xi32, #tpu.memory_space<vmem>>
      %dma_start3A_632 = arith.constant 0 : i32
      %dma_start3A_633 = arith.constant 0 : i32
      %dma_start3A_634 = tpu.memref_slice %arg14[%dma_start3A_632, %dma_start3A_633] : memref<10240x32xf32, #tpu.memory_space<vmem_shared>> -> memref<10240x32xf32, #tpu.memory_space<vmem_shared>>
      tpu.enqueue_indirect_dma source(%dma_start3A_628 : memref<125x32xf32, #tpu.memory_space<vmem>>) target(%dma_start3A_634 : memref<10240x32xf32, #tpu.memory_space<vmem_shared>>) offsets(%dma_start3A_631 : memref<125xi32, #tpu.memory_space<vmem>>) semaphore(%arg24 : memref<!tpu.dma_semaphore, #tpu.memory_space<semaphore_mem>>) {add = true}
      %dma_wait3A_635 = arith.constant 3 : i32
      %dma_wait3A_636 = arith.constant 78 : i32
      %dma_wait3A_637 = arith.constant 0 : i32
      %dma_wait3A_638 = arith.constant 0 : i32
      %dma_wait3A_639 = tpu.memref_slice %arg10[%dma_wait3A_635, %dma_wait3A_637, %dma_wait3A_638] : memref<5x125x32xf32, #tpu.memory_space<vmem>> -> memref<1x125x32xf32, #tpu.memory_space<vmem>>
      %dma_wait3A_640 = tpu.memref_squeeze %dma_wait3A_639 : memref<1x125x32xf32, #tpu.memory_space<vmem>> -> memref<125x32xf32, #tpu.memory_space<vmem>>
      %dma_wait3A_641 = arith.constant 0 : i32
      %dma_wait3A_642 = tpu.memref_slice %arg9[%dma_wait3A_636, %dma_wait3A_641] : memref<80x125xi32, #tpu.memory_space<vmem>> -> memref<1x125xi32, #tpu.memory_space<vmem>>
      %dma_wait3A_643 = tpu.memref_squeeze %dma_wait3A_642 : memref<1x125xi32, #tpu.memory_space<vmem>> -> memref<125xi32, #tpu.memory_space<vmem>>
      %dma_wait3A_644 = arith.constant 0 : i32
      %dma_wait3A_645 = arith.constant 0 : i32
      %dma_wait3A_646 = tpu.memref_slice %arg14[%dma_wait3A_644, %dma_wait3A_645] : memref<10240x32xf32, #tpu.memory_space<vmem_shared>> -> memref<10240x32xf32, #tpu.memory_space<vmem_shared>>
      tpu.wait_indirect_dma semaphore(%arg23 : memref<!tpu.dma_semaphore, #tpu.memory_space<semaphore_mem>>) src(%dma_wait3A_640 : memref<125x32xf32, #tpu.memory_space<vmem>>) dst(%dma_wait3A_646 : memref<10240x32xf32, #tpu.memory_space<vmem_shared>>)
      %dma_wait3A_647 = arith.constant 4 : i32
      %dma_wait3A_648 = arith.constant 79 : i32
      %dma_wait3A_649 = arith.constant 0 : i32
      %dma_wait3A_650 = arith.constant 0 : i32
      %dma_wait3A_651 = tpu.memref_slice %arg10[%dma_wait3A_647, %dma_wait3A_649, %dma_wait3A_650] : memref<5x125x32xf32, #tpu.memory_space<vmem>> -> memref<1x125x32xf32, #tpu.memory_space<vmem>>
      %dma_wait3A_652 = tpu.memref_squeeze %dma_wait3A_651 : memref<1x125x32xf32, #tpu.memory_space<vmem>> -> memref<125x32xf32, #tpu.memory_space<vmem>>
      %dma_wait3A_653 = arith.constant 0 : i32
      %dma_wait3A_654 = tpu.memref_slice %arg9[%dma_wait3A_648, %dma_wait3A_653] : memref<80x125xi32, #tpu.memory_space<vmem>> -> memref<1x125xi32, #tpu.memory_space<vmem>>
      %dma_wait3A_655 = tpu.memref_squeeze %dma_wait3A_654 : memref<1x125xi32, #tpu.memory_space<vmem>> -> memref<125xi32, #tpu.memory_space<vmem>>
      %dma_wait3A_656 = arith.constant 0 : i32
      %dma_wait3A_657 = arith.constant 0 : i32
      %dma_wait3A_658 = tpu.memref_slice %arg14[%dma_wait3A_656, %dma_wait3A_657] : memref<10240x32xf32, #tpu.memory_space<vmem_shared>> -> memref<10240x32xf32, #tpu.memory_space<vmem_shared>>
      tpu.wait_indirect_dma semaphore(%arg24 : memref<!tpu.dma_semaphore, #tpu.memory_space<semaphore_mem>>) src(%dma_wait3A_652 : memref<125x32xf32, #tpu.memory_space<vmem>>) dst(%dma_wait3A_658 : memref<10240x32xf32, #tpu.memory_space<vmem_shared>>)
      %barrier3A_659 = arith.constant 0 : index
      tpu.barrier barrier_id(%barrier3A_659)
      "tpu.region"() ({
        %run_scoped3A = tpu.sem_alloc : memref<!tpu.dma_semaphore, #tpu.memory_space<semaphore_mem>>
        %dma_start3A_669 = arith.constant 0 : i32
        %dma_start3A_670 = tpu.memref_slice %arg14[%mul3A_0, %dma_start3A_669] : memref<10240x32xf32, #tpu.memory_space<vmem_shared>> -> memref<640x32xf32, #tpu.memory_space<vmem_shared>>
        %dma_start3A_671 = arith.constant 0 : i32
        %dma_start3A_672 = tpu.memref_slice %arg14[%mul3A_0, %dma_start3A_671] : memref<10240x32xf32, #tpu.memory_space<vmem_shared>> -> memref<640x32xf32, #tpu.memory_space<vmem_shared>>
        tpu.enqueue_dma source(%dma_start3A_672 : memref<640x32xf32, #tpu.memory_space<vmem_shared>>) target(%arg13 : memref<640x32xf32, #tpu.memory_space<vmem>>) target_semaphore(%run_scoped3A : memref<!tpu.dma_semaphore, #tpu.memory_space<semaphore_mem>>)
        %dma_wait3A_673 = arith.constant 0 : i32
        %dma_wait3A_674 = tpu.memref_slice %arg14[%mul3A_0, %dma_wait3A_673] : memref<10240x32xf32, #tpu.memory_space<vmem_shared>> -> memref<640x32xf32, #tpu.memory_space<vmem_shared>>
        %dma_wait3A_675 = arith.constant 0 : i32
        %dma_wait3A_676 = tpu.memref_slice %arg14[%mul3A_0, %dma_wait3A_675] : memref<10240x32xf32, #tpu.memory_space<vmem_shared>> -> memref<640x32xf32, #tpu.memory_space<vmem_shared>>
        tpu.wait_dma2 semaphore(%run_scoped3A : memref<!tpu.dma_semaphore, #tpu.memory_space<semaphore_mem>>) src(%dma_wait3A_676 : memref<640x32xf32, #tpu.memory_space<vmem_shared>>) dst(%arg13 : memref<640x32xf32, #tpu.memory_space<vmem>>)
        tpu.yield
      }) : () -> ()
      "tpu.region"() ({
        %run_scoped3A = tpu.sem_alloc : memref<!tpu.dma_semaphore, #tpu.memory_space<semaphore_mem>>
        %dma_start3A_669 = arith.constant 0 : i32
        %dma_start3A_670 = tpu.memref_slice %arg14[%mul3A_0, %dma_start3A_669] : memref<10240x32xf32, #tpu.memory_space<vmem_shared>> -> memref<640x32xf32, #tpu.memory_space<vmem_shared>>
        tpu.enqueue_dma source(%arg5 : memref<640x32xf32, #tpu.memory_space<hbm>>) target(%dma_start3A_670 : memref<640x32xf32, #tpu.memory_space<vmem_shared>>) target_semaphore(%run_scoped3A : memref<!tpu.dma_semaphore, #tpu.memory_space<semaphore_mem>>)
        %dma_wait3A_671 = arith.constant 0 : i32
        %dma_wait3A_672 = tpu.memref_slice %arg14[%mul3A_0, %dma_wait3A_671] : memref<10240x32xf32, #tpu.memory_space<vmem_shared>> -> memref<640x32xf32, #tpu.memory_space<vmem_shared>>
        tpu.wait_dma2 semaphore(%run_scoped3A : memref<!tpu.dma_semaphore, #tpu.memory_space<semaphore_mem>>) src(%arg5 : memref<640x32xf32, #tpu.memory_space<hbm>>) dst(%dma_wait3A_672 : memref<640x32xf32, #tpu.memory_space<vmem_shared>>)
        tpu.yield
      }) : () -> ()
      %scan3A_660 = arith.constant 0 : i32
      %scan3A_661 = arith.constant 0 : i32
      %scan3A_662 = arith.constant 640 : i32
      %scan3A_663 = arith.addi %scan3A_661, %scan3A_662 : i32
      %scan3A_664 = arith.constant 4 : i32
      %scan3A_665 = scf.for %scan3A_669 = %scan3A_661 to %scan3A_663 step %scan3A_664 iter_args(%scan3A_670 = %scan3A_660) -> (i32)  : i32 {
        %get3A = arith.index_cast %scan3A_669 : i32 to index
        %get3A_671 = arith.constant 0 : index
        %get3A_672 = tpu.vector_load %arg12[%get3A, %get3A_671] {strides = array<i32>} : memref<640x32xf32, #tpu.memory_space<vmem>>, vector<16xf32>,
        %get3A_673 = arith.index_cast %scan3A_669 : i32 to index
        %get3A_674 = arith.constant 0 : index
        %get3A_675 = tpu.vector_load %arg13[%get3A_673, %get3A_674] {strides = array<i32>} : memref<640x32xf32, #tpu.memory_space<vmem>>, vector<16xf32>,
        %mul3A_676 = arith.mulf %get3A_672, %get3A_675 : vector<16xf32>
        %get3A_677 = arith.index_cast %scan3A_669 : i32 to index
        %get3A_678 = arith.constant 0 : index
        %get3A_679 = tpu.vector_load %arg11[%get3A_677, %get3A_678] {strides = array<i32>} : memref<640x32xf32, #tpu.memory_space<vmem>>, vector<16xf32>,
        %add3A = arith.addf %mul3A_676, %get3A_679 : vector<16xf32>
        %swap3A_680 = arith.index_cast %scan3A_669 : i32 to index
        %swap3A_681 = arith.constant 0 : index
        %swap3A_682 = tpu.vector_load %arg13[%swap3A_680, %swap3A_681] {strides = array<i32>} : memref<640x32xf32, #tpu.memory_space<vmem>>, vector<16xf32>,
        tpu.vector_store %arg13[%swap3A_680, %swap3A_681], %add3A {strides = array<i32>} : memref<640x32xf32, #tpu.memory_space<vmem>>, vector<16xf32>,
        %get3A_683 = arith.index_cast %scan3A_669 : i32 to index
        %get3A_684 = arith.constant 16 : index
        %get3A_685 = tpu.vector_load %arg13[%get3A_683, %get3A_684] {strides = array<i32>} : memref<640x32xf32, #tpu.memory_space<vmem>>, vector<16xf32>,
        %mul3A_686 = arith.mulf %get3A_672, %get3A_685 : vector<16xf32>
        %get3A_687 = arith.index_cast %scan3A_669 : i32 to index
        %get3A_688 = arith.constant 16 : index
        %get3A_689 = tpu.vector_load %arg11[%get3A_687, %get3A_688] {strides = array<i32>} : memref<640x32xf32, #tpu.memory_space<vmem>>, vector<16xf32>,
        %add3A_690 = arith.addf %mul3A_686, %get3A_689 : vector<16xf32>
        %swap3A_691 = arith.index_cast %scan3A_669 : i32 to index
        %swap3A_692 = arith.constant 16 : index
        %swap3A_693 = tpu.vector_load %arg13[%swap3A_691, %swap3A_692] {strides = array<i32>} : memref<640x32xf32, #tpu.memory_space<vmem>>, vector<16xf32>,
        tpu.vector_store %arg13[%swap3A_691, %swap3A_692], %add3A_690 {strides = array<i32>} : memref<640x32xf32, #tpu.memory_space<vmem>>, vector<16xf32>,
        %scan3A_694 = arith.constant 0 : i32
        %scan3A_695 = arith.constant 1 : i32
        %scan3A_696 = arith.addi %scan3A_669, %scan3A_695 : i32
        %get3A_697 = arith.index_cast %scan3A_696 : i32 to index
        %get3A_698 = arith.constant 0 : index
        %get3A_699 = tpu.vector_load %arg12[%get3A_697, %get3A_698] {strides = array<i32>} : memref<640x32xf32, #tpu.memory_space<vmem>>, vector<16xf32>,
        %get3A_700 = arith.index_cast %scan3A_696 : i32 to index
        %get3A_701 = arith.constant 0 : index
        %get3A_702 = tpu.vector_load %arg13[%get3A_700, %get3A_701] {strides = array<i32>} : memref<640x32xf32, #tpu.memory_space<vmem>>, vector<16xf32>,
        %mul3A_703 = arith.mulf %get3A_699, %get3A_702 : vector<16xf32>
        %get3A_704 = arith.index_cast %scan3A_696 : i32 to index
        %get3A_705 = arith.constant 0 : index
        %get3A_706 = tpu.vector_load %arg11[%get3A_704, %get3A_705] {strides = array<i32>} : memref<640x32xf32, #tpu.memory_space<vmem>>, vector<16xf32>,
        %add3A_707 = arith.addf %mul3A_703, %get3A_706 : vector<16xf32>
        %swap3A_708 = arith.index_cast %scan3A_696 : i32 to index
        %swap3A_709 = arith.constant 0 : index
        %swap3A_710 = tpu.vector_load %arg13[%swap3A_708, %swap3A_709] {strides = array<i32>} : memref<640x32xf32, #tpu.memory_space<vmem>>, vector<16xf32>,
        tpu.vector_store %arg13[%swap3A_708, %swap3A_709], %add3A_707 {strides = array<i32>} : memref<640x32xf32, #tpu.memory_space<vmem>>, vector<16xf32>,
        %get3A_711 = arith.index_cast %scan3A_696 : i32 to index
        %get3A_712 = arith.constant 16 : index
        %get3A_713 = tpu.vector_load %arg13[%get3A_711, %get3A_712] {strides = array<i32>} : memref<640x32xf32, #tpu.memory_space<vmem>>, vector<16xf32>,
        %mul3A_714 = arith.mulf %get3A_699, %get3A_713 : vector<16xf32>
        %get3A_715 = arith.index_cast %scan3A_696 : i32 to index
        %get3A_716 = arith.constant 16 : index
        %get3A_717 = tpu.vector_load %arg11[%get3A_715, %get3A_716] {strides = array<i32>} : memref<640x32xf32, #tpu.memory_space<vmem>>, vector<16xf32>,
        %add3A_718 = arith.addf %mul3A_714, %get3A_717 : vector<16xf32>
        %swap3A_719 = arith.index_cast %scan3A_696 : i32 to index
        %swap3A_720 = arith.constant 16 : index
        %swap3A_721 = tpu.vector_load %arg13[%swap3A_719, %swap3A_720] {strides = array<i32>} : memref<640x32xf32, #tpu.memory_space<vmem>>, vector<16xf32>,
        tpu.vector_store %arg13[%swap3A_719, %swap3A_720], %add3A_718 {strides = array<i32>} : memref<640x32xf32, #tpu.memory_space<vmem>>, vector<16xf32>,
        %scan3A_722 = arith.constant 0 : i32
        %scan3A_723 = arith.constant 2 : i32
        %scan3A_724 = arith.addi %scan3A_669, %scan3A_723 : i32
        %get3A_725 = arith.index_cast %scan3A_724 : i32 to index
        %get3A_726 = arith.constant 0 : index
        %get3A_727 = tpu.vector_load %arg12[%get3A_725, %get3A_726] {strides = array<i32>} : memref<640x32xf32, #tpu.memory_space<vmem>>, vector<16xf32>,
        %get3A_728 = arith.index_cast %scan3A_724 : i32 to index
        %get3A_729 = arith.constant 0 : index
        %get3A_730 = tpu.vector_load %arg13[%get3A_728, %get3A_729] {strides = array<i32>} : memref<640x32xf32, #tpu.memory_space<vmem>>, vector<16xf32>,
        %mul3A_731 = arith.mulf %get3A_727, %get3A_730 : vector<16xf32>
        %get3A_732 = arith.index_cast %scan3A_724 : i32 to index
        %get3A_733 = arith.constant 0 : index
        %get3A_734 = tpu.vector_load %arg11[%get3A_732, %get3A_733] {strides = array<i32>} : memref<640x32xf32, #tpu.memory_space<vmem>>, vector<16xf32>,
        %add3A_735 = arith.addf %mul3A_731, %get3A_734 : vector<16xf32>
        %swap3A_736 = arith.index_cast %scan3A_724 : i32 to index
        %swap3A_737 = arith.constant 0 : index
        %swap3A_738 = tpu.vector_load %arg13[%swap3A_736, %swap3A_737] {strides = array<i32>} : memref<640x32xf32, #tpu.memory_space<vmem>>, vector<16xf32>,
        tpu.vector_store %arg13[%swap3A_736, %swap3A_737], %add3A_735 {strides = array<i32>} : memref<640x32xf32, #tpu.memory_space<vmem>>, vector<16xf32>,
        %get3A_739 = arith.index_cast %scan3A_724 : i32 to index
        %get3A_740 = arith.constant 16 : index
        %get3A_741 = tpu.vector_load %arg13[%get3A_739, %get3A_740] {strides = array<i32>} : memref<640x32xf32, #tpu.memory_space<vmem>>, vector<16xf32>,
        %mul3A_742 = arith.mulf %get3A_727, %get3A_741 : vector<16xf32>
        %get3A_743 = arith.index_cast %scan3A_724 : i32 to index
        %get3A_744 = arith.constant 16 : index
        %get3A_745 = tpu.vector_load %arg11[%get3A_743, %get3A_744] {strides = array<i32>} : memref<640x32xf32, #tpu.memory_space<vmem>>, vector<16xf32>,
        %add3A_746 = arith.addf %mul3A_742, %get3A_745 : vector<16xf32>
        %swap3A_747 = arith.index_cast %scan3A_724 : i32 to index
        %swap3A_748 = arith.constant 16 : index
        %swap3A_749 = tpu.vector_load %arg13[%swap3A_747, %swap3A_748] {strides = array<i32>} : memref<640x32xf32, #tpu.memory_space<vmem>>, vector<16xf32>,
        tpu.vector_store %arg13[%swap3A_747, %swap3A_748], %add3A_746 {strides = array<i32>} : memref<640x32xf32, #tpu.memory_space<vmem>>, vector<16xf32>,
        %scan3A_750 = arith.constant 0 : i32
        %scan3A_751 = arith.constant 3 : i32
        %scan3A_752 = arith.addi %scan3A_669, %scan3A_751 : i32
        %get3A_753 = arith.index_cast %scan3A_752 : i32 to index
        %get3A_754 = arith.constant 0 : index
        %get3A_755 = tpu.vector_load %arg12[%get3A_753, %get3A_754] {strides = array<i32>} : memref<640x32xf32, #tpu.memory_space<vmem>>, vector<16xf32>,
        %get3A_756 = arith.index_cast %scan3A_752 : i32 to index
        %get3A_757 = arith.constant 0 : index
        %get3A_758 = tpu.vector_load %arg13[%get3A_756, %get3A_757] {strides = array<i32>} : memref<640x32xf32, #tpu.memory_space<vmem>>, vector<16xf32>,
        %mul3A_759 = arith.mulf %get3A_755, %get3A_758 : vector<16xf32>
        %get3A_760 = arith.index_cast %scan3A_752 : i32 to index
        %get3A_761 = arith.constant 0 : index
        %get3A_762 = tpu.vector_load %arg11[%get3A_760, %get3A_761] {strides = array<i32>} : memref<640x32xf32, #tpu.memory_space<vmem>>, vector<16xf32>,
        %add3A_763 = arith.addf %mul3A_759, %get3A_762 : vector<16xf32>
        %swap3A_764 = arith.index_cast %scan3A_752 : i32 to index
        %swap3A_765 = arith.constant 0 : index
        %swap3A_766 = tpu.vector_load %arg13[%swap3A_764, %swap3A_765] {strides = array<i32>} : memref<640x32xf32, #tpu.memory_space<vmem>>, vector<16xf32>,
        tpu.vector_store %arg13[%swap3A_764, %swap3A_765], %add3A_763 {strides = array<i32>} : memref<640x32xf32, #tpu.memory_space<vmem>>, vector<16xf32>,
        %get3A_767 = arith.index_cast %scan3A_752 : i32 to index
        %get3A_768 = arith.constant 16 : index
        %get3A_769 = tpu.vector_load %arg13[%get3A_767, %get3A_768] {strides = array<i32>} : memref<640x32xf32, #tpu.memory_space<vmem>>, vector<16xf32>,
        %mul3A_770 = arith.mulf %get3A_755, %get3A_769 : vector<16xf32>
        %get3A_771 = arith.index_cast %scan3A_752 : i32 to index
        %get3A_772 = arith.constant 16 : index
        %get3A_773 = tpu.vector_load %arg11[%get3A_771, %get3A_772] {strides = array<i32>} : memref<640x32xf32, #tpu.memory_space<vmem>>, vector<16xf32>,
        %add3A_774 = arith.addf %mul3A_770, %get3A_773 : vector<16xf32>
        %swap3A_775 = arith.index_cast %scan3A_752 : i32 to index
        %swap3A_776 = arith.constant 16 : index
        %swap3A_777 = tpu.vector_load %arg13[%swap3A_775, %swap3A_776] {strides = array<i32>} : memref<640x32xf32, #tpu.memory_space<vmem>>, vector<16xf32>,
        tpu.vector_store %arg13[%swap3A_775, %swap3A_776], %add3A_774 {strides = array<i32>} : memref<640x32xf32, #tpu.memory_space<vmem>>, vector<16xf32>,
        %scan3A_778 = arith.constant 0 : i32
        scf.yield %scan3A_778 : i32
      }
      %scan3A_666 = arith.constant 640 : i32
      "tpu.region"() ({
        %run_scoped3A = tpu.sem_alloc : memref<!tpu.dma_semaphore, #tpu.memory_space<semaphore_mem>>
        %dma_start3A_669 = arith.constant 0 : i32
        %dma_start3A_670 = arith.constant 0 : i32
        %dma_start3A_671 = tpu.memref_slice %arg7[%arg0, %dma_start3A_669, %dma_start3A_670] : memref<2x10240x32xf32, #tpu.memory_space<hbm>> -> memref<1x10240x32xf32, #tpu.memory_space<hbm>>
        %dma_start3A_672 = tpu.memref_squeeze %dma_start3A_671 : memref<1x10240x32xf32, #tpu.memory_space<hbm>> -> memref<10240x32xf32, #tpu.memory_space<hbm>>
        %dma_start3A_673 = arith.constant 0 : i32
        %dma_start3A_674 = tpu.memref_slice %dma_start3A_672[%mul3A_0, %dma_start3A_673] : memref<10240x32xf32, #tpu.memory_space<hbm>> -> memref<640x32xf32, #tpu.memory_space<hbm>>
        %dma_start3A_675 = arith.constant 0 : i32
        %dma_start3A_676 = arith.constant 0 : i32
        %dma_start3A_677 = tpu.memref_slice %arg7[%arg0, %dma_start3A_675, %dma_start3A_676] : memref<2x10240x32xf32, #tpu.memory_space<hbm>> -> memref<1x10240x32xf32, #tpu.memory_space<hbm>>
        %dma_start3A_678 = tpu.memref_squeeze %dma_start3A_677 : memref<1x10240x32xf32, #tpu.memory_space<hbm>> -> memref<10240x32xf32, #tpu.memory_space<hbm>>
        %dma_start3A_679 = arith.constant 0 : i32
        %dma_start3A_680 = tpu.memref_slice %dma_start3A_678[%mul3A_0, %dma_start3A_679] : memref<10240x32xf32, #tpu.memory_space<hbm>> -> memref<640x32xf32, #tpu.memory_space<hbm>>
        tpu.enqueue_dma source(%arg13 : memref<640x32xf32, #tpu.memory_space<vmem>>) target(%dma_start3A_680 : memref<640x32xf32, #tpu.memory_space<hbm>>) target_semaphore(%run_scoped3A : memref<!tpu.dma_semaphore, #tpu.memory_space<semaphore_mem>>)
        %dma_wait3A_681 = arith.constant 0 : i32
        %dma_wait3A_682 = arith.constant 0 : i32
        %dma_wait3A_683 = tpu.memref_slice %arg7[%arg0, %dma_wait3A_681, %dma_wait3A_682] : memref<2x10240x32xf32, #tpu.memory_space<hbm>> -> memref<1x10240x32xf32, #tpu.memory_space<hbm>>
        %dma_wait3A_684 = tpu.memref_squeeze %dma_wait3A_683 : memref<1x10240x32xf32, #tpu.memory_space<hbm>> -> memref<10240x32xf32, #tpu.memory_space<hbm>>
        %dma_wait3A_685 = arith.constant 0 : i32
        %dma_wait3A_686 = tpu.memref_slice %dma_wait3A_684[%mul3A_0, %dma_wait3A_685] : memref<10240x32xf32, #tpu.memory_space<hbm>> -> memref<640x32xf32, #tpu.memory_space<hbm>>
        %dma_wait3A_687 = arith.constant 0 : i32
        %dma_wait3A_688 = arith.constant 0 : i32
        %dma_wait3A_689 = tpu.memref_slice %arg7[%arg0, %dma_wait3A_687, %dma_wait3A_688] : memref<2x10240x32xf32, #tpu.memory_space<hbm>> -> memref<1x10240x32xf32, #tpu.memory_space<hbm>>
        %dma_wait3A_690 = tpu.memref_squeeze %dma_wait3A_689 : memref<1x10240x32xf32, #tpu.memory_space<hbm>> -> memref<10240x32xf32, #tpu.memory_space<hbm>>
        %dma_wait3A_691 = arith.constant 0 : i32
        %dma_wait3A_692 = tpu.memref_slice %dma_wait3A_690[%mul3A_0, %dma_wait3A_691] : memref<10240x32xf32, #tpu.memory_space<hbm>> -> memref<640x32xf32, #tpu.memory_space<hbm>>
        tpu.wait_dma2 semaphore(%run_scoped3A : memref<!tpu.dma_semaphore, #tpu.memory_space<semaphore_mem>>) src(%arg13 : memref<640x32xf32, #tpu.memory_space<vmem>>) dst(%dma_wait3A_692 : memref<640x32xf32, #tpu.memory_space<hbm>>)
        tpu.yield
      }) : () -> ()
      %barrier3A_667 = arith.constant 0 : index
      tpu.barrier barrier_id(%barrier3A_667)
      %scan3A_668 = arith.constant 0 : i32
      scf.yield %scan3A_668 : i32
    }
    %scan3A_66 = arith.constant 9 : i32
    %dma_start3A = arith.constant 0 : i32
    %dma_start3A_67 = arith.constant 0 : i32
    %dma_start3A_68 = arith.constant 0 : i32
    %dma_start3A_69 = arith.constant 0 : i32
    %dma_start3A_70 = tpu.memref_slice %arg10[%dma_start3A_67, %dma_start3A_68, %dma_start3A_69] : memref<5x125x32xf32, #tpu.memory_space<vmem>> -> memref<1x125x32xf32, #tpu.memory_space<vmem>>
    %dma_start3A_71 = tpu.memref_squeeze %dma_start3A_70 : memref<1x125x32xf32, #tpu.memory_space<vmem>> -> memref<125x32xf32, #tpu.memory_space<vmem>>
    %dma_start3A_72 = arith.constant 0 : i32
    %dma_start3A_73 = tpu.memref_slice %arg8[%dma_start3A, %dma_start3A_72] : memref<80x125xi32, #tpu.memory_space<vmem>> -> memref<1x125xi32, #tpu.memory_space<vmem>>
    %dma_start3A_74 = tpu.memref_squeeze %dma_start3A_73 : memref<1x125xi32, #tpu.memory_space<vmem>> -> memref<125xi32, #tpu.memory_space<vmem>>
    %dma_start3A_75 = arith.constant 0 : i32
    %dma_start3A_76 = arith.constant 0 : i32
    %dma_start3A_77 = tpu.memref_slice %arg7[%arg0, %dma_start3A_75, %dma_start3A_76] : memref<2x10240x32xf32, #tpu.memory_space<hbm>> -> memref<1x10240x32xf32, #tpu.memory_space<hbm>>
    %dma_start3A_78 = tpu.memref_squeeze %dma_start3A_77 : memref<1x10240x32xf32, #tpu.memory_space<hbm>> -> memref<10240x32xf32, #tpu.memory_space<hbm>>
    %dma_start3A_79 = arith.constant 0 : i32
    %dma_start3A_80 = arith.constant 0 : i32
    %dma_start3A_81 = tpu.memref_slice %dma_start3A_78[%dma_start3A_79, %dma_start3A_80] : memref<10240x32xf32, #tpu.memory_space<hbm>> -> memref<10240x32xf32, #tpu.memory_space<hbm>>
    tpu.enqueue_indirect_dma source(%dma_start3A_81 : memref<10240x32xf32, #tpu.memory_space<hbm>>) target(%dma_start3A_71 : memref<125x32xf32, #tpu.memory_space<vmem>>) offsets(%dma_start3A_74 : memref<125xi32, #tpu.memory_space<vmem>>) semaphore(%arg15 : memref<!tpu.dma_semaphore, #tpu.memory_space<semaphore_mem>>)
    %dma_start3A_82 = arith.constant 1 : i32
    %dma_start3A_83 = arith.constant 1 : i32
    %dma_start3A_84 = arith.constant 0 : i32
    %dma_start3A_85 = arith.constant 0 : i32
    %dma_start3A_86 = tpu.memref_slice %arg10[%dma_start3A_83, %dma_start3A_84, %dma_start3A_85] : memref<5x125x32xf32, #tpu.memory_space<vmem>> -> memref<1x125x32xf32, #tpu.memory_space<vmem>>
    %dma_start3A_87 = tpu.memref_squeeze %dma_start3A_86 : memref<1x125x32xf32, #tpu.memory_space<vmem>> -> memref<125x32xf32, #tpu.memory_space<vmem>>
    %dma_start3A_88 = arith.constant 0 : i32
    %dma_start3A_89 = tpu.memref_slice %arg8[%dma_start3A_82, %dma_start3A_88] : memref<80x125xi32, #tpu.memory_space<vmem>> -> memref<1x125xi32, #tpu.memory_space<vmem>>
    %dma_start3A_90 = tpu.memref_squeeze %dma_start3A_89 : memref<1x125xi32, #tpu.memory_space<vmem>> -> memref<125xi32, #tpu.memory_space<vmem>>
    %dma_start3A_91 = arith.constant 0 : i32
    %dma_start3A_92 = arith.constant 0 : i32
    %dma_start3A_93 = tpu.memref_slice %arg7[%arg0, %dma_start3A_91, %dma_start3A_92] : memref<2x10240x32xf32, #tpu.memory_space<hbm>> -> memref<1x10240x32xf32, #tpu.memory_space<hbm>>
    %dma_start3A_94 = tpu.memref_squeeze %dma_start3A_93 : memref<1x10240x32xf32, #tpu.memory_space<hbm>> -> memref<10240x32xf32, #tpu.memory_space<hbm>>
    %dma_start3A_95 = arith.constant 0 : i32
    %dma_start3A_96 = arith.constant 0 : i32
    %dma_start3A_97 = tpu.memref_slice %dma_start3A_94[%dma_start3A_95, %dma_start3A_96] : memref<10240x32xf32, #tpu.memory_space<hbm>> -> memref<10240x32xf32, #tpu.memory_space<hbm>>
    tpu.enqueue_indirect_dma source(%dma_start3A_97 : memref<10240x32xf32, #tpu.memory_space<hbm>>) target(%dma_start3A_87 : memref<125x32xf32, #tpu.memory_space<vmem>>) offsets(%dma_start3A_90 : memref<125xi32, #tpu.memory_space<vmem>>) semaphore(%arg16 : memref<!tpu.dma_semaphore, #tpu.memory_space<semaphore_mem>>)
    %dma_start3A_98 = arith.constant 2 : i32
    %dma_start3A_99 = arith.constant 2 : i32
    %dma_start3A_100 = arith.constant 0 : i32
    %dma_start3A_101 = arith.constant 0 : i32
    %dma_start3A_102 = tpu.memref_slice %arg10[%dma_start3A_99, %dma_start3A_100, %dma_start3A_101] : memref<5x125x32xf32, #tpu.memory_space<vmem>> -> memref<1x125x32xf32, #tpu.memory_space<vmem>>
    %dma_start3A_103 = tpu.memref_squeeze %dma_start3A_102 : memref<1x125x32xf32, #tpu.memory_space<vmem>> -> memref<125x32xf32, #tpu.memory_space<vmem>>
    %dma_start3A_104 = arith.constant 0 : i32
    %dma_start3A_105 = tpu.memref_slice %arg8[%dma_start3A_98, %dma_start3A_104] : memref<80x125xi32, #tpu.memory_space<vmem>> -> memref<1x125xi32, #tpu.memory_space<vmem>>
    %dma_start3A_106 = tpu.memref_squeeze %dma_start3A_105 : memref<1x125xi32, #tpu.memory_space<vmem>> -> memref<125xi32, #tpu.memory_space<vmem>>
    %dma_start3A_107 = arith.constant 0 : i32
    %dma_start3A_108 = arith.constant 0 : i32
    %dma_start3A_109 = tpu.memref_slice %arg7[%arg0, %dma_start3A_107, %dma_start3A_108] : memref<2x10240x32xf32, #tpu.memory_space<hbm>> -> memref<1x10240x32xf32, #tpu.memory_space<hbm>>
    %dma_start3A_110 = tpu.memref_squeeze %dma_start3A_109 : memref<1x10240x32xf32, #tpu.memory_space<hbm>> -> memref<10240x32xf32, #tpu.memory_space<hbm>>
    %dma_start3A_111 = arith.constant 0 : i32
    %dma_start3A_112 = arith.constant 0 : i32
    %dma_start3A_113 = tpu.memref_slice %dma_start3A_110[%dma_start3A_111, %dma_start3A_112] : memref<10240x32xf32, #tpu.memory_space<hbm>> -> memref<10240x32xf32, #tpu.memory_space<hbm>>
    tpu.enqueue_indirect_dma source(%dma_start3A_113 : memref<10240x32xf32, #tpu.memory_space<hbm>>) target(%dma_start3A_103 : memref<125x32xf32, #tpu.memory_space<vmem>>) offsets(%dma_start3A_106 : memref<125xi32, #tpu.memory_space<vmem>>) semaphore(%arg17 : memref<!tpu.dma_semaphore, #tpu.memory_space<semaphore_mem>>)
    %dma_start3A_114 = arith.constant 3 : i32
    %dma_start3A_115 = arith.constant 3 : i32
    %dma_start3A_116 = arith.constant 0 : i32
    %dma_start3A_117 = arith.constant 0 : i32
    %dma_start3A_118 = tpu.memref_slice %arg10[%dma_start3A_115, %dma_start3A_116, %dma_start3A_117] : memref<5x125x32xf32, #tpu.memory_space<vmem>> -> memref<1x125x32xf32, #tpu.memory_space<vmem>>
    %dma_start3A_119 = tpu.memref_squeeze %dma_start3A_118 : memref<1x125x32xf32, #tpu.memory_space<vmem>> -> memref<125x32xf32, #tpu.memory_space<vmem>>
    %dma_start3A_120 = arith.constant 0 : i32
    %dma_start3A_121 = tpu.memref_slice %arg8[%dma_start3A_114, %dma_start3A_120] : memref<80x125xi32, #tpu.memory_space<vmem>> -> memref<1x125xi32, #tpu.memory_space<vmem>>
    %dma_start3A_122 = tpu.memref_squeeze %dma_start3A_121 : memref<1x125xi32, #tpu.memory_space<vmem>> -> memref<125xi32, #tpu.memory_space<vmem>>
    %dma_start3A_123 = arith.constant 0 : i32
    %dma_start3A_124 = arith.constant 0 : i32
    %dma_start3A_125 = tpu.memref_slice %arg7[%arg0, %dma_start3A_123, %dma_start3A_124] : memref<2x10240x32xf32, #tpu.memory_space<hbm>> -> memref<1x10240x32xf32, #tpu.memory_space<hbm>>
    %dma_start3A_126 = tpu.memref_squeeze %dma_start3A_125 : memref<1x10240x32xf32, #tpu.memory_space<hbm>> -> memref<10240x32xf32, #tpu.memory_space<hbm>>
    %dma_start3A_127 = arith.constant 0 : i32
    %dma_start3A_128 = arith.constant 0 : i32
    %dma_start3A_129 = tpu.memref_slice %dma_start3A_126[%dma_start3A_127, %dma_start3A_128] : memref<10240x32xf32, #tpu.memory_space<hbm>> -> memref<10240x32xf32, #tpu.memory_space<hbm>>
    tpu.enqueue_indirect_dma source(%dma_start3A_129 : memref<10240x32xf32, #tpu.memory_space<hbm>>) target(%dma_start3A_119 : memref<125x32xf32, #tpu.memory_space<vmem>>) offsets(%dma_start3A_122 : memref<125xi32, #tpu.memory_space<vmem>>) semaphore(%arg18 : memref<!tpu.dma_semaphore, #tpu.memory_space<semaphore_mem>>)
    %dma_wait3A = arith.constant 0 : i32
    %dma_wait3A_130 = arith.constant 0 : i32
    %dma_wait3A_131 = arith.constant 0 : i32
    %dma_wait3A_132 = arith.constant 0 : i32
    %dma_wait3A_133 = tpu.memref_slice %arg10[%dma_wait3A_130, %dma_wait3A_131, %dma_wait3A_132] : memref<5x125x32xf32, #tpu.memory_space<vmem>> -> memref<1x125x32xf32, #tpu.memory_space<vmem>>
    %dma_wait3A_134 = tpu.memref_squeeze %dma_wait3A_133 : memref<1x125x32xf32, #tpu.memory_space<vmem>> -> memref<125x32xf32, #tpu.memory_space<vmem>>
    %dma_wait3A_135 = arith.constant 0 : i32
    %dma_wait3A_136 = tpu.memref_slice %arg8[%dma_wait3A, %dma_wait3A_135] : memref<80x125xi32, #tpu.memory_space<vmem>> -> memref<1x125xi32, #tpu.memory_space<vmem>>
    %dma_wait3A_137 = tpu.memref_squeeze %dma_wait3A_136 : memref<1x125xi32, #tpu.memory_space<vmem>> -> memref<125xi32, #tpu.memory_space<vmem>>
    %dma_wait3A_138 = arith.constant 0 : i32
    %dma_wait3A_139 = arith.constant 0 : i32
    %dma_wait3A_140 = tpu.memref_slice %arg7[%arg0, %dma_wait3A_138, %dma_wait3A_139] : memref<2x10240x32xf32, #tpu.memory_space<hbm>> -> memref<1x10240x32xf32, #tpu.memory_space<hbm>>
    %dma_wait3A_141 = tpu.memref_squeeze %dma_wait3A_140 : memref<1x10240x32xf32, #tpu.memory_space<hbm>> -> memref<10240x32xf32, #tpu.memory_space<hbm>>
    %dma_wait3A_142 = arith.constant 0 : i32
    %dma_wait3A_143 = arith.constant 0 : i32
    %dma_wait3A_144 = tpu.memref_slice %dma_wait3A_141[%dma_wait3A_142, %dma_wait3A_143] : memref<10240x32xf32, #tpu.memory_space<hbm>> -> memref<10240x32xf32, #tpu.memory_space<hbm>>
    tpu.wait_indirect_dma semaphore(%arg15 : memref<!tpu.dma_semaphore, #tpu.memory_space<semaphore_mem>>) src(%dma_wait3A_144 : memref<10240x32xf32, #tpu.memory_space<hbm>>) dst(%dma_wait3A_134 : memref<125x32xf32, #tpu.memory_space<vmem>>)
    %dma_start3A_145 = arith.constant 0 : i32
    %dma_start3A_146 = arith.constant 0 : i32
    %dma_start3A_147 = arith.constant 0 : i32
    %dma_start3A_148 = arith.constant 0 : i32
    %dma_start3A_149 = tpu.memref_slice %arg10[%dma_start3A_145, %dma_start3A_147, %dma_start3A_148] : memref<5x125x32xf32, #tpu.memory_space<vmem>> -> memref<1x125x32xf32, #tpu.memory_space<vmem>>
    %dma_start3A_150 = tpu.memref_squeeze %dma_start3A_149 : memref<1x125x32xf32, #tpu.memory_space<vmem>> -> memref<125x32xf32, #tpu.memory_space<vmem>>
    %dma_start3A_151 = arith.constant 0 : i32
    %dma_start3A_152 = tpu.memref_slice %arg9[%dma_start3A_146, %dma_start3A_151] : memref<80x125xi32, #tpu.memory_space<vmem>> -> memref<1x125xi32, #tpu.memory_space<vmem>>
    %dma_start3A_153 = tpu.memref_squeeze %dma_start3A_152 : memref<1x125xi32, #tpu.memory_space<vmem>> -> memref<125xi32, #tpu.memory_space<vmem>>
    %dma_start3A_154 = arith.constant 0 : i32
    %dma_start3A_155 = arith.constant 0 : i32
    %dma_start3A_156 = tpu.memref_slice %arg14[%dma_start3A_154, %dma_start3A_155] : memref<10240x32xf32, #tpu.memory_space<vmem_shared>> -> memref<10240x32xf32, #tpu.memory_space<vmem_shared>>
    tpu.enqueue_indirect_dma source(%dma_start3A_150 : memref<125x32xf32, #tpu.memory_space<vmem>>) target(%dma_start3A_156 : memref<10240x32xf32, #tpu.memory_space<vmem_shared>>) offsets(%dma_start3A_153 : memref<125xi32, #tpu.memory_space<vmem>>) semaphore(%arg20 : memref<!tpu.dma_semaphore, #tpu.memory_space<semaphore_mem>>) {add = true}
    %dma_start3A_157 = arith.constant 4 : i32
    %dma_start3A_158 = arith.constant 4 : i32
    %dma_start3A_159 = arith.constant 0 : i32
    %dma_start3A_160 = arith.constant 0 : i32
    %dma_start3A_161 = tpu.memref_slice %arg10[%dma_start3A_158, %dma_start3A_159, %dma_start3A_160] : memref<5x125x32xf32, #tpu.memory_space<vmem>> -> memref<1x125x32xf32, #tpu.memory_space<vmem>>
    %dma_start3A_162 = tpu.memref_squeeze %dma_start3A_161 : memref<1x125x32xf32, #tpu.memory_space<vmem>> -> memref<125x32xf32, #tpu.memory_space<vmem>>
    %dma_start3A_163 = arith.constant 0 : i32
    %dma_start3A_164 = tpu.memref_slice %arg8[%dma_start3A_157, %dma_start3A_163] : memref<80x125xi32, #tpu.memory_space<vmem>> -> memref<1x125xi32, #tpu.memory_space<vmem>>
    %dma_start3A_165 = tpu.memref_squeeze %dma_start3A_164 : memref<1x125xi32, #tpu.memory_space<vmem>> -> memref<125xi32, #tpu.memory_space<vmem>>
    %dma_start3A_166 = arith.constant 0 : i32
    %dma_start3A_167 = arith.constant 0 : i32
    %dma_start3A_168 = tpu.memref_slice %arg7[%arg0, %dma_start3A_166, %dma_start3A_167] : memref<2x10240x32xf32, #tpu.memory_space<hbm>> -> memref<1x10240x32xf32, #tpu.memory_space<hbm>>
    %dma_start3A_169 = tpu.memref_squeeze %dma_start3A_168 : memref<1x10240x32xf32, #tpu.memory_space<hbm>> -> memref<10240x32xf32, #tpu.memory_space<hbm>>
    %dma_start3A_170 = arith.constant 0 : i32
    %dma_start3A_171 = arith.constant 0 : i32
    %dma_start3A_172 = tpu.memref_slice %dma_start3A_169[%dma_start3A_170, %dma_start3A_171] : memref<10240x32xf32, #tpu.memory_space<hbm>> -> memref<10240x32xf32, #tpu.memory_space<hbm>>
    tpu.enqueue_indirect_dma source(%dma_start3A_172 : memref<10240x32xf32, #tpu.memory_space<hbm>>) target(%dma_start3A_162 : memref<125x32xf32, #tpu.memory_space<vmem>>) offsets(%dma_start3A_165 : memref<125xi32, #tpu.memory_space<vmem>>) semaphore(%arg19 : memref<!tpu.dma_semaphore, #tpu.memory_space<semaphore_mem>>)
    %dma_wait3A_173 = arith.constant 1 : i32
    %dma_wait3A_174 = arith.constant 1 : i32
    %dma_wait3A_175 = arith.constant 0 : i32
    %dma_wait3A_176 = arith.constant 0 : i32
    %dma_wait3A_177 = tpu.memref_slice %arg10[%dma_wait3A_174, %dma_wait3A_175, %dma_wait3A_176] : memref<5x125x32xf32, #tpu.memory_space<vmem>> -> memref<1x125x32xf32, #tpu.memory_space<vmem>>
    %dma_wait3A_178 = tpu.memref_squeeze %dma_wait3A_177 : memref<1x125x32xf32, #tpu.memory_space<vmem>> -> memref<125x32xf32, #tpu.memory_space<vmem>>
    %dma_wait3A_179 = arith.constant 0 : i32
    %dma_wait3A_180 = tpu.memref_slice %arg8[%dma_wait3A_173, %dma_wait3A_179] : memref<80x125xi32, #tpu.memory_space<vmem>> -> memref<1x125xi32, #tpu.memory_space<vmem>>
    %dma_wait3A_181 = tpu.memref_squeeze %dma_wait3A_180 : memref<1x125xi32, #tpu.memory_space<vmem>> -> memref<125xi32, #tpu.memory_space<vmem>>
    %dma_wait3A_182 = arith.constant 0 : i32
    %dma_wait3A_183 = arith.constant 0 : i32
    %dma_wait3A_184 = tpu.memref_slice %arg7[%arg0, %dma_wait3A_182, %dma_wait3A_183] : memref<2x10240x32xf32, #tpu.memory_space<hbm>> -> memref<1x10240x32xf32, #tpu.memory_space<hbm>>
    %dma_wait3A_185 = tpu.memref_squeeze %dma_wait3A_184 : memref<1x10240x32xf32, #tpu.memory_space<hbm>> -> memref<10240x32xf32, #tpu.memory_space<hbm>>
    %dma_wait3A_186 = arith.constant 0 : i32
    %dma_wait3A_187 = arith.constant 0 : i32
    %dma_wait3A_188 = tpu.memref_slice %dma_wait3A_185[%dma_wait3A_186, %dma_wait3A_187] : memref<10240x32xf32, #tpu.memory_space<hbm>> -> memref<10240x32xf32, #tpu.memory_space<hbm>>
    tpu.wait_indirect_dma semaphore(%arg16 : memref<!tpu.dma_semaphore, #tpu.memory_space<semaphore_mem>>) src(%dma_wait3A_188 : memref<10240x32xf32, #tpu.memory_space<hbm>>) dst(%dma_wait3A_178 : memref<125x32xf32, #tpu.memory_space<vmem>>)
    %dma_start3A_189 = arith.constant 1 : i32
    %dma_start3A_190 = arith.constant 1 : i32
    %dma_start3A_191 = arith.constant 0 : i32
    %dma_start3A_192 = arith.constant 0 : i32
    %dma_start3A_193 = tpu.memref_slice %arg10[%dma_start3A_189, %dma_start3A_191, %dma_start3A_192] : memref<5x125x32xf32, #tpu.memory_space<vmem>> -> memref<1x125x32xf32, #tpu.memory_space<vmem>>
    %dma_start3A_194 = tpu.memref_squeeze %dma_start3A_193 : memref<1x125x32xf32, #tpu.memory_space<vmem>> -> memref<125x32xf32, #tpu.memory_space<vmem>>
    %dma_start3A_195 = arith.constant 0 : i32
    %dma_start3A_196 = tpu.memref_slice %arg9[%dma_start3A_190, %dma_start3A_195] : memref<80x125xi32, #tpu.memory_space<vmem>> -> memref<1x125xi32, #tpu.memory_space<vmem>>
    %dma_start3A_197 = tpu.memref_squeeze %dma_start3A_196 : memref<1x125xi32, #tpu.memory_space<vmem>> -> memref<125xi32, #tpu.memory_space<vmem>>
    %dma_start3A_198 = arith.constant 0 : i32
    %dma_start3A_199 = arith.constant 0 : i32
    %dma_start3A_200 = tpu.memref_slice %arg14[%dma_start3A_198, %dma_start3A_199] : memref<10240x32xf32, #tpu.memory_space<vmem_shared>> -> memref<10240x32xf32, #tpu.memory_space<vmem_shared>>
    tpu.enqueue_indirect_dma source(%dma_start3A_194 : memref<125x32xf32, #tpu.memory_space<vmem>>) target(%dma_start3A_200 : memref<10240x32xf32, #tpu.memory_space<vmem_shared>>) offsets(%dma_start3A_197 : memref<125xi32, #tpu.memory_space<vmem>>) semaphore(%arg21 : memref<!tpu.dma_semaphore, #tpu.memory_space<semaphore_mem>>) {add = true}
    %scan3A_201 = arith.constant 0 : i32
    %scan3A_202 = arith.constant 0 : i32
    %scan3A_203 = arith.constant 15 : i32
    %scan3A_204 = arith.addi %scan3A_202, %scan3A_203 : i32
    %scan3A_205 = arith.constant 1 : i32
    %scan3A_206 = scf.for %scan3A_370 = %scan3A_202 to %scan3A_204 step %scan3A_205 iter_args(%scan3A_371 = %scan3A_201) -> (i32)  : i32 {
      %mul3A_372 = arith.constant 5 : i32
      %mul3A_373 = arith.muli %scan3A_370, %mul3A_372 : i32
      %add3A = arith.constant 2 : i32
      %add3A_374 = arith.addi %add3A, %mul3A_373 : i32
      %add3A_375 = arith.constant 0 : i32
      %add3A_376 = arith.addi %add3A_374, %add3A_375 : i32
      %sub3A = arith.constant 2 : i32
      %sub3A_377 = arith.subi %add3A_376, %sub3A : i32
      %dma_wait3A_378 = arith.constant 0 : i32
      %dma_wait3A_379 = arith.constant 0 : i32
      %dma_wait3A_380 = arith.constant 0 : i32
      %dma_wait3A_381 = tpu.memref_slice %arg10[%dma_wait3A_378, %dma_wait3A_379, %dma_wait3A_380] : memref<5x125x32xf32, #tpu.memory_space<vmem>> -> memref<1x125x32xf32, #tpu.memory_space<vmem>>
      %dma_wait3A_382 = tpu.memref_squeeze %dma_wait3A_381 : memref<1x125x32xf32, #tpu.memory_space<vmem>> -> memref<125x32xf32, #tpu.memory_space<vmem>>
      %dma_wait3A_383 = arith.constant 0 : i32
      %dma_wait3A_384 = tpu.memref_slice %arg9[%sub3A_377, %dma_wait3A_383] : memref<80x125xi32, #tpu.memory_space<vmem>> -> memref<1x125xi32, #tpu.memory_space<vmem>>
      %dma_wait3A_385 = tpu.memref_squeeze %dma_wait3A_384 : memref<1x125xi32, #tpu.memory_space<vmem>> -> memref<125xi32, #tpu.memory_space<vmem>>
      %dma_wait3A_386 = arith.constant 0 : i32
      %dma_wait3A_387 = arith.constant 0 : i32
      %dma_wait3A_388 = tpu.memref_slice %arg14[%dma_wait3A_386, %dma_wait3A_387] : memref<10240x32xf32, #tpu.memory_space<vmem_shared>> -> memref<10240x32xf32, #tpu.memory_space<vmem_shared>>
      tpu.wait_indirect_dma semaphore(%arg20 : memref<!tpu.dma_semaphore, #tpu.memory_space<semaphore_mem>>) src(%dma_wait3A_382 : memref<125x32xf32, #tpu.memory_space<vmem>>) dst(%dma_wait3A_388 : memref<10240x32xf32, #tpu.memory_space<vmem_shared>>)
      %add3A_389 = arith.constant 3 : i32
      %add3A_390 = arith.addi %add3A_376, %add3A_389 : i32
      %dma_start3A_391 = arith.constant 0 : i32
      %dma_start3A_392 = arith.constant 0 : i32
      %dma_start3A_393 = arith.constant 0 : i32
      %dma_start3A_394 = tpu.memref_slice %arg10[%dma_start3A_391, %dma_start3A_392, %dma_start3A_393] : memref<5x125x32xf32, #tpu.memory_space<vmem>> -> memref<1x125x32xf32, #tpu.memory_space<vmem>>
      %dma_start3A_395 = tpu.memref_squeeze %dma_start3A_394 : memref<1x125x32xf32, #tpu.memory_space<vmem>> -> memref<125x32xf32, #tpu.memory_space<vmem>>
      %dma_start3A_396 = arith.constant 0 : i32
      %dma_start3A_397 = tpu.memref_slice %arg8[%add3A_390, %dma_start3A_396] : memref<80x125xi32, #tpu.memory_space<vmem>> -> memref<1x125xi32, #tpu.memory_space<vmem>>
      %dma_start3A_398 = tpu.memref_squeeze %dma_start3A_397 : memref<1x125xi32, #tpu.memory_space<vmem>> -> memref<125xi32, #tpu.memory_space<vmem>>
      %dma_start3A_399 = arith.constant 0 : i32
      %dma_start3A_400 = arith.constant 0 : i32
      %dma_start3A_401 = tpu.memref_slice %arg7[%arg0, %dma_start3A_399, %dma_start3A_400] : memref<2x10240x32xf32, #tpu.memory_space<hbm>> -> memref<1x10240x32xf32, #tpu.memory_space<hbm>>
      %dma_start3A_402 = tpu.memref_squeeze %dma_start3A_401 : memref<1x10240x32xf32, #tpu.memory_space<hbm>> -> memref<10240x32xf32, #tpu.memory_space<hbm>>
      %dma_start3A_403 = arith.constant 0 : i32
      %dma_start3A_404 = arith.constant 0 : i32
      %dma_start3A_405 = tpu.memref_slice %dma_start3A_402[%dma_start3A_403, %dma_start3A_404] : memref<10240x32xf32, #tpu.memory_space<hbm>> -> memref<10240x32xf32, #tpu.memory_space<hbm>>
      tpu.enqueue_indirect_dma source(%dma_start3A_405 : memref<10240x32xf32, #tpu.memory_space<hbm>>) target(%dma_start3A_395 : memref<125x32xf32, #tpu.memory_space<vmem>>) offsets(%dma_start3A_398 : memref<125xi32, #tpu.memory_space<vmem>>) semaphore(%arg15 : memref<!tpu.dma_semaphore, #tpu.memory_space<semaphore_mem>>)
      %dma_wait3A_406 = arith.constant 2 : i32
      %dma_wait3A_407 = arith.constant 0 : i32
      %dma_wait3A_408 = arith.constant 0 : i32
      %dma_wait3A_409 = tpu.memref_slice %arg10[%dma_wait3A_406, %dma_wait3A_407, %dma_wait3A_408] : memref<5x125x32xf32, #tpu.memory_space<vmem>> -> memref<1x125x32xf32, #tpu.memory_space<vmem>>
      %dma_wait3A_410 = tpu.memref_squeeze %dma_wait3A_409 : memref<1x125x32xf32, #tpu.memory_space<vmem>> -> memref<125x32xf32, #tpu.memory_space<vmem>>
      %dma_wait3A_411 = arith.constant 0 : i32
      %dma_wait3A_412 = tpu.memref_slice %arg8[%add3A_376, %dma_wait3A_411] : memref<80x125xi32, #tpu.memory_space<vmem>> -> memref<1x125xi32, #tpu.memory_space<vmem>>
      %dma_wait3A_413 = tpu.memref_squeeze %dma_wait3A_412 : memref<1x125xi32, #tpu.memory_space<vmem>> -> memref<125xi32, #tpu.memory_space<vmem>>
      %dma_wait3A_414 = arith.constant 0 : i32
      %dma_wait3A_415 = arith.constant 0 : i32
      %dma_wait3A_416 = tpu.memref_slice %arg7[%arg0, %dma_wait3A_414, %dma_wait3A_415] : memref<2x10240x32xf32, #tpu.memory_space<hbm>> -> memref<1x10240x32xf32, #tpu.memory_space<hbm>>
      %dma_wait3A_417 = tpu.memref_squeeze %dma_wait3A_416 : memref<1x10240x32xf32, #tpu.memory_space<hbm>> -> memref<10240x32xf32, #tpu.memory_space<hbm>>
      %dma_wait3A_418 = arith.constant 0 : i32
      %dma_wait3A_419 = arith.constant 0 : i32
      %dma_wait3A_420 = tpu.memref_slice %dma_wait3A_417[%dma_wait3A_418, %dma_wait3A_419] : memref<10240x32xf32, #tpu.memory_space<hbm>> -> memref<10240x32xf32, #tpu.memory_space<hbm>>
      tpu.wait_indirect_dma semaphore(%arg17 : memref<!tpu.dma_semaphore, #tpu.memory_space<semaphore_mem>>) src(%dma_wait3A_420 : memref<10240x32xf32, #tpu.memory_space<hbm>>) dst(%dma_wait3A_410 : memref<125x32xf32, #tpu.memory_space<vmem>>)
      %dma_start3A_421 = arith.constant 2 : i32
      %dma_start3A_422 = arith.constant 0 : i32
      %dma_start3A_423 = arith.constant 0 : i32
      %dma_start3A_424 = tpu.memref_slice %arg10[%dma_start3A_421, %dma_start3A_422, %dma_start3A_423] : memref<5x125x32xf32, #tpu.memory_space<vmem>> -> memref<1x125x32xf32, #tpu.memory_space<vmem>>
      %dma_start3A_425 = tpu.memref_squeeze %dma_start3A_424 : memref<1x125x32xf32, #tpu.memory_space<vmem>> -> memref<125x32xf32, #tpu.memory_space<vmem>>
      %dma_start3A_426 = arith.constant 0 : i32
      %dma_start3A_427 = tpu.memref_slice %arg9[%add3A_376, %dma_start3A_426] : memref<80x125xi32, #tpu.memory_space<vmem>> -> memref<1x125xi32, #tpu.memory_space<vmem>>
      %dma_start3A_428 = tpu.memref_squeeze %dma_start3A_427 : memref<1x125xi32, #tpu.memory_space<vmem>> -> memref<125xi32, #tpu.memory_space<vmem>>
      %dma_start3A_429 = arith.constant 0 : i32
      %dma_start3A_430 = arith.constant 0 : i32
      %dma_start3A_431 = tpu.memref_slice %arg14[%dma_start3A_429, %dma_start3A_430] : memref<10240x32xf32, #tpu.memory_space<vmem_shared>> -> memref<10240x32xf32, #tpu.memory_space<vmem_shared>>
      tpu.enqueue_indirect_dma source(%dma_start3A_425 : memref<125x32xf32, #tpu.memory_space<vmem>>) target(%dma_start3A_431 : memref<10240x32xf32, #tpu.memory_space<vmem_shared>>) offsets(%dma_start3A_428 : memref<125xi32, #tpu.memory_space<vmem>>) semaphore(%arg22 : memref<!tpu.dma_semaphore, #tpu.memory_space<semaphore_mem>>) {add = true}
      %mul3A_432 = arith.constant 5 : i32
      %mul3A_433 = arith.muli %scan3A_370, %mul3A_432 : i32
      %add3A_434 = arith.constant 2 : i32
      %add3A_435 = arith.addi %add3A_434, %mul3A_433 : i32
      %add3A_436 = arith.constant 1 : i32
      %add3A_437 = arith.addi %add3A_435, %add3A_436 : i32
      %sub3A_438 = arith.constant 2 : i32
      %sub3A_439 = arith.subi %add3A_437, %sub3A_438 : i32
      %dma_wait3A_440 = arith.constant 1 : i32
      %dma_wait3A_441 = arith.constant 0 : i32
      %dma_wait3A_442 = arith.constant 0 : i32
      %dma_wait3A_443 = tpu.memref_slice %arg10[%dma_wait3A_440, %dma_wait3A_441, %dma_wait3A_442] : memref<5x125x32xf32, #tpu.memory_space<vmem>> -> memref<1x125x32xf32, #tpu.memory_space<vmem>>
      %dma_wait3A_444 = tpu.memref_squeeze %dma_wait3A_443 : memref<1x125x32xf32, #tpu.memory_space<vmem>> -> memref<125x32xf32, #tpu.memory_space<vmem>>
      %dma_wait3A_445 = arith.constant 0 : i32
      %dma_wait3A_446 = tpu.memref_slice %arg9[%sub3A_439, %dma_wait3A_445] : memref<80x125xi32, #tpu.memory_space<vmem>> -> memref<1x125xi32, #tpu.memory_space<vmem>>
      %dma_wait3A_447 = tpu.memref_squeeze %dma_wait3A_446 : memref<1x125xi32, #tpu.memory_space<vmem>> -> memref<125xi32, #tpu.memory_space<vmem>>
      %dma_wait3A_448 = arith.constant 0 : i32
      %dma_wait3A_449 = arith.constant 0 : i32
      %dma_wait3A_450 = tpu.memref_slice %arg14[%dma_wait3A_448, %dma_wait3A_449] : memref<10240x32xf32, #tpu.memory_space<vmem_shared>> -> memref<10240x32xf32, #tpu.memory_space<vmem_shared>>
      tpu.wait_indirect_dma semaphore(%arg21 : memref<!tpu.dma_semaphore, #tpu.memory_space<semaphore_mem>>) src(%dma_wait3A_444 : memref<125x32xf32, #tpu.memory_space<vmem>>) dst(%dma_wait3A_450 : memref<10240x32xf32, #tpu.memory_space<vmem_shared>>)
      %add3A_451 = arith.constant 3 : i32
      %add3A_452 = arith.addi %add3A_437, %add3A_451 : i32
      %dma_start3A_453 = arith.constant 1 : i32
      %dma_start3A_454 = arith.constant 0 : i32
      %dma_start3A_455 = arith.constant 0 : i32
      %dma_start3A_456 = tpu.memref_slice %arg10[%dma_start3A_453, %dma_start3A_454, %dma_start3A_455] : memref<5x125x32xf32, #tpu.memory_space<vmem>> -> memref<1x125x32xf32, #tpu.memory_space<vmem>>
      %dma_start3A_457 = tpu.memref_squeeze %dma_start3A_456 : memref<1x125x32xf32, #tpu.memory_space<vmem>> -> memref<125x32xf32, #tpu.memory_space<vmem>>
      %dma_start3A_458 = arith.constant 0 : i32
      %dma_start3A_459 = tpu.memref_slice %arg8[%add3A_452, %dma_start3A_458] : memref<80x125xi32, #tpu.memory_space<vmem>> -> memref<1x125xi32, #tpu.memory_space<vmem>>
      %dma_start3A_460 = tpu.memref_squeeze %dma_start3A_459 : memref<1x125xi32, #tpu.memory_space<vmem>> -> memref<125xi32, #tpu.memory_space<vmem>>
      %dma_start3A_461 = arith.constant 0 : i32
      %dma_start3A_462 = arith.constant 0 : i32
      %dma_start3A_463 = tpu.memref_slice %arg7[%arg0, %dma_start3A_461, %dma_start3A_462] : memref<2x10240x32xf32, #tpu.memory_space<hbm>> -> memref<1x10240x32xf32, #tpu.memory_space<hbm>>
      %dma_start3A_464 = tpu.memref_squeeze %dma_start3A_463 : memref<1x10240x32xf32, #tpu.memory_space<hbm>> -> memref<10240x32xf32, #tpu.memory_space<hbm>>
      %dma_start3A_465 = arith.constant 0 : i32
      %dma_start3A_466 = arith.constant 0 : i32
      %dma_start3A_467 = tpu.memref_slice %dma_start3A_464[%dma_start3A_465, %dma_start3A_466] : memref<10240x32xf32, #tpu.memory_space<hbm>> -> memref<10240x32xf32, #tpu.memory_space<hbm>>
      tpu.enqueue_indirect_dma source(%dma_start3A_467 : memref<10240x32xf32, #tpu.memory_space<hbm>>) target(%dma_start3A_457 : memref<125x32xf32, #tpu.memory_space<vmem>>) offsets(%dma_start3A_460 : memref<125xi32, #tpu.memory_space<vmem>>) semaphore(%arg16 : memref<!tpu.dma_semaphore, #tpu.memory_space<semaphore_mem>>)
      %dma_wait3A_468 = arith.constant 3 : i32
      %dma_wait3A_469 = arith.constant 0 : i32
      %dma_wait3A_470 = arith.constant 0 : i32
      %dma_wait3A_471 = tpu.memref_slice %arg10[%dma_wait3A_468, %dma_wait3A_469, %dma_wait3A_470] : memref<5x125x32xf32, #tpu.memory_space<vmem>> -> memref<1x125x32xf32, #tpu.memory_space<vmem>>
      %dma_wait3A_472 = tpu.memref_squeeze %dma_wait3A_471 : memref<1x125x32xf32, #tpu.memory_space<vmem>> -> memref<125x32xf32, #tpu.memory_space<vmem>>
      %dma_wait3A_473 = arith.constant 0 : i32
      %dma_wait3A_474 = tpu.memref_slice %arg8[%add3A_437, %dma_wait3A_473] : memref<80x125xi32, #tpu.memory_space<vmem>> -> memref<1x125xi32, #tpu.memory_space<vmem>>
      %dma_wait3A_475 = tpu.memref_squeeze %dma_wait3A_474 : memref<1x125xi32, #tpu.memory_space<vmem>> -> memref<125xi32, #tpu.memory_space<vmem>>
      %dma_wait3A_476 = arith.constant 0 : i32
      %dma_wait3A_477 = arith.constant 0 : i32
      %dma_wait3A_478 = tpu.memref_slice %arg7[%arg0, %dma_wait3A_476, %dma_wait3A_477] : memref<2x10240x32xf32, #tpu.memory_space<hbm>> -> memref<1x10240x32xf32, #tpu.memory_space<hbm>>
      %dma_wait3A_479 = tpu.memref_squeeze %dma_wait3A_478 : memref<1x10240x32xf32, #tpu.memory_space<hbm>> -> memref<10240x32xf32, #tpu.memory_space<hbm>>
      %dma_wait3A_480 = arith.constant 0 : i32
      %dma_wait3A_481 = arith.constant 0 : i32
      %dma_wait3A_482 = tpu.memref_slice %dma_wait3A_479[%dma_wait3A_480, %dma_wait3A_481] : memref<10240x32xf32, #tpu.memory_space<hbm>> -> memref<10240x32xf32, #tpu.memory_space<hbm>>
      tpu.wait_indirect_dma semaphore(%arg18 : memref<!tpu.dma_semaphore, #tpu.memory_space<semaphore_mem>>) src(%dma_wait3A_482 : memref<10240x32xf32, #tpu.memory_space<hbm>>) dst(%dma_wait3A_472 : memref<125x32xf32, #tpu.memory_space<vmem>>)
      %dma_start3A_483 = arith.constant 3 : i32
      %dma_start3A_484 = arith.constant 0 : i32
      %dma_start3A_485 = arith.constant 0 : i32
      %dma_start3A_486 = tpu.memref_slice %arg10[%dma_start3A_483, %dma_start3A_484, %dma_start3A_485] : memref<5x125x32xf32, #tpu.memory_space<vmem>> -> memref<1x125x32xf32, #tpu.memory_space<vmem>>
      %dma_start3A_487 = tpu.memref_squeeze %dma_start3A_486 : memref<1x125x32xf32, #tpu.memory_space<vmem>> -> memref<125x32xf32, #tpu.memory_space<vmem>>
      %dma_start3A_488 = arith.constant 0 : i32
      %dma_start3A_489 = tpu.memref_slice %arg9[%add3A_437, %dma_start3A_488] : memref<80x125xi32, #tpu.memory_space<vmem>> -> memref<1x125xi32, #tpu.memory_space<vmem>>
      %dma_start3A_490 = tpu.memref_squeeze %dma_start3A_489 : memref<1x125xi32, #tpu.memory_space<vmem>> -> memref<125xi32, #tpu.memory_space<vmem>>
      %dma_start3A_491 = arith.constant 0 : i32
      %dma_start3A_492 = arith.constant 0 : i32
      %dma_start3A_493 = tpu.memref_slice %arg14[%dma_start3A_491, %dma_start3A_492] : memref<10240x32xf32, #tpu.memory_space<vmem_shared>> -> memref<10240x32xf32, #tpu.memory_space<vmem_shared>>
      tpu.enqueue_indirect_dma source(%dma_start3A_487 : memref<125x32xf32, #tpu.memory_space<vmem>>) target(%dma_start3A_493 : memref<10240x32xf32, #tpu.memory_space<vmem_shared>>) offsets(%dma_start3A_490 : memref<125xi32, #tpu.memory_space<vmem>>) semaphore(%arg23 : memref<!tpu.dma_semaphore, #tpu.memory_space<semaphore_mem>>) {add = true}
      %mul3A_494 = arith.constant 5 : i32
      %mul3A_495 = arith.muli %scan3A_370, %mul3A_494 : i32
      %add3A_496 = arith.constant 2 : i32
      %add3A_497 = arith.addi %add3A_496, %mul3A_495 : i32
      %add3A_498 = arith.constant 2 : i32
      %add3A_499 = arith.addi %add3A_497, %add3A_498 : i32
      %sub3A_500 = arith.constant 2 : i32
      %sub3A_501 = arith.subi %add3A_499, %sub3A_500 : i32
      %dma_wait3A_502 = arith.constant 2 : i32
      %dma_wait3A_503 = arith.constant 0 : i32
      %dma_wait3A_504 = arith.constant 0 : i32
      %dma_wait3A_505 = tpu.memref_slice %arg10[%dma_wait3A_502, %dma_wait3A_503, %dma_wait3A_504] : memref<5x125x32xf32, #tpu.memory_space<vmem>> -> memref<1x125x32xf32, #tpu.memory_space<vmem>>
      %dma_wait3A_506 = tpu.memref_squeeze %dma_wait3A_505 : memref<1x125x32xf32, #tpu.memory_space<vmem>> -> memref<125x32xf32, #tpu.memory_space<vmem>>
      %dma_wait3A_507 = arith.constant 0 : i32
      %dma_wait3A_508 = tpu.memref_slice %arg9[%sub3A_501, %dma_wait3A_507] : memref<80x125xi32, #tpu.memory_space<vmem>> -> memref<1x125xi32, #tpu.memory_space<vmem>>
      %dma_wait3A_509 = tpu.memref_squeeze %dma_wait3A_508 : memref<1x125xi32, #tpu.memory_space<vmem>> -> memref<125xi32, #tpu.memory_space<vmem>>
      %dma_wait3A_510 = arith.constant 0 : i32
      %dma_wait3A_511 = arith.constant 0 : i32
      %dma_wait3A_512 = tpu.memref_slice %arg14[%dma_wait3A_510, %dma_wait3A_511] : memref<10240x32xf32, #tpu.memory_space<vmem_shared>> -> memref<10240x32xf32, #tpu.memory_space<vmem_shared>>
      tpu.wait_indirect_dma semaphore(%arg22 : memref<!tpu.dma_semaphore, #tpu.memory_space<semaphore_mem>>) src(%dma_wait3A_506 : memref<125x32xf32, #tpu.memory_space<vmem>>) dst(%dma_wait3A_512 : memref<10240x32xf32, #tpu.memory_space<vmem_shared>>)
      %add3A_513 = arith.constant 3 : i32
      %add3A_514 = arith.addi %add3A_499, %add3A_513 : i32
      %dma_start3A_515 = arith.constant 2 : i32
      %dma_start3A_516 = arith.constant 0 : i32
      %dma_start3A_517 = arith.constant 0 : i32
      %dma_start3A_518 = tpu.memref_slice %arg10[%dma_start3A_515, %dma_start3A_516, %dma_start3A_517] : memref<5x125x32xf32, #tpu.memory_space<vmem>> -> memref<1x125x32xf32, #tpu.memory_space<vmem>>
      %dma_start3A_519 = tpu.memref_squeeze %dma_start3A_518 : memref<1x125x32xf32, #tpu.memory_space<vmem>> -> memref<125x32xf32, #tpu.memory_space<vmem>>
      %dma_start3A_520 = arith.constant 0 : i32
      %dma_start3A_521 = tpu.memref_slice %arg8[%add3A_514, %dma_start3A_520] : memref<80x125xi32, #tpu.memory_space<vmem>> -> memref<1x125xi32, #tpu.memory_space<vmem>>
      %dma_start3A_522 = tpu.memref_squeeze %dma_start3A_521 : memref<1x125xi32, #tpu.memory_space<vmem>> -> memref<125xi32, #tpu.memory_space<vmem>>
      %dma_start3A_523 = arith.constant 0 : i32
      %dma_start3A_524 = arith.constant 0 : i32
      %dma_start3A_525 = tpu.memref_slice %arg7[%arg0, %dma_start3A_523, %dma_start3A_524] : memref<2x10240x32xf32, #tpu.memory_space<hbm>> -> memref<1x10240x32xf32, #tpu.memory_space<hbm>>
      %dma_start3A_526 = tpu.memref_squeeze %dma_start3A_525 : memref<1x10240x32xf32, #tpu.memory_space<hbm>> -> memref<10240x32xf32, #tpu.memory_space<hbm>>
      %dma_start3A_527 = arith.constant 0 : i32
      %dma_start3A_528 = arith.constant 0 : i32
      %dma_start3A_529 = tpu.memref_slice %dma_start3A_526[%dma_start3A_527, %dma_start3A_528] : memref<10240x32xf32, #tpu.memory_space<hbm>> -> memref<10240x32xf32, #tpu.memory_space<hbm>>
      tpu.enqueue_indirect_dma source(%dma_start3A_529 : memref<10240x32xf32, #tpu.memory_space<hbm>>) target(%dma_start3A_519 : memref<125x32xf32, #tpu.memory_space<vmem>>) offsets(%dma_start3A_522 : memref<125xi32, #tpu.memory_space<vmem>>) semaphore(%arg17 : memref<!tpu.dma_semaphore, #tpu.memory_space<semaphore_mem>>)
      %dma_wait3A_530 = arith.constant 4 : i32
      %dma_wait3A_531 = arith.constant 0 : i32
      %dma_wait3A_532 = arith.constant 0 : i32
      %dma_wait3A_533 = tpu.memref_slice %arg10[%dma_wait3A_530, %dma_wait3A_531, %dma_wait3A_532] : memref<5x125x32xf32, #tpu.memory_space<vmem>> -> memref<1x125x32xf32, #tpu.memory_space<vmem>>
      %dma_wait3A_534 = tpu.memref_squeeze %dma_wait3A_533 : memref<1x125x32xf32, #tpu.memory_space<vmem>> -> memref<125x32xf32, #tpu.memory_space<vmem>>
      %dma_wait3A_535 = arith.constant 0 : i32
      %dma_wait3A_536 = tpu.memref_slice %arg8[%add3A_499, %dma_wait3A_535] : memref<80x125xi32, #tpu.memory_space<vmem>> -> memref<1x125xi32, #tpu.memory_space<vmem>>
      %dma_wait3A_537 = tpu.memref_squeeze %dma_wait3A_536 : memref<1x125xi32, #tpu.memory_space<vmem>> -> memref<125xi32, #tpu.memory_space<vmem>>
      %dma_wait3A_538 = arith.constant 0 : i32
      %dma_wait3A_539 = arith.constant 0 : i32
      %dma_wait3A_540 = tpu.memref_slice %arg7[%arg0, %dma_wait3A_538, %dma_wait3A_539] : memref<2x10240x32xf32, #tpu.memory_space<hbm>> -> memref<1x10240x32xf32, #tpu.memory_space<hbm>>
      %dma_wait3A_541 = tpu.memref_squeeze %dma_wait3A_540 : memref<1x10240x32xf32, #tpu.memory_space<hbm>> -> memref<10240x32xf32, #tpu.memory_space<hbm>>
      %dma_wait3A_542 = arith.constant 0 : i32
      %dma_wait3A_543 = arith.constant 0 : i32
      %dma_wait3A_544 = tpu.memref_slice %dma_wait3A_541[%dma_wait3A_542, %dma_wait3A_543] : memref<10240x32xf32, #tpu.memory_space<hbm>> -> memref<10240x32xf32, #tpu.memory_space<hbm>>
      tpu.wait_indirect_dma semaphore(%arg19 : memref<!tpu.dma_semaphore, #tpu.memory_space<semaphore_mem>>) src(%dma_wait3A_544 : memref<10240x32xf32, #tpu.memory_space<hbm>>) dst(%dma_wait3A_534 : memref<125x32xf32, #tpu.memory_space<vmem>>)
      %dma_start3A_545 = arith.constant 4 : i32
      %dma_start3A_546 = arith.constant 0 : i32
      %dma_start3A_547 = arith.constant 0 : i32
      %dma_start3A_548 = tpu.memref_slice %arg10[%dma_start3A_545, %dma_start3A_546, %dma_start3A_547] : memref<5x125x32xf32, #tpu.memory_space<vmem>> -> memref<1x125x32xf32, #tpu.memory_space<vmem>>
      %dma_start3A_549 = tpu.memref_squeeze %dma_start3A_548 : memref<1x125x32xf32, #tpu.memory_space<vmem>> -> memref<125x32xf32, #tpu.memory_space<vmem>>
      %dma_start3A_550 = arith.constant 0 : i32
      %dma_start3A_551 = tpu.memref_slice %arg9[%add3A_499, %dma_start3A_550] : memref<80x125xi32, #tpu.memory_space<vmem>> -> memref<1x125xi32, #tpu.memory_space<vmem>>
      %dma_start3A_552 = tpu.memref_squeeze %dma_start3A_551 : memref<1x125xi32, #tpu.memory_space<vmem>> -> memref<125xi32, #tpu.memory_space<vmem>>
      %dma_start3A_553 = arith.constant 0 : i32
      %dma_start3A_554 = arith.constant 0 : i32
      %dma_start3A_555 = tpu.memref_slice %arg14[%dma_start3A_553, %dma_start3A_554] : memref<10240x32xf32, #tpu.memory_space<vmem_shared>> -> memref<10240x32xf32, #tpu.memory_space<vmem_shared>>
      tpu.enqueue_indirect_dma source(%dma_start3A_549 : memref<125x32xf32, #tpu.memory_space<vmem>>) target(%dma_start3A_555 : memref<10240x32xf32, #tpu.memory_space<vmem_shared>>) offsets(%dma_start3A_552 : memref<125xi32, #tpu.memory_space<vmem>>) semaphore(%arg24 : memref<!tpu.dma_semaphore, #tpu.memory_space<semaphore_mem>>) {add = true}
      %mul3A_556 = arith.constant 5 : i32
      %mul3A_557 = arith.muli %scan3A_370, %mul3A_556 : i32
      %add3A_558 = arith.constant 2 : i32
      %add3A_559 = arith.addi %add3A_558, %mul3A_557 : i32
      %add3A_560 = arith.constant 3 : i32
      %add3A_561 = arith.addi %add3A_559, %add3A_560 : i32
      %sub3A_562 = arith.constant 2 : i32
      %sub3A_563 = arith.subi %add3A_561, %sub3A_562 : i32
      %dma_wait3A_564 = arith.constant 3 : i32
      %dma_wait3A_565 = arith.constant 0 : i32
      %dma_wait3A_566 = arith.constant 0 : i32
      %dma_wait3A_567 = tpu.memref_slice %arg10[%dma_wait3A_564, %dma_wait3A_565, %dma_wait3A_566] : memref<5x125x32xf32, #tpu.memory_space<vmem>> -> memref<1x125x32xf32, #tpu.memory_space<vmem>>
      %dma_wait3A_568 = tpu.memref_squeeze %dma_wait3A_567 : memref<1x125x32xf32, #tpu.memory_space<vmem>> -> memref<125x32xf32, #tpu.memory_space<vmem>>
      %dma_wait3A_569 = arith.constant 0 : i32
      %dma_wait3A_570 = tpu.memref_slice %arg9[%sub3A_563, %dma_wait3A_569] : memref<80x125xi32, #tpu.memory_space<vmem>> -> memref<1x125xi32, #tpu.memory_space<vmem>>
      %dma_wait3A_571 = tpu.memref_squeeze %dma_wait3A_570 : memref<1x125xi32, #tpu.memory_space<vmem>> -> memref<125xi32, #tpu.memory_space<vmem>>
      %dma_wait3A_572 = arith.constant 0 : i32
      %dma_wait3A_573 = arith.constant 0 : i32
      %dma_wait3A_574 = tpu.memref_slice %arg14[%dma_wait3A_572, %dma_wait3A_573] : memref<10240x32xf32, #tpu.memory_space<vmem_shared>> -> memref<10240x32xf32, #tpu.memory_space<vmem_shared>>
      tpu.wait_indirect_dma semaphore(%arg23 : memref<!tpu.dma_semaphore, #tpu.memory_space<semaphore_mem>>) src(%dma_wait3A_568 : memref<125x32xf32, #tpu.memory_space<vmem>>) dst(%dma_wait3A_574 : memref<10240x32xf32, #tpu.memory_space<vmem_shared>>)
      %add3A_575 = arith.constant 3 : i32
      %add3A_576 = arith.addi %add3A_561, %add3A_575 : i32
      %dma_start3A_577 = arith.constant 3 : i32
      %dma_start3A_578 = arith.constant 0 : i32
      %dma_start3A_579 = arith.constant 0 : i32
      %dma_start3A_580 = tpu.memref_slice %arg10[%dma_start3A_577, %dma_start3A_578, %dma_start3A_579] : memref<5x125x32xf32, #tpu.memory_space<vmem>> -> memref<1x125x32xf32, #tpu.memory_space<vmem>>
      %dma_start3A_581 = tpu.memref_squeeze %dma_start3A_580 : memref<1x125x32xf32, #tpu.memory_space<vmem>> -> memref<125x32xf32, #tpu.memory_space<vmem>>
      %dma_start3A_582 = arith.constant 0 : i32
      %dma_start3A_583 = tpu.memref_slice %arg8[%add3A_576, %dma_start3A_582] : memref<80x125xi32, #tpu.memory_space<vmem>> -> memref<1x125xi32, #tpu.memory_space<vmem>>
      %dma_start3A_584 = tpu.memref_squeeze %dma_start3A_583 : memref<1x125xi32, #tpu.memory_space<vmem>> -> memref<125xi32, #tpu.memory_space<vmem>>
      %dma_start3A_585 = arith.constant 0 : i32
      %dma_start3A_586 = arith.constant 0 : i32
      %dma_start3A_587 = tpu.memref_slice %arg7[%arg0, %dma_start3A_585, %dma_start3A_586] : memref<2x10240x32xf32, #tpu.memory_space<hbm>> -> memref<1x10240x32xf32, #tpu.memory_space<hbm>>
      %dma_start3A_588 = tpu.memref_squeeze %dma_start3A_587 : memref<1x10240x32xf32, #tpu.memory_space<hbm>> -> memref<10240x32xf32, #tpu.memory_space<hbm>>
      %dma_start3A_589 = arith.constant 0 : i32
      %dma_start3A_590 = arith.constant 0 : i32
      %dma_start3A_591 = tpu.memref_slice %dma_start3A_588[%dma_start3A_589, %dma_start3A_590] : memref<10240x32xf32, #tpu.memory_space<hbm>> -> memref<10240x32xf32, #tpu.memory_space<hbm>>
      tpu.enqueue_indirect_dma source(%dma_start3A_591 : memref<10240x32xf32, #tpu.memory_space<hbm>>) target(%dma_start3A_581 : memref<125x32xf32, #tpu.memory_space<vmem>>) offsets(%dma_start3A_584 : memref<125xi32, #tpu.memory_space<vmem>>) semaphore(%arg18 : memref<!tpu.dma_semaphore, #tpu.memory_space<semaphore_mem>>)
      %dma_wait3A_592 = arith.constant 0 : i32
      %dma_wait3A_593 = arith.constant 0 : i32
      %dma_wait3A_594 = arith.constant 0 : i32
      %dma_wait3A_595 = tpu.memref_slice %arg10[%dma_wait3A_592, %dma_wait3A_593, %dma_wait3A_594] : memref<5x125x32xf32, #tpu.memory_space<vmem>> -> memref<1x125x32xf32, #tpu.memory_space<vmem>>
      %dma_wait3A_596 = tpu.memref_squeeze %dma_wait3A_595 : memref<1x125x32xf32, #tpu.memory_space<vmem>> -> memref<125x32xf32, #tpu.memory_space<vmem>>
      %dma_wait3A_597 = arith.constant 0 : i32
      %dma_wait3A_598 = tpu.memref_slice %arg8[%add3A_561, %dma_wait3A_597] : memref<80x125xi32, #tpu.memory_space<vmem>> -> memref<1x125xi32, #tpu.memory_space<vmem>>
      %dma_wait3A_599 = tpu.memref_squeeze %dma_wait3A_598 : memref<1x125xi32, #tpu.memory_space<vmem>> -> memref<125xi32, #tpu.memory_space<vmem>>
      %dma_wait3A_600 = arith.constant 0 : i32
      %dma_wait3A_601 = arith.constant 0 : i32
      %dma_wait3A_602 = tpu.memref_slice %arg7[%arg0, %dma_wait3A_600, %dma_wait3A_601] : memref<2x10240x32xf32, #tpu.memory_space<hbm>> -> memref<1x10240x32xf32, #tpu.memory_space<hbm>>
      %dma_wait3A_603 = tpu.memref_squeeze %dma_wait3A_602 : memref<1x10240x32xf32, #tpu.memory_space<hbm>> -> memref<10240x32xf32, #tpu.memory_space<hbm>>
      %dma_wait3A_604 = arith.constant 0 : i32
      %dma_wait3A_605 = arith.constant 0 : i32
      %dma_wait3A_606 = tpu.memref_slice %dma_wait3A_603[%dma_wait3A_604, %dma_wait3A_605] : memref<10240x32xf32, #tpu.memory_space<hbm>> -> memref<10240x32xf32, #tpu.memory_space<hbm>>
      tpu.wait_indirect_dma semaphore(%arg15 : memref<!tpu.dma_semaphore, #tpu.memory_space<semaphore_mem>>) src(%dma_wait3A_606 : memref<10240x32xf32, #tpu.memory_space<hbm>>) dst(%dma_wait3A_596 : memref<125x32xf32, #tpu.memory_space<vmem>>)
      %dma_start3A_607 = arith.constant 0 : i32
      %dma_start3A_608 = arith.constant 0 : i32
      %dma_start3A_609 = arith.constant 0 : i32
      %dma_start3A_610 = tpu.memref_slice %arg10[%dma_start3A_607, %dma_start3A_608, %dma_start3A_609] : memref<5x125x32xf32, #tpu.memory_space<vmem>> -> memref<1x125x32xf32, #tpu.memory_space<vmem>>
      %dma_start3A_611 = tpu.memref_squeeze %dma_start3A_610 : memref<1x125x32xf32, #tpu.memory_space<vmem>> -> memref<125x32xf32, #tpu.memory_space<vmem>>
      %dma_start3A_612 = arith.constant 0 : i32
      %dma_start3A_613 = tpu.memref_slice %arg9[%add3A_561, %dma_start3A_612] : memref<80x125xi32, #tpu.memory_space<vmem>> -> memref<1x125xi32, #tpu.memory_space<vmem>>
      %dma_start3A_614 = tpu.memref_squeeze %dma_start3A_613 : memref<1x125xi32, #tpu.memory_space<vmem>> -> memref<125xi32, #tpu.memory_space<vmem>>
      %dma_start3A_615 = arith.constant 0 : i32
      %dma_start3A_616 = arith.constant 0 : i32
      %dma_start3A_617 = tpu.memref_slice %arg14[%dma_start3A_615, %dma_start3A_616] : memref<10240x32xf32, #tpu.memory_space<vmem_shared>> -> memref<10240x32xf32, #tpu.memory_space<vmem_shared>>
      tpu.enqueue_indirect_dma source(%dma_start3A_611 : memref<125x32xf32, #tpu.memory_space<vmem>>) target(%dma_start3A_617 : memref<10240x32xf32, #tpu.memory_space<vmem_shared>>) offsets(%dma_start3A_614 : memref<125xi32, #tpu.memory_space<vmem>>) semaphore(%arg20 : memref<!tpu.dma_semaphore, #tpu.memory_space<semaphore_mem>>) {add = true}
      %mul3A_618 = arith.constant 5 : i32
      %mul3A_619 = arith.muli %scan3A_370, %mul3A_618 : i32
      %add3A_620 = arith.constant 2 : i32
      %add3A_621 = arith.addi %add3A_620, %mul3A_619 : i32
      %add3A_622 = arith.constant 4 : i32
      %add3A_623 = arith.addi %add3A_621, %add3A_622 : i32
      %sub3A_624 = arith.constant 2 : i32
      %sub3A_625 = arith.subi %add3A_623, %sub3A_624 : i32
      %dma_wait3A_626 = arith.constant 4 : i32
      %dma_wait3A_627 = arith.constant 0 : i32
      %dma_wait3A_628 = arith.constant 0 : i32
      %dma_wait3A_629 = tpu.memref_slice %arg10[%dma_wait3A_626, %dma_wait3A_627, %dma_wait3A_628] : memref<5x125x32xf32, #tpu.memory_space<vmem>> -> memref<1x125x32xf32, #tpu.memory_space<vmem>>
      %dma_wait3A_630 = tpu.memref_squeeze %dma_wait3A_629 : memref<1x125x32xf32, #tpu.memory_space<vmem>> -> memref<125x32xf32, #tpu.memory_space<vmem>>
      %dma_wait3A_631 = arith.constant 0 : i32
      %dma_wait3A_632 = tpu.memref_slice %arg9[%sub3A_625, %dma_wait3A_631] : memref<80x125xi32, #tpu.memory_space<vmem>> -> memref<1x125xi32, #tpu.memory_space<vmem>>
      %dma_wait3A_633 = tpu.memref_squeeze %dma_wait3A_632 : memref<1x125xi32, #tpu.memory_space<vmem>> -> memref<125xi32, #tpu.memory_space<vmem>>
      %dma_wait3A_634 = arith.constant 0 : i32
      %dma_wait3A_635 = arith.constant 0 : i32
      %dma_wait3A_636 = tpu.memref_slice %arg14[%dma_wait3A_634, %dma_wait3A_635] : memref<10240x32xf32, #tpu.memory_space<vmem_shared>> -> memref<10240x32xf32, #tpu.memory_space<vmem_shared>>
      tpu.wait_indirect_dma semaphore(%arg24 : memref<!tpu.dma_semaphore, #tpu.memory_space<semaphore_mem>>) src(%dma_wait3A_630 : memref<125x32xf32, #tpu.memory_space<vmem>>) dst(%dma_wait3A_636 : memref<10240x32xf32, #tpu.memory_space<vmem_shared>>)
      %add3A_637 = arith.constant 3 : i32
      %add3A_638 = arith.addi %add3A_623, %add3A_637 : i32
      %dma_start3A_639 = arith.constant 4 : i32
      %dma_start3A_640 = arith.constant 0 : i32
      %dma_start3A_641 = arith.constant 0 : i32
      %dma_start3A_642 = tpu.memref_slice %arg10[%dma_start3A_639, %dma_start3A_640, %dma_start3A_641] : memref<5x125x32xf32, #tpu.memory_space<vmem>> -> memref<1x125x32xf32, #tpu.memory_space<vmem>>
      %dma_start3A_643 = tpu.memref_squeeze %dma_start3A_642 : memref<1x125x32xf32, #tpu.memory_space<vmem>> -> memref<125x32xf32, #tpu.memory_space<vmem>>
      %dma_start3A_644 = arith.constant 0 : i32
      %dma_start3A_645 = tpu.memref_slice %arg8[%add3A_638, %dma_start3A_644] : memref<80x125xi32, #tpu.memory_space<vmem>> -> memref<1x125xi32, #tpu.memory_space<vmem>>
      %dma_start3A_646 = tpu.memref_squeeze %dma_start3A_645 : memref<1x125xi32, #tpu.memory_space<vmem>> -> memref<125xi32, #tpu.memory_space<vmem>>
      %dma_start3A_647 = arith.constant 0 : i32
      %dma_start3A_648 = arith.constant 0 : i32
      %dma_start3A_649 = tpu.memref_slice %arg7[%arg0, %dma_start3A_647, %dma_start3A_648] : memref<2x10240x32xf32, #tpu.memory_space<hbm>> -> memref<1x10240x32xf32, #tpu.memory_space<hbm>>
      %dma_start3A_650 = tpu.memref_squeeze %dma_start3A_649 : memref<1x10240x32xf32, #tpu.memory_space<hbm>> -> memref<10240x32xf32, #tpu.memory_space<hbm>>
      %dma_start3A_651 = arith.constant 0 : i32
      %dma_start3A_652 = arith.constant 0 : i32
      %dma_start3A_653 = tpu.memref_slice %dma_start3A_650[%dma_start3A_651, %dma_start3A_652] : memref<10240x32xf32, #tpu.memory_space<hbm>> -> memref<10240x32xf32, #tpu.memory_space<hbm>>
      tpu.enqueue_indirect_dma source(%dma_start3A_653 : memref<10240x32xf32, #tpu.memory_space<hbm>>) target(%dma_start3A_643 : memref<125x32xf32, #tpu.memory_space<vmem>>) offsets(%dma_start3A_646 : memref<125xi32, #tpu.memory_space<vmem>>) semaphore(%arg19 : memref<!tpu.dma_semaphore, #tpu.memory_space<semaphore_mem>>)
      %dma_wait3A_654 = arith.constant 1 : i32
      %dma_wait3A_655 = arith.constant 0 : i32
      %dma_wait3A_656 = arith.constant 0 : i32
      %dma_wait3A_657 = tpu.memref_slice %arg10[%dma_wait3A_654, %dma_wait3A_655, %dma_wait3A_656] : memref<5x125x32xf32, #tpu.memory_space<vmem>> -> memref<1x125x32xf32, #tpu.memory_space<vmem>>
      %dma_wait3A_658 = tpu.memref_squeeze %dma_wait3A_657 : memref<1x125x32xf32, #tpu.memory_space<vmem>> -> memref<125x32xf32, #tpu.memory_space<vmem>>
      %dma_wait3A_659 = arith.constant 0 : i32
      %dma_wait3A_660 = tpu.memref_slice %arg8[%add3A_623, %dma_wait3A_659] : memref<80x125xi32, #tpu.memory_space<vmem>> -> memref<1x125xi32, #tpu.memory_space<vmem>>
      %dma_wait3A_661 = tpu.memref_squeeze %dma_wait3A_660 : memref<1x125xi32, #tpu.memory_space<vmem>> -> memref<125xi32, #tpu.memory_space<vmem>>
      %dma_wait3A_662 = arith.constant 0 : i32
      %dma_wait3A_663 = arith.constant 0 : i32
      %dma_wait3A_664 = tpu.memref_slice %arg7[%arg0, %dma_wait3A_662, %dma_wait3A_663] : memref<2x10240x32xf32, #tpu.memory_space<hbm>> -> memref<1x10240x32xf32, #tpu.memory_space<hbm>>
      %dma_wait3A_665 = tpu.memref_squeeze %dma_wait3A_664 : memref<1x10240x32xf32, #tpu.memory_space<hbm>> -> memref<10240x32xf32, #tpu.memory_space<hbm>>
      %dma_wait3A_666 = arith.constant 0 : i32
      %dma_wait3A_667 = arith.constant 0 : i32
      %dma_wait3A_668 = tpu.memref_slice %dma_wait3A_665[%dma_wait3A_666, %dma_wait3A_667] : memref<10240x32xf32, #tpu.memory_space<hbm>> -> memref<10240x32xf32, #tpu.memory_space<hbm>>
      tpu.wait_indirect_dma semaphore(%arg16 : memref<!tpu.dma_semaphore, #tpu.memory_space<semaphore_mem>>) src(%dma_wait3A_668 : memref<10240x32xf32, #tpu.memory_space<hbm>>) dst(%dma_wait3A_658 : memref<125x32xf32, #tpu.memory_space<vmem>>)
      %dma_start3A_669 = arith.constant 1 : i32
      %dma_start3A_670 = arith.constant 0 : i32
      %dma_start3A_671 = arith.constant 0 : i32
      %dma_start3A_672 = tpu.memref_slice %arg10[%dma_start3A_669, %dma_start3A_670, %dma_start3A_671] : memref<5x125x32xf32, #tpu.memory_space<vmem>> -> memref<1x125x32xf32, #tpu.memory_space<vmem>>
      %dma_start3A_673 = tpu.memref_squeeze %dma_start3A_672 : memref<1x125x32xf32, #tpu.memory_space<vmem>> -> memref<125x32xf32, #tpu.memory_space<vmem>>
      %dma_start3A_674 = arith.constant 0 : i32
      %dma_start3A_675 = tpu.memref_slice %arg9[%add3A_623, %dma_start3A_674] : memref<80x125xi32, #tpu.memory_space<vmem>> -> memref<1x125xi32, #tpu.memory_space<vmem>>
      %dma_start3A_676 = tpu.memref_squeeze %dma_start3A_675 : memref<1x125xi32, #tpu.memory_space<vmem>> -> memref<125xi32, #tpu.memory_space<vmem>>
      %dma_start3A_677 = arith.constant 0 : i32
      %dma_start3A_678 = arith.constant 0 : i32
      %dma_start3A_679 = tpu.memref_slice %arg14[%dma_start3A_677, %dma_start3A_678] : memref<10240x32xf32, #tpu.memory_space<vmem_shared>> -> memref<10240x32xf32, #tpu.memory_space<vmem_shared>>
      tpu.enqueue_indirect_dma source(%dma_start3A_673 : memref<125x32xf32, #tpu.memory_space<vmem>>) target(%dma_start3A_679 : memref<10240x32xf32, #tpu.memory_space<vmem_shared>>) offsets(%dma_start3A_676 : memref<125xi32, #tpu.memory_space<vmem>>) semaphore(%arg21 : memref<!tpu.dma_semaphore, #tpu.memory_space<semaphore_mem>>) {add = true}
      %scan3A_680 = arith.constant 0 : i32
      scf.yield %scan3A_680 : i32
    }
    %scan3A_207 = arith.constant 15 : i32
    %dma_wait3A_208 = arith.constant 0 : i32
    %dma_wait3A_209 = arith.constant 75 : i32
    %dma_wait3A_210 = arith.constant 0 : i32
    %dma_wait3A_211 = arith.constant 0 : i32
    %dma_wait3A_212 = tpu.memref_slice %arg10[%dma_wait3A_208, %dma_wait3A_210, %dma_wait3A_211] : memref<5x125x32xf32, #tpu.memory_space<vmem>> -> memref<1x125x32xf32, #tpu.memory_space<vmem>>
    %dma_wait3A_213 = tpu.memref_squeeze %dma_wait3A_212 : memref<1x125x32xf32, #tpu.memory_space<vmem>> -> memref<125x32xf32, #tpu.memory_space<vmem>>
    %dma_wait3A_214 = arith.constant 0 : i32
    %dma_wait3A_215 = tpu.memref_slice %arg9[%dma_wait3A_209, %dma_wait3A_214] : memref<80x125xi32, #tpu.memory_space<vmem>> -> memref<1x125xi32, #tpu.memory_space<vmem>>
    %dma_wait3A_216 = tpu.memref_squeeze %dma_wait3A_215 : memref<1x125xi32, #tpu.memory_space<vmem>> -> memref<125xi32, #tpu.memory_space<vmem>>
    %dma_wait3A_217 = arith.constant 0 : i32
    %dma_wait3A_218 = arith.constant 0 : i32
    %dma_wait3A_219 = tpu.memref_slice %arg14[%dma_wait3A_217, %dma_wait3A_218] : memref<10240x32xf32, #tpu.memory_space<vmem_shared>> -> memref<10240x32xf32, #tpu.memory_space<vmem_shared>>
    tpu.wait_indirect_dma semaphore(%arg20 : memref<!tpu.dma_semaphore, #tpu.memory_space<semaphore_mem>>) src(%dma_wait3A_213 : memref<125x32xf32, #tpu.memory_space<vmem>>) dst(%dma_wait3A_219 : memref<10240x32xf32, #tpu.memory_space<vmem_shared>>)
    %dma_wait3A_220 = arith.constant 77 : i32
    %dma_wait3A_221 = arith.constant 2 : i32
    %dma_wait3A_222 = arith.constant 0 : i32
    %dma_wait3A_223 = arith.constant 0 : i32
    %dma_wait3A_224 = tpu.memref_slice %arg10[%dma_wait3A_221, %dma_wait3A_222, %dma_wait3A_223] : memref<5x125x32xf32, #tpu.memory_space<vmem>> -> memref<1x125x32xf32, #tpu.memory_space<vmem>>
    %dma_wait3A_225 = tpu.memref_squeeze %dma_wait3A_224 : memref<1x125x32xf32, #tpu.memory_space<vmem>> -> memref<125x32xf32, #tpu.memory_space<vmem>>
    %dma_wait3A_226 = arith.constant 0 : i32
    %dma_wait3A_227 = tpu.memref_slice %arg8[%dma_wait3A_220, %dma_wait3A_226] : memref<80x125xi32, #tpu.memory_space<vmem>> -> memref<1x125xi32, #tpu.memory_space<vmem>>
    %dma_wait3A_228 = tpu.memref_squeeze %dma_wait3A_227 : memref<1x125xi32, #tpu.memory_space<vmem>> -> memref<125xi32, #tpu.memory_space<vmem>>
    %dma_wait3A_229 = arith.constant 0 : i32
    %dma_wait3A_230 = arith.constant 0 : i32
    %dma_wait3A_231 = tpu.memref_slice %arg7[%arg0, %dma_wait3A_229, %dma_wait3A_230] : memref<2x10240x32xf32, #tpu.memory_space<hbm>> -> memref<1x10240x32xf32, #tpu.memory_space<hbm>>
    %dma_wait3A_232 = tpu.memref_squeeze %dma_wait3A_231 : memref<1x10240x32xf32, #tpu.memory_space<hbm>> -> memref<10240x32xf32, #tpu.memory_space<hbm>>
    %dma_wait3A_233 = arith.constant 0 : i32
    %dma_wait3A_234 = arith.constant 0 : i32
    %dma_wait3A_235 = tpu.memref_slice %dma_wait3A_232[%dma_wait3A_233, %dma_wait3A_234] : memref<10240x32xf32, #tpu.memory_space<hbm>> -> memref<10240x32xf32, #tpu.memory_space<hbm>>
    tpu.wait_indirect_dma semaphore(%arg17 : memref<!tpu.dma_semaphore, #tpu.memory_space<semaphore_mem>>) src(%dma_wait3A_235 : memref<10240x32xf32, #tpu.memory_space<hbm>>) dst(%dma_wait3A_225 : memref<125x32xf32, #tpu.memory_space<vmem>>)
    %dma_start3A_236 = arith.constant 2 : i32
    %dma_start3A_237 = arith.constant 77 : i32
    %dma_start3A_238 = arith.constant 0 : i32
    %dma_start3A_239 = arith.constant 0 : i32
    %dma_start3A_240 = tpu.memref_slice %arg10[%dma_start3A_236, %dma_start3A_238, %dma_start3A_239] : memref<5x125x32xf32, #tpu.memory_space<vmem>> -> memref<1x125x32xf32, #tpu.memory_space<vmem>>
    %dma_start3A_241 = tpu.memref_squeeze %dma_start3A_240 : memref<1x125x32xf32, #tpu.memory_space<vmem>> -> memref<125x32xf32, #tpu.memory_space<vmem>>
    %dma_start3A_242 = arith.constant 0 : i32
    %dma_start3A_243 = tpu.memref_slice %arg9[%dma_start3A_237, %dma_start3A_242] : memref<80x125xi32, #tpu.memory_space<vmem>> -> memref<1x125xi32, #tpu.memory_space<vmem>>
    %dma_start3A_244 = tpu.memref_squeeze %dma_start3A_243 : memref<1x125xi32, #tpu.memory_space<vmem>> -> memref<125xi32, #tpu.memory_space<vmem>>
    %dma_start3A_245 = arith.constant 0 : i32
    %dma_start3A_246 = arith.constant 0 : i32
    %dma_start3A_247 = tpu.memref_slice %arg14[%dma_start3A_245, %dma_start3A_246] : memref<10240x32xf32, #tpu.memory_space<vmem_shared>> -> memref<10240x32xf32, #tpu.memory_space<vmem_shared>>
    tpu.enqueue_indirect_dma source(%dma_start3A_241 : memref<125x32xf32, #tpu.memory_space<vmem>>) target(%dma_start3A_247 : memref<10240x32xf32, #tpu.memory_space<vmem_shared>>) offsets(%dma_start3A_244 : memref<125xi32, #tpu.memory_space<vmem>>) semaphore(%arg22 : memref<!tpu.dma_semaphore, #tpu.memory_space<semaphore_mem>>) {add = true}
    %dma_wait3A_248 = arith.constant 1 : i32
    %dma_wait3A_249 = arith.constant 76 : i32
    %dma_wait3A_250 = arith.constant 0 : i32
    %dma_wait3A_251 = arith.constant 0 : i32
    %dma_wait3A_252 = tpu.memref_slice %arg10[%dma_wait3A_248, %dma_wait3A_250, %dma_wait3A_251] : memref<5x125x32xf32, #tpu.memory_space<vmem>> -> memref<1x125x32xf32, #tpu.memory_space<vmem>>
    %dma_wait3A_253 = tpu.memref_squeeze %dma_wait3A_252 : memref<1x125x32xf32, #tpu.memory_space<vmem>> -> memref<125x32xf32, #tpu.memory_space<vmem>>
    %dma_wait3A_254 = arith.constant 0 : i32
    %dma_wait3A_255 = tpu.memref_slice %arg9[%dma_wait3A_249, %dma_wait3A_254] : memref<80x125xi32, #tpu.memory_space<vmem>> -> memref<1x125xi32, #tpu.memory_space<vmem>>
    %dma_wait3A_256 = tpu.memref_squeeze %dma_wait3A_255 : memref<1x125xi32, #tpu.memory_space<vmem>> -> memref<125xi32, #tpu.memory_space<vmem>>
    %dma_wait3A_257 = arith.constant 0 : i32
    %dma_wait3A_258 = arith.constant 0 : i32
    %dma_wait3A_259 = tpu.memref_slice %arg14[%dma_wait3A_257, %dma_wait3A_258] : memref<10240x32xf32, #tpu.memory_space<vmem_shared>> -> memref<10240x32xf32, #tpu.memory_space<vmem_shared>>
    tpu.wait_indirect_dma semaphore(%arg21 : memref<!tpu.dma_semaphore, #tpu.memory_space<semaphore_mem>>) src(%dma_wait3A_253 : memref<125x32xf32, #tpu.memory_space<vmem>>) dst(%dma_wait3A_259 : memref<10240x32xf32, #tpu.memory_space<vmem_shared>>)
    %dma_wait3A_260 = arith.constant 78 : i32
    %dma_wait3A_261 = arith.constant 3 : i32
    %dma_wait3A_262 = arith.constant 0 : i32
    %dma_wait3A_263 = arith.constant 0 : i32
    %dma_wait3A_264 = tpu.memref_slice %arg10[%dma_wait3A_261, %dma_wait3A_262, %dma_wait3A_263] : memref<5x125x32xf32, #tpu.memory_space<vmem>> -> memref<1x125x32xf32, #tpu.memory_space<vmem>>
    %dma_wait3A_265 = tpu.memref_squeeze %dma_wait3A_264 : memref<1x125x32xf32, #tpu.memory_space<vmem>> -> memref<125x32xf32, #tpu.memory_space<vmem>>
    %dma_wait3A_266 = arith.constant 0 : i32
    %dma_wait3A_267 = tpu.memref_slice %arg8[%dma_wait3A_260, %dma_wait3A_266] : memref<80x125xi32, #tpu.memory_space<vmem>> -> memref<1x125xi32, #tpu.memory_space<vmem>>
    %dma_wait3A_268 = tpu.memref_squeeze %dma_wait3A_267 : memref<1x125xi32, #tpu.memory_space<vmem>> -> memref<125xi32, #tpu.memory_space<vmem>>
    %dma_wait3A_269 = arith.constant 0 : i32
    %dma_wait3A_270 = arith.constant 0 : i32
    %dma_wait3A_271 = tpu.memref_slice %arg7[%arg0, %dma_wait3A_269, %dma_wait3A_270] : memref<2x10240x32xf32, #tpu.memory_space<hbm>> -> memref<1x10240x32xf32, #tpu.memory_space<hbm>>
    %dma_wait3A_272 = tpu.memref_squeeze %dma_wait3A_271 : memref<1x10240x32xf32, #tpu.memory_space<hbm>> -> memref<10240x32xf32, #tpu.memory_space<hbm>>
    %dma_wait3A_273 = arith.constant 0 : i32
    %dma_wait3A_274 = arith.constant 0 : i32
    %dma_wait3A_275 = tpu.memref_slice %dma_wait3A_272[%dma_wait3A_273, %dma_wait3A_274] : memref<10240x32xf32, #tpu.memory_space<hbm>> -> memref<10240x32xf32, #tpu.memory_space<hbm>>
    tpu.wait_indirect_dma semaphore(%arg18 : memref<!tpu.dma_semaphore, #tpu.memory_space<semaphore_mem>>) src(%dma_wait3A_275 : memref<10240x32xf32, #tpu.memory_space<hbm>>) dst(%dma_wait3A_265 : memref<125x32xf32, #tpu.memory_space<vmem>>)
    %dma_start3A_276 = arith.constant 3 : i32
    %dma_start3A_277 = arith.constant 78 : i32
    %dma_start3A_278 = arith.constant 0 : i32
    %dma_start3A_279 = arith.constant 0 : i32
    %dma_start3A_280 = tpu.memref_slice %arg10[%dma_start3A_276, %dma_start3A_278, %dma_start3A_279] : memref<5x125x32xf32, #tpu.memory_space<vmem>> -> memref<1x125x32xf32, #tpu.memory_space<vmem>>
    %dma_start3A_281 = tpu.memref_squeeze %dma_start3A_280 : memref<1x125x32xf32, #tpu.memory_space<vmem>> -> memref<125x32xf32, #tpu.memory_space<vmem>>
    %dma_start3A_282 = arith.constant 0 : i32
    %dma_start3A_283 = tpu.memref_slice %arg9[%dma_start3A_277, %dma_start3A_282] : memref<80x125xi32, #tpu.memory_space<vmem>> -> memref<1x125xi32, #tpu.memory_space<vmem>>
    %dma_start3A_284 = tpu.memref_squeeze %dma_start3A_283 : memref<1x125xi32, #tpu.memory_space<vmem>> -> memref<125xi32, #tpu.memory_space<vmem>>
    %dma_start3A_285 = arith.constant 0 : i32
    %dma_start3A_286 = arith.constant 0 : i32
    %dma_start3A_287 = tpu.memref_slice %arg14[%dma_start3A_285, %dma_start3A_286] : memref<10240x32xf32, #tpu.memory_space<vmem_shared>> -> memref<10240x32xf32, #tpu.memory_space<vmem_shared>>
    tpu.enqueue_indirect_dma source(%dma_start3A_281 : memref<125x32xf32, #tpu.memory_space<vmem>>) target(%dma_start3A_287 : memref<10240x32xf32, #tpu.memory_space<vmem_shared>>) offsets(%dma_start3A_284 : memref<125xi32, #tpu.memory_space<vmem>>) semaphore(%arg23 : memref<!tpu.dma_semaphore, #tpu.memory_space<semaphore_mem>>) {add = true}
    %dma_wait3A_288 = arith.constant 2 : i32
    %dma_wait3A_289 = arith.constant 77 : i32
    %dma_wait3A_290 = arith.constant 0 : i32
    %dma_wait3A_291 = arith.constant 0 : i32
    %dma_wait3A_292 = tpu.memref_slice %arg10[%dma_wait3A_288, %dma_wait3A_290, %dma_wait3A_291] : memref<5x125x32xf32, #tpu.memory_space<vmem>> -> memref<1x125x32xf32, #tpu.memory_space<vmem>>
    %dma_wait3A_293 = tpu.memref_squeeze %dma_wait3A_292 : memref<1x125x32xf32, #tpu.memory_space<vmem>> -> memref<125x32xf32, #tpu.memory_space<vmem>>
    %dma_wait3A_294 = arith.constant 0 : i32
    %dma_wait3A_295 = tpu.memref_slice %arg9[%dma_wait3A_289, %dma_wait3A_294] : memref<80x125xi32, #tpu.memory_space<vmem>> -> memref<1x125xi32, #tpu.memory_space<vmem>>
    %dma_wait3A_296 = tpu.memref_squeeze %dma_wait3A_295 : memref<1x125xi32, #tpu.memory_space<vmem>> -> memref<125xi32, #tpu.memory_space<vmem>>
    %dma_wait3A_297 = arith.constant 0 : i32
    %dma_wait3A_298 = arith.constant 0 : i32
    %dma_wait3A_299 = tpu.memref_slice %arg14[%dma_wait3A_297, %dma_wait3A_298] : memref<10240x32xf32, #tpu.memory_space<vmem_shared>> -> memref<10240x32xf32, #tpu.memory_space<vmem_shared>>
    tpu.wait_indirect_dma semaphore(%arg22 : memref<!tpu.dma_semaphore, #tpu.memory_space<semaphore_mem>>) src(%dma_wait3A_293 : memref<125x32xf32, #tpu.memory_space<vmem>>) dst(%dma_wait3A_299 : memref<10240x32xf32, #tpu.memory_space<vmem_shared>>)
    %dma_wait3A_300 = arith.constant 79 : i32
    %dma_wait3A_301 = arith.constant 4 : i32
    %dma_wait3A_302 = arith.constant 0 : i32
    %dma_wait3A_303 = arith.constant 0 : i32
    %dma_wait3A_304 = tpu.memref_slice %arg10[%dma_wait3A_301, %dma_wait3A_302, %dma_wait3A_303] : memref<5x125x32xf32, #tpu.memory_space<vmem>> -> memref<1x125x32xf32, #tpu.memory_space<vmem>>
    %dma_wait3A_305 = tpu.memref_squeeze %dma_wait3A_304 : memref<1x125x32xf32, #tpu.memory_space<vmem>> -> memref<125x32xf32, #tpu.memory_space<vmem>>
    %dma_wait3A_306 = arith.constant 0 : i32
    %dma_wait3A_307 = tpu.memref_slice %arg8[%dma_wait3A_300, %dma_wait3A_306] : memref<80x125xi32, #tpu.memory_space<vmem>> -> memref<1x125xi32, #tpu.memory_space<vmem>>
    %dma_wait3A_308 = tpu.memref_squeeze %dma_wait3A_307 : memref<1x125xi32, #tpu.memory_space<vmem>> -> memref<125xi32, #tpu.memory_space<vmem>>
    %dma_wait3A_309 = arith.constant 0 : i32
    %dma_wait3A_310 = arith.constant 0 : i32
    %dma_wait3A_311 = tpu.memref_slice %arg7[%arg0, %dma_wait3A_309, %dma_wait3A_310] : memref<2x10240x32xf32, #tpu.memory_space<hbm>> -> memref<1x10240x32xf32, #tpu.memory_space<hbm>>
    %dma_wait3A_312 = tpu.memref_squeeze %dma_wait3A_311 : memref<1x10240x32xf32, #tpu.memory_space<hbm>> -> memref<10240x32xf32, #tpu.memory_space<hbm>>
    %dma_wait3A_313 = arith.constant 0 : i32
    %dma_wait3A_314 = arith.constant 0 : i32
    %dma_wait3A_315 = tpu.memref_slice %dma_wait3A_312[%dma_wait3A_313, %dma_wait3A_314] : memref<10240x32xf32, #tpu.memory_space<hbm>> -> memref<10240x32xf32, #tpu.memory_space<hbm>>
    tpu.wait_indirect_dma semaphore(%arg19 : memref<!tpu.dma_semaphore, #tpu.memory_space<semaphore_mem>>) src(%dma_wait3A_315 : memref<10240x32xf32, #tpu.memory_space<hbm>>) dst(%dma_wait3A_305 : memref<125x32xf32, #tpu.memory_space<vmem>>)
    %dma_start3A_316 = arith.constant 4 : i32
    %dma_start3A_317 = arith.constant 79 : i32
    %dma_start3A_318 = arith.constant 0 : i32
    %dma_start3A_319 = arith.constant 0 : i32
    %dma_start3A_320 = tpu.memref_slice %arg10[%dma_start3A_316, %dma_start3A_318, %dma_start3A_319] : memref<5x125x32xf32, #tpu.memory_space<vmem>> -> memref<1x125x32xf32, #tpu.memory_space<vmem>>
    %dma_start3A_321 = tpu.memref_squeeze %dma_start3A_320 : memref<1x125x32xf32, #tpu.memory_space<vmem>> -> memref<125x32xf32, #tpu.memory_space<vmem>>
    %dma_start3A_322 = arith.constant 0 : i32
    %dma_start3A_323 = tpu.memref_slice %arg9[%dma_start3A_317, %dma_start3A_322] : memref<80x125xi32, #tpu.memory_space<vmem>> -> memref<1x125xi32, #tpu.memory_space<vmem>>
    %dma_start3A_324 = tpu.memref_squeeze %dma_start3A_323 : memref<1x125xi32, #tpu.memory_space<vmem>> -> memref<125xi32, #tpu.memory_space<vmem>>
    %dma_start3A_325 = arith.constant 0 : i32
    %dma_start3A_326 = arith.constant 0 : i32
    %dma_start3A_327 = tpu.memref_slice %arg14[%dma_start3A_325, %dma_start3A_326] : memref<10240x32xf32, #tpu.memory_space<vmem_shared>> -> memref<10240x32xf32, #tpu.memory_space<vmem_shared>>
    tpu.enqueue_indirect_dma source(%dma_start3A_321 : memref<125x32xf32, #tpu.memory_space<vmem>>) target(%dma_start3A_327 : memref<10240x32xf32, #tpu.memory_space<vmem_shared>>) offsets(%dma_start3A_324 : memref<125xi32, #tpu.memory_space<vmem>>) semaphore(%arg24 : memref<!tpu.dma_semaphore, #tpu.memory_space<semaphore_mem>>) {add = true}
    %dma_wait3A_328 = arith.constant 3 : i32
    %dma_wait3A_329 = arith.constant 78 : i32
    %dma_wait3A_330 = arith.constant 0 : i32
    %dma_wait3A_331 = arith.constant 0 : i32
    %dma_wait3A_332 = tpu.memref_slice %arg10[%dma_wait3A_328, %dma_wait3A_330, %dma_wait3A_331] : memref<5x125x32xf32, #tpu.memory_space<vmem>> -> memref<1x125x32xf32, #tpu.memory_space<vmem>>
    %dma_wait3A_333 = tpu.memref_squeeze %dma_wait3A_332 : memref<1x125x32xf32, #tpu.memory_space<vmem>> -> memref<125x32xf32, #tpu.memory_space<vmem>>
    %dma_wait3A_334 = arith.constant 0 : i32
    %dma_wait3A_335 = tpu.memref_slice %arg9[%dma_wait3A_329, %dma_wait3A_334] : memref<80x125xi32, #tpu.memory_space<vmem>> -> memref<1x125xi32, #tpu.memory_space<vmem>>
    %dma_wait3A_336 = tpu.memref_squeeze %dma_wait3A_335 : memref<1x125xi32, #tpu.memory_space<vmem>> -> memref<125xi32, #tpu.memory_space<vmem>>
    %dma_wait3A_337 = arith.constant 0 : i32
    %dma_wait3A_338 = arith.constant 0 : i32
    %dma_wait3A_339 = tpu.memref_slice %arg14[%dma_wait3A_337, %dma_wait3A_338] : memref<10240x32xf32, #tpu.memory_space<vmem_shared>> -> memref<10240x32xf32, #tpu.memory_space<vmem_shared>>
    tpu.wait_indirect_dma semaphore(%arg23 : memref<!tpu.dma_semaphore, #tpu.memory_space<semaphore_mem>>) src(%dma_wait3A_333 : memref<125x32xf32, #tpu.memory_space<vmem>>) dst(%dma_wait3A_339 : memref<10240x32xf32, #tpu.memory_space<vmem_shared>>)
    %dma_wait3A_340 = arith.constant 4 : i32
    %dma_wait3A_341 = arith.constant 79 : i32
    %dma_wait3A_342 = arith.constant 0 : i32
    %dma_wait3A_343 = arith.constant 0 : i32
    %dma_wait3A_344 = tpu.memref_slice %arg10[%dma_wait3A_340, %dma_wait3A_342, %dma_wait3A_343] : memref<5x125x32xf32, #tpu.memory_space<vmem>> -> memref<1x125x32xf32, #tpu.memory_space<vmem>>
    %dma_wait3A_345 = tpu.memref_squeeze %dma_wait3A_344 : memref<1x125x32xf32, #tpu.memory_space<vmem>> -> memref<125x32xf32, #tpu.memory_space<vmem>>
    %dma_wait3A_346 = arith.constant 0 : i32
    %dma_wait3A_347 = tpu.memref_slice %arg9[%dma_wait3A_341, %dma_wait3A_346] : memref<80x125xi32, #tpu.memory_space<vmem>> -> memref<1x125xi32, #tpu.memory_space<vmem>>
    %dma_wait3A_348 = tpu.memref_squeeze %dma_wait3A_347 : memref<1x125xi32, #tpu.memory_space<vmem>> -> memref<125xi32, #tpu.memory_space<vmem>>
    %dma_wait3A_349 = arith.constant 0 : i32
    %dma_wait3A_350 = arith.constant 0 : i32
    %dma_wait3A_351 = tpu.memref_slice %arg14[%dma_wait3A_349, %dma_wait3A_350] : memref<10240x32xf32, #tpu.memory_space<vmem_shared>> -> memref<10240x32xf32, #tpu.memory_space<vmem_shared>>
    tpu.wait_indirect_dma semaphore(%arg24 : memref<!tpu.dma_semaphore, #tpu.memory_space<semaphore_mem>>) src(%dma_wait3A_345 : memref<125x32xf32, #tpu.memory_space<vmem>>) dst(%dma_wait3A_351 : memref<10240x32xf32, #tpu.memory_space<vmem_shared>>)
    %barrier3A_352 = arith.constant 0 : index
    tpu.barrier barrier_id(%barrier3A_352)
    "tpu.region"() ({
      %run_scoped3A = tpu.sem_alloc : memref<!tpu.dma_semaphore, #tpu.memory_space<semaphore_mem>>
      %dma_start3A_370 = arith.constant 0 : i32
      %dma_start3A_371 = tpu.memref_slice %arg14[%mul3A_0, %dma_start3A_370] : memref<10240x32xf32, #tpu.memory_space<vmem_shared>> -> memref<640x32xf32, #tpu.memory_space<vmem_shared>>
      %dma_start3A_372 = arith.constant 0 : i32
      %dma_start3A_373 = tpu.memref_slice %arg14[%mul3A_0, %dma_start3A_372] : memref<10240x32xf32, #tpu.memory_space<vmem_shared>> -> memref<640x32xf32, #tpu.memory_space<vmem_shared>>
      tpu.enqueue_dma source(%dma_start3A_373 : memref<640x32xf32, #tpu.memory_space<vmem_shared>>) target(%arg13 : memref<640x32xf32, #tpu.memory_space<vmem>>) target_semaphore(%run_scoped3A : memref<!tpu.dma_semaphore, #tpu.memory_space<semaphore_mem>>)
      %dma_wait3A_374 = arith.constant 0 : i32
      %dma_wait3A_375 = tpu.memref_slice %arg14[%mul3A_0, %dma_wait3A_374] : memref<10240x32xf32, #tpu.memory_space<vmem_shared>> -> memref<640x32xf32, #tpu.memory_space<vmem_shared>>
      %dma_wait3A_376 = arith.constant 0 : i32
      %dma_wait3A_377 = tpu.memref_slice %arg14[%mul3A_0, %dma_wait3A_376] : memref<10240x32xf32, #tpu.memory_space<vmem_shared>> -> memref<640x32xf32, #tpu.memory_space<vmem_shared>>
      tpu.wait_dma2 semaphore(%run_scoped3A : memref<!tpu.dma_semaphore, #tpu.memory_space<semaphore_mem>>) src(%dma_wait3A_377 : memref<640x32xf32, #tpu.memory_space<vmem_shared>>) dst(%arg13 : memref<640x32xf32, #tpu.memory_space<vmem>>)
      tpu.yield
    }) : () -> ()
    "tpu.region"() ({
      %run_scoped3A = tpu.sem_alloc : memref<!tpu.dma_semaphore, #tpu.memory_space<semaphore_mem>>
      %dma_start3A_370 = arith.constant 0 : i32
      %dma_start3A_371 = tpu.memref_slice %arg14[%mul3A_0, %dma_start3A_370] : memref<10240x32xf32, #tpu.memory_space<vmem_shared>> -> memref<640x32xf32, #tpu.memory_space<vmem_shared>>
      tpu.enqueue_dma source(%arg5 : memref<640x32xf32, #tpu.memory_space<hbm>>) target(%dma_start3A_371 : memref<640x32xf32, #tpu.memory_space<vmem_shared>>) target_semaphore(%run_scoped3A : memref<!tpu.dma_semaphore, #tpu.memory_space<semaphore_mem>>)
      %dma_wait3A_372 = arith.constant 0 : i32
      %dma_wait3A_373 = tpu.memref_slice %arg14[%mul3A_0, %dma_wait3A_372] : memref<10240x32xf32, #tpu.memory_space<vmem_shared>> -> memref<640x32xf32, #tpu.memory_space<vmem_shared>>
      tpu.wait_dma2 semaphore(%run_scoped3A : memref<!tpu.dma_semaphore, #tpu.memory_space<semaphore_mem>>) src(%arg5 : memref<640x32xf32, #tpu.memory_space<hbm>>) dst(%dma_wait3A_373 : memref<640x32xf32, #tpu.memory_space<vmem_shared>>)
      tpu.yield
    }) : () -> ()
    %scan3A_353 = arith.constant 0 : i32
    %scan3A_354 = arith.constant 0 : i32
    %scan3A_355 = arith.constant 640 : i32
    %scan3A_356 = arith.addi %scan3A_354, %scan3A_355 : i32
    %scan3A_357 = arith.constant 4 : i32
    %scan3A_358 = scf.for %scan3A_370 = %scan3A_354 to %scan3A_356 step %scan3A_357 iter_args(%scan3A_371 = %scan3A_353) -> (i32)  : i32 {
      %get3A = arith.index_cast %scan3A_370 : i32 to index
      %get3A_372 = arith.constant 0 : index
      %get3A_373 = tpu.vector_load %arg12[%get3A, %get3A_372] {strides = array<i32>} : memref<640x32xf32, #tpu.memory_space<vmem>>, vector<16xf32>,
      %get3A_374 = arith.index_cast %scan3A_370 : i32 to index
      %get3A_375 = arith.constant 16 : index
      %get3A_376 = tpu.vector_load %arg12[%get3A_374, %get3A_375] {strides = array<i32>} : memref<640x32xf32, #tpu.memory_space<vmem>>, vector<16xf32>,
      %get3A_377 = arith.index_cast %scan3A_370 : i32 to index
      %get3A_378 = arith.constant 0 : index
      %get3A_379 = tpu.vector_load %arg13[%get3A_377, %get3A_378] {strides = array<i32>} : memref<640x32xf32, #tpu.memory_space<vmem>>, vector<16xf32>,
      %mul3A_380 = arith.mulf %get3A_373, %get3A_379 : vector<16xf32>
      %get3A_381 = arith.index_cast %scan3A_370 : i32 to index
      %get3A_382 = arith.constant 0 : index
      %get3A_383 = tpu.vector_load %arg11[%get3A_381, %get3A_382] {strides = array<i32>} : memref<640x32xf32, #tpu.memory_space<vmem>>, vector<16xf32>,
      %add3A = arith.addf %mul3A_380, %get3A_383 : vector<16xf32>
      %mul3A_384 = arith.mulf %get3A_376, %add3A : vector<16xf32>
      %swap3A_385 = arith.index_cast %scan3A_370 : i32 to index
      %swap3A_386 = arith.constant 0 : index
      %swap3A_387 = tpu.vector_load %arg13[%swap3A_385, %swap3A_386] {strides = array<i32>} : memref<640x32xf32, #tpu.memory_space<vmem>>, vector<16xf32>,
      tpu.vector_store %arg13[%swap3A_385, %swap3A_386], %mul3A_384 {strides = array<i32>} : memref<640x32xf32, #tpu.memory_space<vmem>>, vector<16xf32>,
      %get3A_388 = arith.index_cast %scan3A_370 : i32 to index
      %get3A_389 = arith.constant 16 : index
      %get3A_390 = tpu.vector_load %arg13[%get3A_388, %get3A_389] {strides = array<i32>} : memref<640x32xf32, #tpu.memory_space<vmem>>, vector<16xf32>,
      %mul3A_391 = arith.mulf %get3A_373, %get3A_390 : vector<16xf32>
      %get3A_392 = arith.index_cast %scan3A_370 : i32 to index
      %get3A_393 = arith.constant 16 : index
      %get3A_394 = tpu.vector_load %arg11[%get3A_392, %get3A_393] {strides = array<i32>} : memref<640x32xf32, #tpu.memory_space<vmem>>, vector<16xf32>,
      %add3A_395 = arith.addf %mul3A_391, %get3A_394 : vector<16xf32>
      %mul3A_396 = arith.mulf %get3A_376, %add3A_395 : vector<16xf32>
      %swap3A_397 = arith.index_cast %scan3A_370 : i32 to index
      %swap3A_398 = arith.constant 16 : index
      %swap3A_399 = tpu.vector_load %arg13[%swap3A_397, %swap3A_398] {strides = array<i32>} : memref<640x32xf32, #tpu.memory_space<vmem>>, vector<16xf32>,
      tpu.vector_store %arg13[%swap3A_397, %swap3A_398], %mul3A_396 {strides = array<i32>} : memref<640x32xf32, #tpu.memory_space<vmem>>, vector<16xf32>,
      %scan3A_400 = arith.constant 0 : i32
      %scan3A_401 = arith.constant 1 : i32
      %scan3A_402 = arith.addi %scan3A_370, %scan3A_401 : i32
      %get3A_403 = arith.index_cast %scan3A_402 : i32 to index
      %get3A_404 = arith.constant 0 : index
      %get3A_405 = tpu.vector_load %arg12[%get3A_403, %get3A_404] {strides = array<i32>} : memref<640x32xf32, #tpu.memory_space<vmem>>, vector<16xf32>,
      %get3A_406 = arith.index_cast %scan3A_402 : i32 to index
      %get3A_407 = arith.constant 16 : index
      %get3A_408 = tpu.vector_load %arg12[%get3A_406, %get3A_407] {strides = array<i32>} : memref<640x32xf32, #tpu.memory_space<vmem>>, vector<16xf32>,
      %get3A_409 = arith.index_cast %scan3A_402 : i32 to index
      %get3A_410 = arith.constant 0 : index
      %get3A_411 = tpu.vector_load %arg13[%get3A_409, %get3A_410] {strides = array<i32>} : memref<640x32xf32, #tpu.memory_space<vmem>>, vector<16xf32>,
      %mul3A_412 = arith.mulf %get3A_405, %get3A_411 : vector<16xf32>
      %get3A_413 = arith.index_cast %scan3A_402 : i32 to index
      %get3A_414 = arith.constant 0 : index
      %get3A_415 = tpu.vector_load %arg11[%get3A_413, %get3A_414] {strides = array<i32>} : memref<640x32xf32, #tpu.memory_space<vmem>>, vector<16xf32>,
      %add3A_416 = arith.addf %mul3A_412, %get3A_415 : vector<16xf32>
      %mul3A_417 = arith.mulf %get3A_408, %add3A_416 : vector<16xf32>
      %swap3A_418 = arith.index_cast %scan3A_402 : i32 to index
      %swap3A_419 = arith.constant 0 : index
      %swap3A_420 = tpu.vector_load %arg13[%swap3A_418, %swap3A_419] {strides = array<i32>} : memref<640x32xf32, #tpu.memory_space<vmem>>, vector<16xf32>,
      tpu.vector_store %arg13[%swap3A_418, %swap3A_419], %mul3A_417 {strides = array<i32>} : memref<640x32xf32, #tpu.memory_space<vmem>>, vector<16xf32>,
      %get3A_421 = arith.index_cast %scan3A_402 : i32 to index
      %get3A_422 = arith.constant 16 : index
      %get3A_423 = tpu.vector_load %arg13[%get3A_421, %get3A_422] {strides = array<i32>} : memref<640x32xf32, #tpu.memory_space<vmem>>, vector<16xf32>,
      %mul3A_424 = arith.mulf %get3A_405, %get3A_423 : vector<16xf32>
      %get3A_425 = arith.index_cast %scan3A_402 : i32 to index
      %get3A_426 = arith.constant 16 : index
      %get3A_427 = tpu.vector_load %arg11[%get3A_425, %get3A_426] {strides = array<i32>} : memref<640x32xf32, #tpu.memory_space<vmem>>, vector<16xf32>,
      %add3A_428 = arith.addf %mul3A_424, %get3A_427 : vector<16xf32>
      %mul3A_429 = arith.mulf %get3A_408, %add3A_428 : vector<16xf32>
      %swap3A_430 = arith.index_cast %scan3A_402 : i32 to index
      %swap3A_431 = arith.constant 16 : index
      %swap3A_432 = tpu.vector_load %arg13[%swap3A_430, %swap3A_431] {strides = array<i32>} : memref<640x32xf32, #tpu.memory_space<vmem>>, vector<16xf32>,
      tpu.vector_store %arg13[%swap3A_430, %swap3A_431], %mul3A_429 {strides = array<i32>} : memref<640x32xf32, #tpu.memory_space<vmem>>, vector<16xf32>,
      %scan3A_433 = arith.constant 0 : i32
      %scan3A_434 = arith.constant 2 : i32
      %scan3A_435 = arith.addi %scan3A_370, %scan3A_434 : i32
      %get3A_436 = arith.index_cast %scan3A_435 : i32 to index
      %get3A_437 = arith.constant 0 : index
      %get3A_438 = tpu.vector_load %arg12[%get3A_436, %get3A_437] {strides = array<i32>} : memref<640x32xf32, #tpu.memory_space<vmem>>, vector<16xf32>,
      %get3A_439 = arith.index_cast %scan3A_435 : i32 to index
      %get3A_440 = arith.constant 16 : index
      %get3A_441 = tpu.vector_load %arg12[%get3A_439, %get3A_440] {strides = array<i32>} : memref<640x32xf32, #tpu.memory_space<vmem>>, vector<16xf32>,
      %get3A_442 = arith.index_cast %scan3A_435 : i32 to index
      %get3A_443 = arith.constant 0 : index
      %get3A_444 = tpu.vector_load %arg13[%get3A_442, %get3A_443] {strides = array<i32>} : memref<640x32xf32, #tpu.memory_space<vmem>>, vector<16xf32>,
      %mul3A_445 = arith.mulf %get3A_438, %get3A_444 : vector<16xf32>
      %get3A_446 = arith.index_cast %scan3A_435 : i32 to index
      %get3A_447 = arith.constant 0 : index
      %get3A_448 = tpu.vector_load %arg11[%get3A_446, %get3A_447] {strides = array<i32>} : memref<640x32xf32, #tpu.memory_space<vmem>>, vector<16xf32>,
      %add3A_449 = arith.addf %mul3A_445, %get3A_448 : vector<16xf32>
      %mul3A_450 = arith.mulf %get3A_441, %add3A_449 : vector<16xf32>
      %swap3A_451 = arith.index_cast %scan3A_435 : i32 to index
      %swap3A_452 = arith.constant 0 : index
      %swap3A_453 = tpu.vector_load %arg13[%swap3A_451, %swap3A_452] {strides = array<i32>} : memref<640x32xf32, #tpu.memory_space<vmem>>, vector<16xf32>,
      tpu.vector_store %arg13[%swap3A_451, %swap3A_452], %mul3A_450 {strides = array<i32>} : memref<640x32xf32, #tpu.memory_space<vmem>>, vector<16xf32>,
      %get3A_454 = arith.index_cast %scan3A_435 : i32 to index
      %get3A_455 = arith.constant 16 : index
      %get3A_456 = tpu.vector_load %arg13[%get3A_454, %get3A_455] {strides = array<i32>} : memref<640x32xf32, #tpu.memory_space<vmem>>, vector<16xf32>,
      %mul3A_457 = arith.mulf %get3A_438, %get3A_456 : vector<16xf32>
      %get3A_458 = arith.index_cast %scan3A_435 : i32 to index
      %get3A_459 = arith.constant 16 : index
      %get3A_460 = tpu.vector_load %arg11[%get3A_458, %get3A_459] {strides = array<i32>} : memref<640x32xf32, #tpu.memory_space<vmem>>, vector<16xf32>,
      %add3A_461 = arith.addf %mul3A_457, %get3A_460 : vector<16xf32>
      %mul3A_462 = arith.mulf %get3A_441, %add3A_461 : vector<16xf32>
      %swap3A_463 = arith.index_cast %scan3A_435 : i32 to index
      %swap3A_464 = arith.constant 16 : index
      %swap3A_465 = tpu.vector_load %arg13[%swap3A_463, %swap3A_464] {strides = array<i32>} : memref<640x32xf32, #tpu.memory_space<vmem>>, vector<16xf32>,
      tpu.vector_store %arg13[%swap3A_463, %swap3A_464], %mul3A_462 {strides = array<i32>} : memref<640x32xf32, #tpu.memory_space<vmem>>, vector<16xf32>,
      %scan3A_466 = arith.constant 0 : i32
      %scan3A_467 = arith.constant 3 : i32
      %scan3A_468 = arith.addi %scan3A_370, %scan3A_467 : i32
      %get3A_469 = arith.index_cast %scan3A_468 : i32 to index
      %get3A_470 = arith.constant 0 : index
      %get3A_471 = tpu.vector_load %arg12[%get3A_469, %get3A_470] {strides = array<i32>} : memref<640x32xf32, #tpu.memory_space<vmem>>, vector<16xf32>,
      %get3A_472 = arith.index_cast %scan3A_468 : i32 to index
      %get3A_473 = arith.constant 16 : index
      %get3A_474 = tpu.vector_load %arg12[%get3A_472, %get3A_473] {strides = array<i32>} : memref<640x32xf32, #tpu.memory_space<vmem>>, vector<16xf32>,
      %get3A_475 = arith.index_cast %scan3A_468 : i32 to index
      %get3A_476 = arith.constant 0 : index
      %get3A_477 = tpu.vector_load %arg13[%get3A_475, %get3A_476] {strides = array<i32>} : memref<640x32xf32, #tpu.memory_space<vmem>>, vector<16xf32>,
      %mul3A_478 = arith.mulf %get3A_471, %get3A_477 : vector<16xf32>
      %get3A_479 = arith.index_cast %scan3A_468 : i32 to index
      %get3A_480 = arith.constant 0 : index
      %get3A_481 = tpu.vector_load %arg11[%get3A_479, %get3A_480] {strides = array<i32>} : memref<640x32xf32, #tpu.memory_space<vmem>>, vector<16xf32>,
      %add3A_482 = arith.addf %mul3A_478, %get3A_481 : vector<16xf32>
      %mul3A_483 = arith.mulf %get3A_474, %add3A_482 : vector<16xf32>
      %swap3A_484 = arith.index_cast %scan3A_468 : i32 to index
      %swap3A_485 = arith.constant 0 : index
      %swap3A_486 = tpu.vector_load %arg13[%swap3A_484, %swap3A_485] {strides = array<i32>} : memref<640x32xf32, #tpu.memory_space<vmem>>, vector<16xf32>,
      tpu.vector_store %arg13[%swap3A_484, %swap3A_485], %mul3A_483 {strides = array<i32>} : memref<640x32xf32, #tpu.memory_space<vmem>>, vector<16xf32>,
      %get3A_487 = arith.index_cast %scan3A_468 : i32 to index
      %get3A_488 = arith.constant 16 : index
      %get3A_489 = tpu.vector_load %arg13[%get3A_487, %get3A_488] {strides = array<i32>} : memref<640x32xf32, #tpu.memory_space<vmem>>, vector<16xf32>,
      %mul3A_490 = arith.mulf %get3A_471, %get3A_489 : vector<16xf32>
      %get3A_491 = arith.index_cast %scan3A_468 : i32 to index
      %get3A_492 = arith.constant 16 : index
      %get3A_493 = tpu.vector_load %arg11[%get3A_491, %get3A_492] {strides = array<i32>} : memref<640x32xf32, #tpu.memory_space<vmem>>, vector<16xf32>,
      %add3A_494 = arith.addf %mul3A_490, %get3A_493 : vector<16xf32>
      %mul3A_495 = arith.mulf %get3A_474, %add3A_494 : vector<16xf32>
      %swap3A_496 = arith.index_cast %scan3A_468 : i32 to index
      %swap3A_497 = arith.constant 16 : index
      %swap3A_498 = tpu.vector_load %arg13[%swap3A_496, %swap3A_497] {strides = array<i32>} : memref<640x32xf32, #tpu.memory_space<vmem>>, vector<16xf32>,
      tpu.vector_store %arg13[%swap3A_496, %swap3A_497], %mul3A_495 {strides = array<i32>} : memref<640x32xf32, #tpu.memory_space<vmem>>, vector<16xf32>,
      %scan3A_499 = arith.constant 0 : i32
      scf.yield %scan3A_499 : i32
    }
    %scan3A_359 = arith.constant 640 : i32
    %lt3A_360 = arith.constant 15 : i32
    %lt3A_361 = arith.cmpi slt, %arg1, %lt3A_360 : i32
    %convert_element_type3A_362 = arith.extui %lt3A_361 : i1 to i32
    %cond3A_363 = arith.constant 0 : i32
    %cond3A_364 = arith.cmpi ne, %convert_element_type3A_362, %cond3A_363 : i32
    scf.if %cond3A_364 {
      "tpu.region"() ({
        %run_scoped3A = tpu.sem_alloc : memref<!tpu.dma_semaphore, #tpu.memory_space<semaphore_mem>>
        %dma_start3A_370 = tpu.memref_slice %arg6[%mul3A_0, %mul3A_2] : memref<10000x64xf32, #tpu.memory_space<hbm>> -> memref<640x32xf32, #tpu.memory_space<hbm>>
        %dma_start3A_371 = tpu.memref_slice %arg6[%mul3A_0, %mul3A_2] : memref<10000x64xf32, #tpu.memory_space<hbm>> -> memref<640x32xf32, #tpu.memory_space<hbm>>
        tpu.enqueue_dma source(%arg13 : memref<640x32xf32, #tpu.memory_space<vmem>>) target(%dma_start3A_371 : memref<640x32xf32, #tpu.memory_space<hbm>>) target_semaphore(%run_scoped3A : memref<!tpu.dma_semaphore, #tpu.memory_space<semaphore_mem>>)
        %dma_wait3A_372 = tpu.memref_slice %arg6[%mul3A_0, %mul3A_2] : memref<10000x64xf32, #tpu.memory_space<hbm>> -> memref<640x32xf32, #tpu.memory_space<hbm>>
        %dma_wait3A_373 = tpu.memref_slice %arg6[%mul3A_0, %mul3A_2] : memref<10000x64xf32, #tpu.memory_space<hbm>> -> memref<640x32xf32, #tpu.memory_space<hbm>>
        tpu.wait_dma2 semaphore(%run_scoped3A : memref<!tpu.dma_semaphore, #tpu.memory_space<semaphore_mem>>) src(%arg13 : memref<640x32xf32, #tpu.memory_space<vmem>>) dst(%dma_wait3A_373 : memref<640x32xf32, #tpu.memory_space<hbm>>)
        tpu.yield
      }) : () -> ()
    } else {
    }
    %eq3A_365 = arith.constant 15 : i32
    %eq3A_366 = arith.cmpi eq, %arg1, %eq3A_365 : i32
    %convert_element_type3A_367 = arith.extui %eq3A_366 : i1 to i32
    %cond3A_368 = arith.constant 0 : i32
    %cond3A_369 = arith.cmpi ne, %convert_element_type3A_367, %cond3A_368 : i32
    scf.if %cond3A_369 {
      "tpu.region"() ({
        %run_scoped3A = tpu.sem_alloc : memref<!tpu.dma_semaphore, #tpu.memory_space<semaphore_mem>>
        %dma_start3A_370 = arith.constant 0 : i32
        %dma_start3A_371 = arith.constant 0 : i32
        %dma_start3A_372 = tpu.memref_slice %arg13[%dma_start3A_370, %dma_start3A_371] : memref<640x32xf32, #tpu.memory_space<vmem>> -> memref<400x32xf32, #tpu.memory_space<vmem>>
        %dma_start3A_373 = arith.constant 9600 : i32
        %dma_start3A_374 = tpu.memref_slice %arg6[%dma_start3A_373, %mul3A_2] : memref<10000x64xf32, #tpu.memory_space<hbm>> -> memref<400x32xf32, #tpu.memory_space<hbm>>
        %dma_start3A_375 = arith.constant 9600 : i32
        %dma_start3A_376 = tpu.memref_slice %arg6[%dma_start3A_375, %mul3A_2] : memref<10000x64xf32, #tpu.memory_space<hbm>> -> memref<400x32xf32, #tpu.memory_space<hbm>>
        %dma_start3A_377 = arith.constant 0 : i32
        %dma_start3A_378 = arith.constant 0 : i32
        %dma_start3A_379 = tpu.memref_slice %arg13[%dma_start3A_377, %dma_start3A_378] : memref<640x32xf32, #tpu.memory_space<vmem>> -> memref<400x32xf32, #tpu.memory_space<vmem>>
        tpu.enqueue_dma source(%dma_start3A_379 : memref<400x32xf32, #tpu.memory_space<vmem>>) target(%dma_start3A_376 : memref<400x32xf32, #tpu.memory_space<hbm>>) target_semaphore(%run_scoped3A : memref<!tpu.dma_semaphore, #tpu.memory_space<semaphore_mem>>)
        %dma_wait3A_380 = arith.constant 0 : i32
        %dma_wait3A_381 = arith.constant 0 : i32
        %dma_wait3A_382 = tpu.memref_slice %arg13[%dma_wait3A_380, %dma_wait3A_381] : memref<640x32xf32, #tpu.memory_space<vmem>> -> memref<400x32xf32, #tpu.memory_space<vmem>>
        %dma_wait3A_383 = arith.constant 9600 : i32
        %dma_wait3A_384 = tpu.memref_slice %arg6[%dma_wait3A_383, %mul3A_2] : memref<10000x64xf32, #tpu.memory_space<hbm>> -> memref<400x32xf32, #tpu.memory_space<hbm>>
        %dma_wait3A_385 = arith.constant 9600 : i32
        %dma_wait3A_386 = tpu.memref_slice %arg6[%dma_wait3A_385, %mul3A_2] : memref<10000x64xf32, #tpu.memory_space<hbm>> -> memref<400x32xf32, #tpu.memory_space<hbm>>
        %dma_wait3A_387 = arith.constant 0 : i32
        %dma_wait3A_388 = arith.constant 0 : i32
        %dma_wait3A_389 = tpu.memref_slice %arg13[%dma_wait3A_387, %dma_wait3A_388] : memref<640x32xf32, #tpu.memory_space<vmem>> -> memref<400x32xf32, #tpu.memory_space<vmem>>
        tpu.wait_dma2 semaphore(%run_scoped3A : memref<!tpu.dma_semaphore, #tpu.memory_space<semaphore_mem>>) src(%dma_wait3A_389 : memref<400x32xf32, #tpu.memory_space<vmem>>) dst(%dma_wait3A_386 : memref<400x32xf32, #tpu.memory_space<hbm>>)
        tpu.yield
      }) : () -> ()
    } else {
    }
    return
  }
}

module attributes {stable_mosaic.version = 14 : i64} {
  func.func @_mlp_body(%arg0: i32, %arg1: memref<1000x256xf32, #tpu.memory_space<vmem>>, %arg2: memref<256x512xf32, #tpu.memory_space<vmem>>, %arg3: memref<1x512xf32, #tpu.memory_space<vmem>>, %arg4: memref<512x512xf32, #tpu.memory_space<vmem>>, %arg5: memref<1x512xf32, #tpu.memory_space<vmem>>, %arg6: memref<512x64xf32, #tpu.memory_space<vmem>>, %arg7: memref<1x64xf32, #tpu.memory_space<vmem>>, %arg8: memref<1000x64xf32, #tpu.memory_space<vmem>>) attributes {dimension_semantics = [#tpu.dimension_semantics<arbitrary>], iteration_bounds = array<i64: 10>, scalar_prefetch = 0 : i64, scratch_operands = 0 : i64, tpu.core_type = #tpu.core_type<tc>, window_params = [{transform_indices = @transform_0, window_bounds = array<i64: 1000, 256>}, {pipeline_mode = #tpu.pipeline_mode<synchronous>, transform_indices = @transform_1, window_bounds = array<i64: 256, 512>}, {pipeline_mode = #tpu.pipeline_mode<synchronous>, transform_indices = @transform_2, window_bounds = array<i64: 1, 512>}, {pipeline_mode = #tpu.pipeline_mode<synchronous>, transform_indices = @transform_3, window_bounds = array<i64: 512, 512>}, {pipeline_mode = #tpu.pipeline_mode<synchronous>, transform_indices = @transform_4, window_bounds = array<i64: 1, 512>}, {pipeline_mode = #tpu.pipeline_mode<synchronous>, transform_indices = @transform_5, window_bounds = array<i64: 512, 64>}, {pipeline_mode = #tpu.pipeline_mode<synchronous>, transform_indices = @transform_6, window_bounds = array<i64: 1, 64>}, {transform_indices = @transform_7, window_bounds = array<i64: 1000, 64>}]} {
    %get3A = arith.constant 0 : index
    %get3A_0 = arith.constant 0 : index
    %get3A_1 = vector.load %arg1[%get3A, %get3A_0] : memref<1000x256xf32, #tpu.memory_space<vmem>>, vector<1000x256xf32>
    %convert_element_type3A = arith.truncf %get3A_1 : vector<1000x256xf32> to vector<1000x256xbf16>
    %get3A_2 = arith.constant 0 : index
    %get3A_3 = arith.constant 0 : index
    %get3A_4 = vector.load %arg2[%get3A_2, %get3A_3] : memref<256x512xf32, #tpu.memory_space<vmem>>, vector<256x512xf32>
    %convert_element_type3A_5 = arith.truncf %get3A_4 : vector<256x512xf32> to vector<256x512xbf16>
    %dot_general3A = arith.constant dense<0.000000e+00> : vector<1000x512xf32>
    %dot_general3A_6 = tpu.matmul %convert_element_type3A, %convert_element_type3A_5, %dot_general3A {dimension_numbers = #tpu.dot_dimension_numbers<[1], [0], [0], [1], [0, 0, 1, 1], [], []>, transpose_lhs_hint = false} : vector<1000x256xbf16>, vector<256x512xbf16>, vector<1000x512xf32> -> vector<1000x512xf32>
    %get3A_7 = arith.constant 0 : index
    %get3A_8 = arith.constant 0 : index
    %get3A_9 = vector.load %arg3[%get3A_7, %get3A_8] : memref<1x512xf32, #tpu.memory_space<vmem>>, vector<1x512xf32>
    %add3A = vector.broadcast %get3A_9 : vector<1x512xf32> to vector<1000x512xf32>
    %add3A_10 = arith.addf %dot_general3A_6, %add3A : vector<1000x512xf32>
    %max3A = arith.constant 0.000000e+00 : f32
    %max3A_11 = vector.broadcast %max3A : f32 to vector<1000x512xf32>
    %max3A_12 = arith.maximumf %add3A_10, %max3A_11 : vector<1000x512xf32>
    %convert_element_type3A_13 = arith.truncf %max3A_12 : vector<1000x512xf32> to vector<1000x512xbf16>
    %get3A_14 = arith.constant 0 : index
    %get3A_15 = arith.constant 0 : index
    %get3A_16 = vector.load %arg4[%get3A_14, %get3A_15] : memref<512x512xf32, #tpu.memory_space<vmem>>, vector<512x512xf32>
    %convert_element_type3A_17 = arith.truncf %get3A_16 : vector<512x512xf32> to vector<512x512xbf16>
    %dot_general3A_18 = arith.constant dense<0.000000e+00> : vector<1000x512xf32>
    %dot_general3A_19 = tpu.matmul %convert_element_type3A_13, %convert_element_type3A_17, %dot_general3A_18 {dimension_numbers = #tpu.dot_dimension_numbers<[1], [0], [0], [1], [0, 0, 1, 1], [], []>, transpose_lhs_hint = false} : vector<1000x512xbf16>, vector<512x512xbf16>, vector<1000x512xf32> -> vector<1000x512xf32>
    %get3A_20 = arith.constant 0 : index
    %get3A_21 = arith.constant 0 : index
    %get3A_22 = vector.load %arg5[%get3A_20, %get3A_21] : memref<1x512xf32, #tpu.memory_space<vmem>>, vector<1x512xf32>
    %add3A_23 = vector.broadcast %get3A_22 : vector<1x512xf32> to vector<1000x512xf32>
    %add3A_24 = arith.addf %dot_general3A_19, %add3A_23 : vector<1000x512xf32>
    %max3A_25 = arith.constant 0.000000e+00 : f32
    %max3A_26 = vector.broadcast %max3A_25 : f32 to vector<1000x512xf32>
    %max3A_27 = arith.maximumf %add3A_24, %max3A_26 : vector<1000x512xf32>
    %convert_element_type3A_28 = arith.truncf %max3A_27 : vector<1000x512xf32> to vector<1000x512xbf16>
    %get3A_29 = arith.constant 0 : index
    %get3A_30 = arith.constant 0 : index
    %get3A_31 = vector.load %arg6[%get3A_29, %get3A_30] : memref<512x64xf32, #tpu.memory_space<vmem>>, vector<512x64xf32>
    %convert_element_type3A_32 = arith.truncf %get3A_31 : vector<512x64xf32> to vector<512x64xbf16>
    %dot_general3A_33 = arith.constant dense<0.000000e+00> : vector<1000x64xf32>
    %dot_general3A_34 = tpu.matmul %convert_element_type3A_28, %convert_element_type3A_32, %dot_general3A_33 {dimension_numbers = #tpu.dot_dimension_numbers<[1], [0], [0], [1], [0, 0, 1, 1], [], []>, transpose_lhs_hint = false} : vector<1000x512xbf16>, vector<512x64xbf16>, vector<1000x64xf32> -> vector<1000x64xf32>
    %get3A_35 = arith.constant 0 : index
    %get3A_36 = arith.constant 0 : index
    %get3A_37 = vector.load %arg7[%get3A_35, %get3A_36] : memref<1x64xf32, #tpu.memory_space<vmem>>, vector<1x64xf32>
    %add3A_38 = vector.broadcast %get3A_37 : vector<1x64xf32> to vector<1000x64xf32>
    %add3A_39 = arith.addf %dot_general3A_34, %add3A_38 : vector<1000x64xf32>
    %swap3A = arith.constant 0 : index
    %swap3A_40 = arith.constant 0 : index
    %swap3A_41 = vector.load %arg8[%swap3A, %swap3A_40] : memref<1000x64xf32, #tpu.memory_space<vmem>>, vector<1000x64xf32>
    tpu.vector_store %arg8[%swap3A, %swap3A_40], %add3A_39 {strides = array<i32>} : memref<1000x64xf32, #tpu.memory_space<vmem>>, vector<1000x64xf32>,
    return
  }
  func.func @transform_0(%arg0: i32) -> (i32, i32) {
    %c0_i32 = arith.constant 0 : i32
    %c0_i32_0 = arith.constant 0 : i32
    return %arg0, %c0_i32 : i32, i32
  }
  func.func @transform_1(%arg0: i32) -> (i32, i32) {
    %c0_i32 = arith.constant 0 : i32
    %c0_i32_0 = arith.constant 0 : i32
    %c0_i32_1 = arith.constant 0 : i32
    return %c0_i32, %c0_i32_0 : i32, i32
  }
  func.func @transform_2(%arg0: i32) -> (i32, i32) {
    %c0_i32 = arith.constant 0 : i32
    %c0_i32_0 = arith.constant 0 : i32
    %c0_i32_1 = arith.constant 0 : i32
    return %c0_i32, %c0_i32_0 : i32, i32
  }
  func.func @transform_3(%arg0: i32) -> (i32, i32) {
    %c0_i32 = arith.constant 0 : i32
    %c0_i32_0 = arith.constant 0 : i32
    %c0_i32_1 = arith.constant 0 : i32
    return %c0_i32, %c0_i32_0 : i32, i32
  }
  func.func @transform_4(%arg0: i32) -> (i32, i32) {
    %c0_i32 = arith.constant 0 : i32
    %c0_i32_0 = arith.constant 0 : i32
    %c0_i32_1 = arith.constant 0 : i32
    return %c0_i32, %c0_i32_0 : i32, i32
  }
  func.func @transform_5(%arg0: i32) -> (i32, i32) {
    %c0_i32 = arith.constant 0 : i32
    %c0_i32_0 = arith.constant 0 : i32
    %c0_i32_1 = arith.constant 0 : i32
    return %c0_i32, %c0_i32_0 : i32, i32
  }
  func.func @transform_6(%arg0: i32) -> (i32, i32) {
    %c0_i32 = arith.constant 0 : i32
    %c0_i32_0 = arith.constant 0 : i32
    %c0_i32_1 = arith.constant 0 : i32
    return %c0_i32, %c0_i32_0 : i32, i32
  }
  func.func @transform_7(%arg0: i32) -> (i32, i32) {
    %c0_i32 = arith.constant 0 : i32
    %c0_i32_0 = arith.constant 0 : i32
    return %arg0, %c0_i32 : i32, i32
  }
}

</mosaic_0001>

<sc_bundles>
// kernel: kernel.4.cloned.1.call-start
scs
__scs_entry_jumppad:
0x0: {  	(pc) =	sbr.rel $0x88, $3  }
0x1: {  	(tag) =	ssettag $0x0;
	lr =	simm.s32 $0x1  }
0x2: {  	[smem:$0x3F99] =	sst lr;
	_ =	strace $0xD0000000  }
0x3: {  	_ = 	snop  }
0x4: {  	_ = 	snop  }
0x5: {  	_ = 	snop  }
0x6: {  	_ = 	snop  }
0x7: {  	_ = 	snop  }
__scs_overlays_trampoline_lowered:
0x8: {  	[smem:$0x3FA8] =	sst s0  }
0x9: {  	[smem:$0x3FA9] =	sst s1  }
0xa: {  	[smem:$0x3FAA] =	sst s2  }
0xb: {  	[smem:$0x3FAB] =	sst s3  }
0xc: {  	[smem:$0x3FAC] =	sst s4  }
0xd: {  	[smem:$0x3FAD] =	sst s5  }
0xe: {  	[smem:$0x3FAE] =	sst s6  }
0xf: {  	[smem:$0x3FAF] =	sst s7  }
0x10: {  	[smem:$0x3FB0] =	sst s8  }
0x11: {  	[smem:$0x3FB1] =	sst s9;
	s0 =	simm.s32 @!p0 $0x0  }
0x12: {  	s1 =	sld [smem:$0x3F97];
	s0 =	simm.s32 @p0 $0x1  }
0x13: {  	[smem:$0x3FB2] =	sst s0;
	s0 =	simm.s32 @!p1 $0x0  }
0x14: {  	s2 =	sld [smem:$0x3F96];
	s0 =	simm.s32 @p1 $0x1  }
0x15: {  	[smem:$0x3FB3] =	sst s0;
	s0 =	simm.s32 @!p2 $0x0  }
0x16: {  	s3 =	sld [smem:$0x3FDB];
	s0 =	simm.s32 @p2 $0x1  }
0x17: {  	s4 =	simm.s32 $0x1BF5;
	[smem:$0x3FB5] =	sst s0  }
0x18: {  	s0 =	sld [smem:$0x3F98];
	_ =	swait.ge [sflag:s4], $0x0  }
0x19: {  	s7 =	sld [smem:$0x3F99]  }
0x1a: {  	s8 =	sadd.s32 $0xFFFFE003, lr  }
0x1b: {  	s9 =	sadd.s32 $0xFFFFFEF7, lr;
	s5 =	simm.s32 $0xFFFFFFFF;
	p2 =	slt.u32 s8, $0xFFFFF086  }
0x1c: {  	p1 =	slt.u32 s9, $0xF7A;
	s5 =	simm.s32 @!p2 $0x0  }
0x1d: {  	s5 =	simm.s32 @p1 $0x1;
	p0 =	seq.s32 s7, s2  }
0x1e: {  	s7 =	smul.u32 @!p0 $0xF7A, s2;
	p2 =	seq.s32 @!p0 s5, $0x0  }
0x1f: {  	s9 =	smul.u32 $0xF7A, s1;
	s8 =	simm.s32 @!p0 $0x1BF5;
	p2 =	por !p2, p0  }
0x20: {  	[sflag:s8] =	ssyncset.s32 @!p0 $0xFFFFF086;
	s6 =	sadd.s32 @!p0 s3, s7;
	s7 =	simm.s32 @!p0 $0x108  }
0x21: {  	s3 =	sadd.s32 s3, s9;
	s6 =	sadd.s32 @!p0 $0x88, s6;
	s7 =	simm.s32 @p2 $0x1082  }
0x22: {  	[simem:s7], [sflag:s8] =	dma.local @!p0 [hbm:s6], $0xF7A  }
0x23: {  	s9 =	sor.u32 $0xD0000000, s2;
	s6 =	simm.s32 $0x108;
	_ =	swait.ge @!p0 [sflag:s8], $0x0  }
0x24: {  	s3 =	sadd.s32 $0x88, s3;
	s6 =	simm.s32 @!p1 $0x1082;
	[sflag:s4] =	ssyncset.s32 $0xFFFFF086  }
0x25: {  	[simem:s6], [sflag:s4] =	dma.local [hbm:s3], $0xF7A  }
0x26: {  	[smem:$0x3F99] =	sst s1;
	(tag) =	ssettag s2;
	_ =	strace s9  }
0x27: {  	s1 =	sld [smem:$0x3FA9]  }
0x28: {  	s2 =	sld [smem:$0x3FAA]  }
0x29: {  	s4 =	sld [smem:$0x3FAC]  }
0x2a: {  	p0 =	seq.s32 s5, $0x0;
	s5 =	sld [smem:$0x3FAD]  }
0x2b: {  	s6 =	sld [smem:$0x3FAE]  }
0x2c: {  	s7 =	sld [smem:$0x3FAF]  }
0x2d: {  	s3 =	simm.s32 $0x108;
	s8 =	sld [smem:$0x3FB0]  }
0x2e: {  	s3 =	simm.s32 @!p0 $0x1082;
	s9 =	sld [smem:$0x3FB1]  }
0x2f: {  	lr =	sadd.s32 s0, s3;
	s0 =	sld [smem:$0x3FA8]  }
0x30: {  	s3 =	sld [smem:$0x3FAB]  }
0x31: {  	[smem:$0x3FB4] =	sst s10  }
0x32: {  	s10 =	sld [smem:$0x3FB2];
	_ =	sdelay $0x3  }
0x33: {  	p0 =	seq.s32 s10, $0x1;
	s10 =	sld [smem:$0x3FB4];
	_ =	sdelay $0x3  }
0x34: {  	[smem:$0x3FB4] =	sst s10  }
0x35: {  	s10 =	sld [smem:$0x3FB3];
	_ =	sdelay $0x3  }
0x36: {  	p1 =	seq.s32 s10, $0x1;
	s10 =	sld [smem:$0x3FB4];
	_ =	sdelay $0x3  }
0x37: {  	[smem:$0x3FB4] =	sst s10  }
0x38: {  	s10 =	sld [smem:$0x3FB5]  }
0x39: {  	_ = 	snop;
	(pc) =	sbr.ind lr, $3  }
0x3a: {  	_ = 	snop  }
0x3b: {  	_ = 	snop  }
0x3c: {  	p2 =	seq.s32 s10, $0x1;
	s10 =	sld [smem:$0x3FB4]  }
0x3d: {  	_ =	shalt  }
0x3e: {  	_ =	shalt  }
0x3f: {  	_ =	shalt  }
0x40: {  	_ =	shalt  }
0x41: {  	_ =	shalt  }
0x42: {  	_ =	shalt  }
0x43: {  	_ =	shalt  }
0x44: {  	_ =	shalt  }
0x45: {  	_ =	shalt  }
0x46: {  	_ =	shalt  }
0x47: {  	_ =	shalt  }
0x48: {  	_ =	shalt  }
0x49: {  	_ =	shalt  }
0x4a: {  	_ =	shalt  }
0x4b: {  	_ =	shalt  }
0x4c: {  	_ =	shalt  }
0x4d: {  	_ =	shalt  }
0x4e: {  	_ =	shalt  }
0x4f: {  	_ =	shalt  }
0x50: {  	_ =	shalt  }
0x51: {  	_ =	shalt  }
0x52: {  	_ =	shalt  }
0x53: {  	_ =	shalt  }
0x54: {  	_ =	shalt  }
0x55: {  	_ =	shalt  }
0x56: {  	_ =	shalt  }
0x57: {  	_ =	shalt  }
0x58: {  	_ =	shalt  }
0x59: {  	_ =	shalt  }
0x5a: {  	_ =	shalt  }
0x5b: {  	_ =	shalt  }
0x5c: {  	_ =	shalt  }
0x5d: {  	_ =	shalt  }
0x5e: {  	_ =	shalt  }
0x5f: {  	_ =	shalt  }
0x60: {  	_ =	shalt  }
0x61: {  	_ =	shalt  }
0x62: {  	_ =	shalt  }
0x63: {  	_ =	shalt  }
0x64: {  	_ =	shalt  }
0x65: {  	_ =	shalt  }
0x66: {  	_ =	shalt  }
0x67: {  	_ =	shalt  }
0x68: {  	_ =	shalt  }
0x69: {  	_ =	shalt  }
0x6a: {  	_ =	shalt  }
0x6b: {  	_ =	shalt  }
0x6c: {  	_ =	shalt  }
0x6d: {  	_ =	shalt  }
0x6e: {  	_ =	shalt  }
0x6f: {  	_ =	shalt  }
0x70: {  	_ =	shalt  }
0x71: {  	_ =	shalt  }
0x72: {  	_ =	shalt  }
0x73: {  	_ =	shalt  }
0x74: {  	_ =	shalt  }
0x75: {  	_ =	shalt  }
0x76: {  	_ =	shalt  }
0x77: {  	_ =	shalt  }
0x78: {  	_ =	shalt  }
0x79: {  	_ =	shalt  }
0x7a: {  	_ =	shalt  }
0x7b: {  	_ =	shalt  }
0x7c: {  	_ =	shalt  }
0x7d: {  	_ =	shalt  }
0x7e: {  	_ =	shalt  }
0x7f: {  	_ =	shalt  }
0x80: {  	_ =	shalt  }
0x81: {  	_ =	shalt  }
0x82: {  	_ =	shalt  }
0x83: {  	_ =	shalt  }
0x84: {  	_ =	shalt  }
0x85: {  	_ =	shalt  }
0x86: {  	_ =	shalt  }
0x87: {  	_ =	shalt  }
.Lfunc_end0:
.L_simem_size_0:
called_computation_lowered:
.L_overlay_start_0:
0x88: {  	s2 =	sld [smem:$0x3FD9]  }
0x89: {  	s3 =	sld [smem:$0x3FFE];
	_ =	sdelay $0x1  }
0x8a: {  	s1 =	srdreg.scid  }
0x8b: {  	s0 =	sand.u32 $0x1, s1  }
0x8c: {  	s17 =	sshll.u32 s0, $0xA;
	s2 =	sadd.s32 s3, s2  }
0x8d: {  	s2 =	sadd.s32 s2, s17  }
0x8e: {  	[smem:$0x3FC0] =	sst s2  }
0x8f: {  	_ = 	snop  }
0x90: {  	s2 =	sld [smem:$0x3FD0];
	(tm) =	ssettm $0x1  }
0x91: {  	s18 =	sld [smem:$0x3FFB];
	_ =	sdelay $0x3  }
0x92: {  	_ =	strace s18  }
0x93: {  	s3 =	sld [smem:$0x3FFC];
	_ =	sdelay $0x3  }
0x94: {  	_ =	strace s3  }
0x95: {  	s3 =	sld [smem:$0x3FFD];
	_ =	sdelay $0x3  }
0x96: {  	_ =	strace s3  }
0x97: {  	_ =	strace $0x8FFFFFFF  }
0x98: {  	s19 =	sld [smem:$0x3FDB];
	_ =	sdelay $0x1  }
0x99: {  	s4 =	simm.s32 $_scs_section_size  }
0x9a: {  	s5 =	simm.s32 $_size__tile_overlayer_lowered;
	s6 =	simm.s32 $_tile_overlayer_lowered  }
0x9b: {  	s22 =	simm.s32 $0x1BFF;
	s21 =	sshll.u32 s6, $0x1;
	s3 =	sadd.s32 s4, s19  }
0x9c: {  	s7 =	simm.s32 $0x0;
	s20 =	sshll.u32 s5, $0x1;
	s5 =	sadd.s32 s21, s3  }
0x9d: {  	[timem:s7], [sflag:s22] =	dma.local [hbm:s5], s20  }
0x9e: {  	_ =	swait.ge [sflag:s22], s20  }
0x9f: {  	s4 =	ssub.s32 $0x0, s20;
	[sflag:s22] =	ssyncset.done $0x0  }
0xa0: {  	[sflag:s22] =	ssyncadd.s32 s4;
	_ =	sdelay $0x1  }
0xa1: {  	s23 =	simm.s32 $0x1B8B  }
0xa2: {  	_ =	swait.ge [sflag:s23], $0x1  }
0xa3: {  	[sflag:s23] =	ssyncset.done $0x0  }
0xa4: {  	s25 =	simm.s32 $0x1B8E;
	s24 =	sld [smem:$0x3FFE];
	[sflag:s23] =	ssyncadd.s32 $0xFFFFFFFF  }
0xa5: {  	s26 =	simm.s32 $execute0_lowered;
	[smem:$0x3FD2] =	sst s25  }
0xa6: {  	s5 =	sshll.u32 s26, $0x1;
	_ =	strace $0x80000046;
	[dreg:$0x1] =	wrdreg $0xFFFFFFFF  }
0xa7: {  	s28 =	simm.s32 $_size_execute0_lowered;
	s3 =	sadd.s32 s3, s5;
	[dreg:$0x0] =	wrdreg $0x0  }
0xa8: {  	s5 =	sshll.u32 s28, $0x1;
	[dreg:$0x2] =	wrdreg s3  }
0xa9: {  	[dreg:$0x3] =	wrdreg s5  }
0xaa: {  	[dreg:$0x4] =	wrdreg $0xC0  }
0xab: {  	_ =	task [dreg:s7], $0x5FFFF  }
0xac: {  	[dreg:$0x1] =	wrdreg $0xFFFFFFFF  }
0xad: {  	[dreg:$0x0] =	wrdreg $0x60  }
0xae: {  	[dreg:$0x2] =	wrdreg s2  }
0xaf: {  	[dreg:$0x3] =	wrdreg s24  }
0xb0: {  	[dreg:$0x4] =	wrdreg $0x18E200  }
0xb1: {  	[dreg:$0x5] =	wrdreg $0x9  }
0xb2: {  	_ =	task.clear_ibuf [dreg:s7], $0x6FFFF;
	_ =	strace $0x90000046  }
0xb3: {  	s29 =	simm.s32 $0x9;
	_ =	strace $0x80000048  }
0xb4: {  	_ =	swait.ge [sflag:s29], $0x1  }
0xb5: {  	[sflag:s29] =	ssyncadd.s32 $0xFFFFFFFF  }
0xb6: {  	_ =	strace $0x90000048  }
0xb7: {  	_ =	sfence  }
0xb8: {  	s30 =	sld [smem:$0x0];
	_ =	sdelay $0x2  }
0xb9: {  	s31 =	sshll.u32 s1, $0xD;
	s1 =	sshrl.u32 s1, $0x2  }
0xba: {  	s3 =	sand.u32 $0x4000, s31;
	s1 =	sadd.s32 s1, s30  }
0xbb: {  	s0 =	sor.u32 s3, s0;
	s1 =	sshll.u32 s1, $0x11  }
0xbc: {  	s0 =	sor.u32 s1, s0  }
0xbd: {  	s0 =	sadd.s32 $0x8F2B, s0  }
0xbe: {  	[sflag:s0] =	ssyncadd.remote.s32 $0x1  }
0xbf: {  	_ =	sfence.sel $0xFFFF  }
0xc0: {  	[dreg:$0x0] =	wrdreg $0xFFFFFFFF;
	(pc) =	sbr.abs _section_cstart, $3  }
0xc1: {  	[dreg:$0x1] =	wrdreg $0xFFFFFFFF  }
0xc2: {  	_ =	task.clear_ibuf [dreg:s7], $0x2FFFF;
	_ =	strace $0x9FFFFFFF  }
0xc3: {  	(tm) =	ssettm $0x7FFFFFFF  }
tec
execute0_lowered:
.L_overlay_start_1:
0x0: {  	(tag) =	ssettag $0x1  }
0x1: {  	s0 =	rddreg [dreg:$0x0]  }
0x2: {  	s1 =	rddreg [dreg:$0x1]  }
0x3: {  	s2 =	rddreg [dreg:$0x2];
	s12 =	stileid.u32;
	s5 =	simm.s32 $0x0  }
0x4: {  	s4 =	srdreg.scid;
	s14 =	simm.s32 $0xB;
	s18 =	simm.s32 $0x7D  }
0x5: {  	s29 =	simm.s32 $0x7EE0;
	s30 =	simm.s32 $0x1;
	s13 =	simm.s32 $0x9  }
0x6: {  	s3 =	smul.u32 $0x500, s12;
	[smem:$0x7FF] =	sst s5;
	s19 =	sand.u32 $0x1, s4  }
0x7: {  	s4 =	sadd.s32 $0xAC00, s1;
	s8 =	sadd.s32 $0x1F600, s1;
	s9 =	smul.u32 $0xA000, s12  }
0x8: {  	s11 =	smul.u32 $0x5000, s12;
	p0 =	seq.s32 s12, $0xF;
	s31 =	sshll.u32 s12, $0x6  }
0x9: {  	s12 =	simm.s32 $0x5;
	_ =	strace $0x80000047;
	s6 =	smul.u32 $0xA000, s19  }
0xa: {  	s7 =	ssub.s32 $0x2, s19;
	s21 =	sshll.u32 s19, $0x5;
	s5 =	sshll.u32 s19, $0x2  }
0xb: {  	s16 =	sor.u32 $0x1C0B, s31;
	s19 =	simm.s32 $0x5000;
	s3 =	sadd.s32 s3, s1  }
0xc: {  	s20 =	sshrl.u32 s7, $0x1;
	s23 =	sadd.s32 s5, s0;
	s25 =	sshrl.u32 s11, $0x3  }
0xd: {  	s26 =	sadd.s32 s5, s8;
	s1 =	sadd.s32 s6, s1;
	s6 =	ssub.s32 s7, s20  }
0xe: {  	s10 =	sadd.s32 $0x5C00, s3;
	s7 =	sor.u32 s21, s9;
	s3 =	sadd.s32 $0xC00, s3  }
0xf: {  	s24 =	sadd.s32 $0x12C00, s23;
	s20 =	simm.s32 $0x6;
	[dreg:$0x4] =	wrdreg s10  }
0x10: {  	s21 =	simm.s32 $0x13E20;
	s9 =	simm.s32 $0x4;
	[dreg:$0x5] =	wrdreg s3  }
0x11: {  	s22 =	sshrl.u32 s7, $0x3;
	s7 =	sadd.s32 s11, s2;
	[dreg:$0x7] =	wrdreg s24  }
0x12: {  	s10 =	sadd.s32 $0xB600, s1;
	s1 =	sadd.s32 $0x12C00, s26;
	s28 =	smax.u32 s6, $0x1  }
0x13: {  	s24 =	simm.s32 $0x5FA0;
	s26 =	simm.s32 $0x6F40;
	s6 =	simm.s32 $0x3  }
0x14: {  	s11 =	simm.s32 $0x8;
	s0 =	sadd.s32 s0, s22;
	[dreg:$0x9] =	wrdreg s1  }
0x15: {  	s3 =	sadd.s32 s8, s22;
	[dreg:$0xa] =	wrdreg s28;
	s17 =	sshrl.u32 s7, $0x3  }
0x16: {  	s1 =	simm.s32 $0x2;
	s8 =	simm.s32 $0x7;
	[dreg:$0x6] =	wrdreg s0  }
0x17: {  	s22 =	simm.s32 $0x0;
	[dreg:$0x8] =	wrdreg s3;
	s0 =	sadd.s32 s25, s10  }
0x18: {  	v0 =	vimm.f32 $1.000000000e+00;
	s3 =	simm.s32 $0xA;
	[dreg:$0xb] =	wrdreg s0;
	s0 =	simm.s32 $0x8E80  }
.LBB2_1:
0x19: {  	[dreg:$0xc] =	wrdreg s22  }
0x1a: {  	s5 =	simm.s32 $0x0;
	s15 =	rddreg [dreg:$0x4]  }
0x1b: {  	[tilespmem:s5], [sflag:$0xB] =	stream.linear.gather [hbm4b:s15+s5], $0x2800, $0x38;
	[tilespmem:$0x1DE20] =	vst v63  }
0x1c: {  	_ =	swait.ge [sflag:s14], $0x2800  }
0x1d: {  	[sflag:s14] =	ssyncset.done $0x0  }
0x1e: {  	s31 =	simm.s32 $0x2800;
	s28 =	rddreg [dreg:$0x5];
	[sflag:s14] =	ssyncadd.s32 $0xFFFFD800  }
0x1f: {  	[tilespmem:s31], [sflag:$0xB] =	stream.linear.gather [hbm4b:s28+s5], $0x2800, $0x38;
	[tilespmem:$0x1DE20] =	vst v63  }
0x20: {  	_ =	swait.ge [sflag:s14], $0x2800  }
0x21: {  	[sflag:s14] =	ssyncset.done $0x0  }
0x22: {  	[sflag:s14] =	ssyncadd.s32 $0xFFFFD800  }
0x23: {  	[spmem:s17], [sflag:s16] =	dma.local [hbm:s4], $0xA00  }
0x24: {  	_ =	swait.ge [sflag:s14], $0xA00  }
0x25: {  	s22 =	simm.s32 @p0 $0x9E20;
	s15 =	simm.s32 @p0 $0x40;
	[sflag:s14] =	ssyncset.done $0x0  }
0x26: {  	s5 =	simm.s32 @p0 $0x20;
	s23 =	rddreg [dreg:$0x7];
	[sflag:s14] =	ssyncadd.s32 $0xFFFFF600  }
0x27: {  	[tilespmem:s22], [sflag:$0xB] =	stream.strided.gather @p0 [hbm4b:s23+s5], $0x3200, s15, s5, $0x38;
	[tilespmem:$0x1DE20] =	vst v63  }
0x28: {  	s5 =	simm.s32 @p0 $0xB  }
0x29: {  	_ =	swait.ge @p0 [sflag:s5], $0x3200  }
0x2a: {  	s15 =	simm.s32 @!p0 $0x40;
	s22 =	simm.s32 @!p0 $0x9E20;
	[sflag:s5] =	ssyncset.done @p0 $0x0  }
0x2b: {  	s23 =	rddreg [dreg:$0x6];
	[sflag:s5] =	ssyncadd.s32 @p0 $0xFFFFCE00;
	s5 =	simm.s32 @!p0 $0x20  }
0x2c: {  	[tilespmem:s22], [sflag:$0xB] =	stream.strided.gather @!p0 [hbm4b:s23+s5], $0x5000, s15, s5, $0x38;
	[tilespmem:$0x1DE20] =	vst v63  }
0x2d: {  	s5 =	simm.s32 @!p0 $0xB  }
0x2e: {  	_ =	swait.ge @!p0 [sflag:s5], $0x5000  }
0x2f: {  	[sflag:s5] =	ssyncset.done @!p0 $0x0  }
0x30: {  	[sflag:s5] =	ssyncadd.s32 @!p0 $0xFFFFB000;
	s5 =	simm.s32 $0x5040  }
0x31: {  	[tilespmem:s5+$0xFFFFFFC0] =	vst v0  }
0x32: {  	[tilespmem:s5+$0x30] =	vst v0  }
0x33: {  	[tilespmem:s5+$0x20] =	vst v0  }
0x34: {  	[tilespmem:s5+$0x10] =	vst v0  }
0x35: {  	[tilespmem:s5+$0x0] =	vst v0  }
0x36: {  	[tilespmem:s5+$0xFFFFFFF0] =	vst v0  }
0x37: {  	s15 =	simm.s32 $0x0;
	[tilespmem:s5+$0xFFFFFFE0] =	vst v0  }
.LBB2_2:
0x38: {  	s15 =	sadd.s32 $0x4, s15;
	[tilespmem:s5+$0xFFFFFFD0] =	vst v0;
	s5 =	sadd.s32 $0x80, s5  }
0x39: {  	[tilespmem:s5+$0xFFFFFFC0] =	vst v0;
	p1 =	slt.u32 s15, $0x78  }
0x3a: {  	[tilespmem:s5+$0x30] =	vst v0  }
.Ltmp0:
0x3b: {  	[tilespmem:s5+$0x20] =	vst v0;
	(pc) =	sbr.rel @p1 .LBB2_2-.Ltmp0, $4  }
0x3c: {  	[tilespmem:s5+$0x10] =	vst v0  }
0x3d: {  	[tilespmem:s5+$0x0] =	vst v0  }
0x3e: {  	[tilespmem:s5+$0xFFFFFFF0] =	vst v0  }
0x3f: {  	[tilespmem:s5+$0xFFFFFFE0] =	vst v0  }
0x40: {  	[tilespmem:s5+$0xFFFFFFD0] =	vst v0  }
0x41: {  	[tilespmem:$0x5F80] =	vst v0  }
0x42: {  	[tilespmem:$0x5F90] =	vst v0  }
0x43: {  	s5 =	simm.s32 $0x0;
	[bflag:$0x0] =	sbarrier.arrive $0xFFFF  }
.LBB2_4:
0x44: {  	p1 =	sne.s32 s5, $0x9E00  }
.Ltmp1:
0x45: {  	_ = 	snop;
	(pc) =	sbr.rel @p1 .LBB2_4-.Ltmp1, $4  }
0x46: {  	_ = 	snop  }
0x47: {  	s15 =	sshra.s32 s5, $0x2  }
0x48: {  	s5 =	sadd.s32 $0x200, s5;
	s15 =	sadd.s32 $0x2800, s15  }
0x49: {  	[spmem:s2] =	stream.indirect.scatter.add.f32 [tilespmem:s19], [sflag:$0x6], $0x20, s15, s18, $0xb8;
	[tilespmem:$0x1DE20] =	vst v63  }
0x4a: {  	_ =	swait.ge [sflag:s20], $0xFA0  }
0x4b: {  	s5 =	simm.s32 $0x4F;
	[sflag:s20] =	ssyncset.done $0x0  }
.LBB2_6:
0x4c: {  	p1 =	sne.s32 s5, $0x1;
	s5 =	sadd.s32 $0xFFFFFFFF, s5;
	[sflag:s20] =	ssyncadd.s32 $0xFFFFF060  }
.Ltmp2:
0x4d: {  	(pc) =	sbr.rel @p1 .LBB2_6-.Ltmp2, $3  }
0x4e: {  	_ =	sdelay $0x1  }
0x4f: {  	_ =	swait.ge [sflag:s20], $0xFA0  }
0x50: {  	[sflag:s20] =	ssyncset.done $0x0  }
0x51: {  	[sflag:s20] =	ssyncadd.s32 $0xFFFFF060  }
0x52: {  	[bflag:$0x0] =	sbarrier.arrive $0xFFFF  }
0x53: {  	[tilespmem:s21], [sflag:$0xB] =	stream.linear.gather [spmem:s7], $0x5000, $0x38;
	[tilespmem:$0x1DE20] =	vst v63  }
0x54: {  	_ =	swait.ge [sflag:s14], $0x5000  }
0x55: {  	[sflag:s14] =	ssyncset.done $0x0  }
0x56: {  	[sflag:s14] =	ssyncadd.s32 $0xFFFFB000  }
0x57: {  	[spmem:s17], [sflag:s16] =	dma.local [hbm:s4], $0xA00  }
0x58: {  	_ =	swait.ge [sflag:s14], $0xA00  }
0x59: {  	[sflag:s14] =	ssyncset.done $0x0  }
0x5a: {  	s15 =	simm.s32 $0x13E40;
	[sflag:s14] =	ssyncadd.s32 $0xFFFFF600  }
0x5b: {  	v1 =	vld [tilespmem:s15+$0xFFFFFFE0];
	_ =	sdelay $0x4  }
0x5c: {  	v1 =	vmax.f32 v1, $1.000000000e+00  }
0x5d: {  	v2 =	vshrl.u32 v1, $0x1;
	v3 =	vmul.f32 $5.000000000e-01, v1  }
0x5e: {  	v2 =	vsub.s32 $0x5F3759DF, v2  }
0x5f: {  	v4 =	vmul.f32 v2, v3;
	_ =	sdelay $0x1  }
0x60: {  	v4 =	vmul.f32 v2, v4;
	_ =	sdelay $0x1  }
0x61: {  	v4 =	vsub.f32 $1.500000000e+00, v4;
	_ =	sdelay $0x1  }
0x62: {  	v2 =	vmul.f32 v2, v4;
	_ =	sdelay $0x1  }
0x63: {  	v4 =	vmul.f32 v2, v3;
	_ =	sdelay $0x1  }
0x64: {  	v4 =	vmul.f32 v4, v2;
	_ =	sdelay $0x1  }
0x65: {  	v4 =	vsub.f32 $1.500000000e+00, v4;
	_ =	sdelay $0x1  }
0x66: {  	v2 =	vmul.f32 v4, v2;
	_ =	sdelay $0x1  }
0x67: {  	v3 =	vmul.f32 v2, v3;
	_ =	sdelay $0x1  }
0x68: {  	v3 =	vmul.f32 v3, v2;
	_ =	sdelay $0x1  }
0x69: {  	v3 =	vsub.f32 $1.500000000e+00, v3;
	_ =	sdelay $0x1  }
0x6a: {  	v2 =	vmul.f32 v3, v2;
	_ =	sdelay $0x1  }
0x6b: {  	v3 =	vmul.f32 $8.999999760e-01, v2  }
0x6c: {  	v1 =	vmul.f32 v2, v1  }
0x6d: {  	s5 =	simm.s32 $0xEE40;
	v3 =	vmul.f32 v3, v2  }
0x6e: {  	[tilespmem:s5+$0xFFFFFFF0] =	vst v1  }
0x6f: {  	s31 =	simm.s32 $0x9E40;
	[tilespmem:s5+$0xFFFFFFE0] =	vst v3  }
0x70: {  	v1 =	vld [tilespmem:s31+$0xFFFFFFE0];
	_ =	sdelay $0x4  }
0x71: {  	v1 =	vmul.f32 v2, v1;
	_ =	sdelay $0x1  }
0x72: {  	[tilespmem:s15+$0xFFFFFFE0] =	vst v1  }
0x73: {  	v3 =	vld [tilespmem:s31+$0xFFFFFFF0];
	_ =	sdelay $0x4  }
0x74: {  	v1 =	vmul.f32 $1.000000010e-01, v1;
	v2 =	vmul.f32 v2, v3;
	_ =	sdelay $0x1  }
0x75: {  	[tilespmem:s31+$0xFFFFFFE0] =	vst v1;
	v1 =	vmul.f32 $1.000000010e-01, v2  }
0x76: {  	[tilespmem:s15+$0xFFFFFFF0] =	vst v2  }
0x77: {  	[tilespmem:s31+$0xFFFFFFF0] =	vst v1  }
0x78: {  	v1 =	vld [tilespmem:s15+$0x0];
	_ =	sdelay $0x4  }
0x79: {  	v1 =	vmax.f32 v1, $1.000000000e+00  }
0x7a: {  	v2 =	vshrl.u32 v1, $0x1;
	v3 =	vmul.f32 $5.000000000e-01, v1  }
0x7b: {  	v2 =	vsub.s32 $0x5F3759DF, v2  }
0x7c: {  	v63 =	vmul.f32 v2, v3;
	_ =	sdelay $0x1  }
0x7d: {  	v4 =	vmul.f32 v2, v63;
	_ =	sdelay $0x1  }
0x7e: {  	v4 =	vsub.f32 $1.500000000e+00, v4;
	_ =	sdelay $0x1  }
0x7f: {  	v2 =	vmul.f32 v2, v4;
	_ =	sdelay $0x1  }
0x80: {  	v4 =	vmul.f32 v2, v3;
	_ =	sdelay $0x1  }
0x81: {  	v4 =	vmul.f32 v4, v2;
	_ =	sdelay $0x1  }
0x82: {  	v4 =	vsub.f32 $1.500000000e+00, v4;
	_ =	sdelay $0x1  }
0x83: {  	v2 =	vmul.f32 v4, v2;
	_ =	sdelay $0x1  }
0x84: {  	v3 =	vmul.f32 v2, v3;
	_ =	sdelay $0x1  }
0x85: {  	v3 =	vmul.f32 v3, v2;
	_ =	sdelay $0x1  }
0x86: {  	v3 =	vsub.f32 $1.500000000e+00, v3;
	_ =	sdelay $0x1  }
0x87: {  	v2 =	vmul.f32 v3, v2;
	_ =	sdelay $0x1  }
0x88: {  	v3 =	vmul.f32 $8.999999760e-01, v2  }
0x89: {  	v1 =	vmul.f32 v2, v1  }
0x8a: {  	v3 =	vmul.f32 v3, v2  }
0x8b: {  	[tilespmem:s5+$0x10] =	vst v1  }
0x8c: {  	[tilespmem:s5+$0x0] =	vst v3  }
0x8d: {  	v1 =	vld [tilespmem:s31+$0x0];
	_ =	sdelay $0x4  }
0x8e: {  	v1 =	vmul.f32 v2, v1;
	_ =	sdelay $0x1  }
0x8f: {  	[tilespmem:s15+$0x0] =	vst v1  }
0x90: {  	v3 =	vld [tilespmem:s31+$0x10];
	_ =	sdelay $0x4  }
0x91: {  	v1 =	vmul.f32 $1.000000010e-01, v1;
	v2 =	vmul.f32 v2, v3;
	_ =	sdelay $0x1  }
0x92: {  	[tilespmem:s31+$0x0] =	vst v1;
	v1 =	vmul.f32 $1.000000010e-01, v2  }
0x93: {  	s23 =	simm.s32 $0x0;
	s25 =	simm.s32 $0x13E80;
	[tilespmem:s15+$0x10] =	vst v2  }
.LBB2_8:
0x94: {  	s23 =	sadd.s32 $0x2, s23;
	[tilespmem:s31+$0x10] =	vst v1;
	s31 =	sadd.s32 $0x40, s31;
	s5 =	sadd.s32 $0x40, s5  }
0x95: {  	v1 =	vld [tilespmem:s25+$0xFFFFFFE0];
	p1 =	slt.u32 s23, $0x27E;
	_ =	sdelay $0x4  }
0x96: {  	v1 =	vmax.f32 v1, $1.000000000e+00  }
0x97: {  	v2 =	vshrl.u32 v1, $0x1;
	v3 =	vmul.f32 $5.000000000e-01, v1  }
0x98: {  	v2 =	vsub.s32 $0x5F3759DF, v2  }
0x99: {  	v4 =	vmul.f32 v2, v3;
	_ =	sdelay $0x1  }
0x9a: {  	v4 =	vmul.f32 v2, v4;
	_ =	sdelay $0x1  }
0x9b: {  	v4 =	vsub.f32 $1.500000000e+00, v4;
	_ =	sdelay $0x1  }
0x9c: {  	v2 =	vmul.f32 v2, v4;
	_ =	sdelay $0x1  }
0x9d: {  	v4 =	vmul.f32 v2, v3;
	_ =	sdelay $0x1  }
0x9e: {  	v4 =	vmul.f32 v4, v2;
	_ =	sdelay $0x1  }
0x9f: {  	v4 =	vsub.f32 $1.500000000e+00, v4;
	_ =	sdelay $0x1  }
0xa0: {  	v2 =	vmul.f32 v4, v2;
	_ =	sdelay $0x1  }
0xa1: {  	v3 =	vmul.f32 v2, v3;
	_ =	sdelay $0x1  }
0xa2: {  	v3 =	vmul.f32 v3, v2;
	_ =	sdelay $0x1  }
0xa3: {  	v3 =	vsub.f32 $1.500000000e+00, v3;
	_ =	sdelay $0x1  }
0xa4: {  	v2 =	vmul.f32 v3, v2;
	_ =	sdelay $0x1  }
0xa5: {  	v3 =	vmul.f32 $8.999999760e-01, v2;
	v1 =	vmul.f32 v2, v1;
	_ =	sdelay $0x1  }
0xa6: {  	v3 =	vmul.f32 v3, v2  }
0xa7: {  	[tilespmem:s5+$0xFFFFFFF0] =	vst v1  }
0xa8: {  	[tilespmem:s5+$0xFFFFFFE0] =	vst v3  }
0xa9: {  	v1 =	vld [tilespmem:s31+$0xFFFFFFE0];
	_ =	sdelay $0x4  }
0xaa: {  	v1 =	vmul.f32 v2, v1;
	_ =	sdelay $0x1  }
0xab: {  	[tilespmem:s25+$0xFFFFFFE0] =	vst v1;
	v1 =	vmul.f32 $1.000000010e-01, v1  }
0xac: {  	v3 =	vld [tilespmem:s31+$0xFFFFFFF0];
	_ =	sdelay $0x4  }
0xad: {  	v2 =	vmul.f32 v2, v3;
	_ =	sdelay $0x1  }
0xae: {  	[tilespmem:s31+$0xFFFFFFE0] =	vst v1;
	v1 =	vmul.f32 $1.000000010e-01, v2  }
0xaf: {  	[tilespmem:s25+$0xFFFFFFF0] =	vst v2  }
0xb0: {  	[tilespmem:s31+$0xFFFFFFF0] =	vst v1  }
0xb1: {  	v1 =	vld [tilespmem:s25+$0x0];
	_ =	sdelay $0x4  }
0xb2: {  	v1 =	vmax.f32 v1, $1.000000000e+00  }
0xb3: {  	v2 =	vshrl.u32 v1, $0x1;
	v3 =	vmul.f32 $5.000000000e-01, v1  }
0xb4: {  	v2 =	vsub.s32 $0x5F3759DF, v2  }
0xb5: {  	v4 =	vmul.f32 v2, v3;
	_ =	sdelay $0x1  }
0xb6: {  	v4 =	vmul.f32 v2, v4;
	_ =	sdelay $0x1  }
0xb7: {  	v4 =	vsub.f32 $1.500000000e+00, v4;
	_ =	sdelay $0x1  }
0xb8: {  	v2 =	vmul.f32 v2, v4;
	_ =	sdelay $0x1  }
0xb9: {  	v4 =	vmul.f32 v2, v3;
	_ =	sdelay $0x1  }
0xba: {  	v4 =	vmul.f32 v4, v2;
	_ =	sdelay $0x1  }
0xbb: {  	v4 =	vsub.f32 $1.500000000e+00, v4;
	_ =	sdelay $0x1  }
0xbc: {  	v2 =	vmul.f32 v4, v2;
	_ =	sdelay $0x1  }
0xbd: {  	v3 =	vmul.f32 v2, v3;
	_ =	sdelay $0x1  }
0xbe: {  	v3 =	vmul.f32 v3, v2;
	_ =	sdelay $0x1  }
0xbf: {  	v3 =	vsub.f32 $1.500000000e+00, v3;
	_ =	sdelay $0x1  }
0xc0: {  	v2 =	vmul.f32 v3, v2;
	_ =	sdelay $0x1  }
0xc1: {  	v3 =	vmul.f32 $8.999999760e-01, v2;
	v1 =	vmul.f32 v2, v1;
	_ =	sdelay $0x1  }
0xc2: {  	v3 =	vmul.f32 v3, v2;
	[tilespmem:s5+$0x10] =	vst v1;
	_ =	sdelay $0x1  }
0xc3: {  	[tilespmem:s5+$0x0] =	vst v3  }
0xc4: {  	v1 =	vld [tilespmem:s31+$0x0];
	_ =	sdelay $0x4  }
0xc5: {  	v1 =	vmul.f32 v2, v1;
	_ =	sdelay $0x1  }
0xc6: {  	[tilespmem:s25+$0x0] =	vst v1;
	v1 =	vmul.f32 $1.000000010e-01, v1  }
0xc7: {  	v3 =	vld [tilespmem:s31+$0x10]  }
0xc8: {  	[tilespmem:s31+$0x0] =	vst v1;
	_ =	sdelay $0x2  }
.Ltmp3:
0xc9: {  	(pc) =	sbr.rel @p1 .LBB2_8-.Ltmp3, $3  }
0xca: {  	v1 =	vmul.f32 v2, v3;
	_ =	sdelay $0x1  }
0xcb: {  	[tilespmem:s25+$0x10] =	vst v1;
	v1 =	vmul.f32 $1.000000010e-01, v1  }
0xcc: {  	s25 =	sadd.s32 $0x40, s25  }
0xcd: {  	[tilespmem:s31+$0x10] =	vst v1;
	s31 =	simm.s32 $0x0;
	s5 =	rddreg [dreg:$0xb]  }
0xce: {  	[hbm4b:s5+s31] =	stream.linear.scatter [tilespmem:s21], [sflag:$0xB], $0x5000, $0x38;
	[tilespmem:$0x1DE20] =	vst v63  }
0xcf: {  	_ =	swait.ge [sflag:s14], $0x5000  }
0xd0: {  	[sflag:s14] =	ssyncset.done $0x0  }
0xd1: {  	[sflag:s14] =	ssyncadd.s32 $0xFFFFB000  }
0xd2: {  	s5 =	simm.s32 $0x0;
	[bflag:$0x0] =	sbarrier.arrive $0xFFFF  }
.LBB2_10:
0xd3: {  	[tilespmem:s19], [sflag:$0x1] =	stream.indirect.gather [hbm4b:s10+s18], $0x20, s31, s18, $0xb8;
	[tilespmem:$0x1DE20] =	vst v63  }
0xd4: {  	s15 =	simm.s32 $0x80  }
0xd5: {  	[tilespmem:s24], [sflag:$0x2] =	stream.indirect.gather [hbm4b:s10+s18], $0x20, s15, s18, $0xb8;
	[tilespmem:$0x1DE20] =	vst v63  }
0xd6: {  	s25 =	simm.s32 $0x100  }
0xd7: {  	[tilespmem:s26], [sflag:$0x3] =	stream.indirect.gather [hbm4b:s10+s18], $0x20, s25, s18, $0xb8;
	[tilespmem:$0x1DE20] =	vst v63  }
0xd8: {  	s28 =	simm.s32 $0x180  }
0xd9: {  	[tilespmem:s29], [sflag:$0x4] =	stream.indirect.gather [hbm4b:s10+s18], $0x20, s28, s18, $0xb8;
	[tilespmem:$0x1DE20] =	vst v63  }
0xda: {  	_ =	swait.ge [sflag:s30], $0xFA0  }
0xdb: {  	[sflag:s30] =	ssyncset.done $0x0  }
0xdc: {  	s22 =	simm.s32 $0x2800;
	[sflag:s30] =	ssyncadd.s32 $0xFFFFF060  }
0xdd: {  	[spmem:s2] =	stream.indirect.scatter.add.f32 [tilespmem:s19], [sflag:$0x6], $0x20, s22, s18, $0xb8;
	[tilespmem:$0x1DE20] =	vst v63  }
0xde: {  	s23 =	simm.s32 $0x200  }
0xdf: {  	[tilespmem:s0], [sflag:$0x5] =	stream.indirect.gather [hbm4b:s10+s18], $0x20, s23, s18, $0xb8;
	[tilespmem:$0x1DE20] =	vst v63  }
0xe0: {  	_ =	swait.ge [sflag:s1], $0xFA0  }
0xe1: {  	[sflag:s1] =	ssyncset.done $0x0  }
0xe2: {  	s25 =	simm.s32 $0x2880;
	[sflag:s1] =	ssyncadd.s32 $0xFFFFF060  }
0xe3: {  	[spmem:s2] =	stream.indirect.scatter.add.f32 [tilespmem:s24], [sflag:$0x7], $0x20, s25, s18, $0xb8;
	[tilespmem:$0x1DE20] =	vst v63  }
0xe4: {  	_ =	swait.ge [sflag:s20], $0xFA0  }
0xe5: {  	[sflag:s20] =	ssyncset.done $0x0  }
0xe6: {  	s28 =	simm.s32 $0x280;
	[sflag:s20] =	ssyncadd.s32 $0xFFFFF060  }
0xe7: {  	[tilespmem:s19], [sflag:$0x1] =	stream.indirect.gather [hbm4b:s10+s18], $0x20, s28, s18, $0xb8;
	[tilespmem:$0x1DE20] =	vst v63  }
0xe8: {  	_ =	swait.ge [sflag:s6], $0xFA0  }
0xe9: {  	[sflag:s6] =	ssyncset.done $0x0  }
0xea: {  	s22 =	simm.s32 $0x2900;
	[sflag:s6] =	ssyncadd.s32 $0xFFFFF060  }
0xeb: {  	[spmem:s2] =	stream.indirect.scatter.add.f32 [tilespmem:s26], [sflag:$0x8], $0x20, s22, s18, $0xb8;
	[tilespmem:$0x1DE20] =	vst v63  }
0xec: {  	_ =	swait.ge [sflag:s8], $0xFA0  }
0xed: {  	[sflag:s8] =	ssyncset.done $0x0  }
0xee: {  	s23 =	simm.s32 $0x300;
	[sflag:s8] =	ssyncadd.s32 $0xFFFFF060  }
0xef: {  	[tilespmem:s24], [sflag:$0x2] =	stream.indirect.gather [hbm4b:s10+s18], $0x20, s23, s18, $0xb8;
	[tilespmem:$0x1DE20] =	vst v63  }
0xf0: {  	_ =	swait.ge [sflag:s9], $0xFA0  }
0xf1: {  	[sflag:s9] =	ssyncset.done $0x0  }
0xf2: {  	s25 =	simm.s32 $0x2980;
	[sflag:s9] =	ssyncadd.s32 $0xFFFFF060  }
0xf3: {  	[spmem:s2] =	stream.indirect.scatter.add.f32 [tilespmem:s29], [sflag:$0x9], $0x20, s25, s18, $0xb8;
	[tilespmem:$0x1DE20] =	vst v63  }
0xf4: {  	_ =	swait.ge [sflag:s11], $0xFA0  }
0xf5: {  	[sflag:s11] =	ssyncset.done $0x0  }
0xf6: {  	s28 =	simm.s32 $0x380;
	[sflag:s11] =	ssyncadd.s32 $0xFFFFF060  }
0xf7: {  	[tilespmem:s26], [sflag:$0x3] =	stream.indirect.gather [hbm4b:s10+s18], $0x20, s28, s18, $0xb8;
	[tilespmem:$0x1DE20] =	vst v63  }
0xf8: {  	_ =	swait.ge [sflag:s12], $0xFA0  }
0xf9: {  	[sflag:s12] =	ssyncset.done $0x0  }
0xfa: {  	s22 =	simm.s32 $0x2A00;
	[sflag:s12] =	ssyncadd.s32 $0xFFFFF060  }
0xfb: {  	[spmem:s2] =	stream.indirect.scatter.add.f32 [tilespmem:s0], [sflag:$0xA], $0x20, s22, s18, $0xb8;
	[tilespmem:$0x1DE20] =	vst v63  }
0xfc: {  	_ =	swait.ge [sflag:s13], $0xFA0  }
0xfd: {  	[sflag:s13] =	ssyncset.done $0x0  }
0xfe: {  	s23 =	simm.s32 $0x400;
	[sflag:s13] =	ssyncadd.s32 $0xFFFFF060  }
0xff: {  	[tilespmem:s29], [sflag:$0x4] =	stream.indirect.gather [hbm4b:s10+s18], $0x20, s23, s18, $0xb8;
	[tilespmem:$0x1DE20] =	vst v63  }
0x100: {  	_ =	swait.ge [sflag:s30], $0xFA0  }
0x101: {  	[sflag:s30] =	ssyncset.done $0x0  }
0x102: {  	s25 =	simm.s32 $0x2A80;
	[sflag:s30] =	ssyncadd.s32 $0xFFFFF060  }
0x103: {  	[spmem:s2] =	stream.indirect.scatter.add.f32 [tilespmem:s19], [sflag:$0x6], $0x20, s25, s18, $0xb8;
	[tilespmem:$0x1DE20] =	vst v63  }
0x104: {  	_ =	swait.ge [sflag:s3], $0xFA0  }
0x105: {  	[sflag:s3] =	ssyncset.done $0x0  }
0x106: {  	s28 =	simm.s32 $0x480;
	[sflag:s3] =	ssyncadd.s32 $0xFFFFF060  }
0x107: {  	[tilespmem:s0], [sflag:$0x5] =	stream.indirect.gather [hbm4b:s10+s18], $0x20, s28, s18, $0xb8;
	[tilespmem:$0x1DE20] =	vst v63  }
0x108: {  	_ =	swait.ge [sflag:s1], $0xFA0  }
0x109: {  	[sflag:s1] =	ssyncset.done $0x0  }
0x10a: {  	s15 =	simm.s32 $0xA00;
	s22 =	simm.s32 $0x2B00;
	[sflag:s1] =	ssyncadd.s32 $0xFFFFF060  }
.LBB2_11:
0x10b: {  	[spmem:s2] =	stream.indirect.scatter.add.f32 [tilespmem:s24], [sflag:$0x7], $0x20, s22, s18, $0xb8;
	[tilespmem:$0x1DE20] =	vst v63  }
0x10c: {  	s22 =	smov.u32 s15  }
0x10d: {  	p1 =	sne.s32 s15, $0x8C00;
	s15 =	sadd.s32 $0xA00, s15;
	_ =	swait.ge [sflag:s20], $0xFA0  }
0x10e: {  	s22 =	sshra.s32 s22, $0x2;
	[sflag:s20] =	ssyncset.done $0x0  }
0x10f: {  	s23 =	sadd.s32 $0x280, s22;
	[sflag:s20] =	ssyncadd.s32 $0xFFFFF060  }
0x110: {  	[tilespmem:s19], [sflag:$0x1] =	stream.indirect.gather [hbm4b:s10+s18], $0x20, s23, s18, $0xb8;
	[tilespmem:$0x1DE20] =	vst v63  }
0x111: {  	_ =	swait.ge [sflag:s6], $0xFA0  }
0x112: {  	[sflag:s6] =	ssyncset.done $0x0  }
0x113: {  	s23 =	sadd.s32 $0x2900, s22;
	[sflag:s6] =	ssyncadd.s32 $0xFFFFF060  }
0x114: {  	[spmem:s2] =	stream.indirect.scatter.add.f32 [tilespmem:s26], [sflag:$0x8], $0x20, s23, s18, $0xb8;
	[tilespmem:$0x1DE20] =	vst v63  }
0x115: {  	_ =	swait.ge [sflag:s8], $0xFA0  }
0x116: {  	[sflag:s8] =	ssyncset.done $0x0  }
0x117: {  	s23 =	sadd.s32 $0x300, s22;
	[sflag:s8] =	ssyncadd.s32 $0xFFFFF060  }
0x118: {  	[tilespmem:s24], [sflag:$0x2] =	stream.indirect.gather [hbm4b:s10+s18], $0x20, s23, s18, $0xb8;
	[tilespmem:$0x1DE20] =	vst v63  }
0x119: {  	_ =	swait.ge [sflag:s9], $0xFA0  }
0x11a: {  	[sflag:s9] =	ssyncset.done $0x0  }
0x11b: {  	s23 =	sadd.s32 $0x2980, s22;
	[sflag:s9] =	ssyncadd.s32 $0xFFFFF060  }
0x11c: {  	[spmem:s2] =	stream.indirect.scatter.add.f32 [tilespmem:s29], [sflag:$0x9], $0x20, s23, s18, $0xb8;
	[tilespmem:$0x1DE20] =	vst v63  }
0x11d: {  	_ =	swait.ge [sflag:s11], $0xFA0  }
0x11e: {  	[sflag:s11] =	ssyncset.done $0x0  }
0x11f: {  	s23 =	sadd.s32 $0x380, s22;
	[sflag:s11] =	ssyncadd.s32 $0xFFFFF060  }
0x120: {  	[tilespmem:s26], [sflag:$0x3] =	stream.indirect.gather [hbm4b:s10+s18], $0x20, s23, s18, $0xb8;
	[tilespmem:$0x1DE20] =	vst v63  }
0x121: {  	_ =	swait.ge [sflag:s12], $0xFA0  }
0x122: {  	[sflag:s12] =	ssyncset.done $0x0  }
0x123: {  	s23 =	sadd.s32 $0x2A00, s22;
	[sflag:s12] =	ssyncadd.s32 $0xFFFFF060  }
0x124: {  	[spmem:s2] =	stream.indirect.scatter.add.f32 [tilespmem:s0], [sflag:$0xA], $0x20, s23, s18, $0xb8;
	[tilespmem:$0x1DE20] =	vst v63  }
0x125: {  	_ =	swait.ge [sflag:s13], $0xFA0  }
0x126: {  	[sflag:s13] =	ssyncset.done $0x0  }
0x127: {  	s23 =	sadd.s32 $0x400, s22;
	[sflag:s13] =	ssyncadd.s32 $0xFFFFF060  }
0x128: {  	[tilespmem:s29], [sflag:$0x4] =	stream.indirect.gather [hbm4b:s10+s18], $0x20, s23, s18, $0xb8;
	[tilespmem:$0x1DE20] =	vst v63  }
0x129: {  	_ =	swait.ge [sflag:s30], $0xFA0  }
0x12a: {  	[sflag:s30] =	ssyncset.done $0x0  }
0x12b: {  	s23 =	sadd.s32 $0x2A80, s22;
	[sflag:s30] =	ssyncadd.s32 $0xFFFFF060  }
0x12c: {  	[spmem:s2] =	stream.indirect.scatter.add.f32 [tilespmem:s19], [sflag:$0x6], $0x20, s23, s18, $0xb8;
	[tilespmem:$0x1DE20] =	vst v63  }
0x12d: {  	_ =	swait.ge [sflag:s3], $0xFA0  }
0x12e: {  	[sflag:s3] =	ssyncset.done $0x0  }
.Ltmp4:
0x12f: {  	s23 =	sadd.s32 $0x480, s22;
	[sflag:s3] =	ssyncadd.s32 $0xFFFFF060;
	(pc) =	sbr.rel @p1 .LBB2_11-.Ltmp4, $4  }
0x130: {  	[tilespmem:s0], [sflag:$0x5] =	stream.indirect.gather [hbm4b:s10+s18], $0x20, s23, s18, $0xb8;
	[tilespmem:$0x1DE20] =	vst v63  }
0x131: {  	_ =	swait.ge [sflag:s1], $0xFA0  }
0x132: {  	[sflag:s1] =	ssyncset.done $0x0  }
0x133: {  	s22 =	sadd.s32 $0x2B00, s22;
	[sflag:s1] =	ssyncadd.s32 $0xFFFFF060  }
0x134: {  	[spmem:s2] =	stream.indirect.scatter.add.f32 [tilespmem:s24], [sflag:$0x7], $0x20, s22, s18, $0xb8;
	[tilespmem:$0x1DE20] =	vst v63  }
0x135: {  	_ =	swait.ge [sflag:s20], $0xFA0  }
0x136: {  	[sflag:s20] =	ssyncset.done $0x0  }
0x137: {  	[sflag:s20] =	ssyncadd.s32 $0xFFFFF060  }
0x138: {  	_ =	swait.ge [sflag:s6], $0xFA0  }
0x139: {  	[sflag:s6] =	ssyncset.done $0x0  }
0x13a: {  	s15 =	simm.s32 $0x4E80;
	[sflag:s6] =	ssyncadd.s32 $0xFFFFF060  }
0x13b: {  	[spmem:s2] =	stream.indirect.scatter.add.f32 [tilespmem:s26], [sflag:$0x8], $0x20, s15, s18, $0xb8;
	[tilespmem:$0x1DE20] =	vst v63  }
0x13c: {  	_ =	swait.ge [sflag:s8], $0xFA0  }
0x13d: {  	[sflag:s8] =	ssyncset.done $0x0  }
0x13e: {  	[sflag:s8] =	ssyncadd.s32 $0xFFFFF060  }
0x13f: {  	_ =	swait.ge [sflag:s9], $0xFA0  }
0x140: {  	[sflag:s9] =	ssyncset.done $0x0  }
0x141: {  	s23 =	simm.s32 $0x4F00;
	[sflag:s9] =	ssyncadd.s32 $0xFFFFF060  }
0x142: {  	[spmem:s2] =	stream.indirect.scatter.add.f32 [tilespmem:s29], [sflag:$0x9], $0x20, s23, s18, $0xb8;
	[tilespmem:$0x1DE20] =	vst v63  }
0x143: {  	_ =	swait.ge [sflag:s11], $0xFA0  }
0x144: {  	[sflag:s11] =	ssyncset.done $0x0  }
0x145: {  	[sflag:s11] =	ssyncadd.s32 $0xFFFFF060  }
0x146: {  	_ =	swait.ge [sflag:s12], $0xFA0  }
0x147: {  	[sflag:s12] =	ssyncset.done $0x0  }
0x148: {  	s25 =	simm.s32 $0x4F80;
	[sflag:s12] =	ssyncadd.s32 $0xFFFFF060  }
0x149: {  	[spmem:s2] =	stream.indirect.scatter.add.f32 [tilespmem:s0], [sflag:$0xA], $0x20, s25, s18, $0xb8;
	[tilespmem:$0x1DE20] =	vst v63  }
0x14a: {  	_ =	swait.ge [sflag:s13], $0xFA0  }
0x14b: {  	[sflag:s13] =	ssyncset.done $0x0  }
0x14c: {  	[sflag:s13] =	ssyncadd.s32 $0xFFFFF060  }
0x14d: {  	_ =	swait.ge [sflag:s3], $0xFA0  }
0x14e: {  	[sflag:s3] =	ssyncset.done $0x0  }
0x14f: {  	[sflag:s3] =	ssyncadd.s32 $0xFFFFF060  }
0x150: {  	[bflag:$0x0] =	sbarrier.arrive $0xFFFF  }
0x151: {  	[tilespmem:s21], [sflag:$0xB] =	stream.linear.gather [spmem:s7], $0x5000, $0x38;
	[tilespmem:$0x1DE20] =	vst v63  }
0x152: {  	_ =	swait.ge [sflag:s14], $0x5000  }
0x153: {  	[sflag:s14] =	ssyncset.done $0x0  }
0x154: {  	[sflag:s14] =	ssyncadd.s32 $0xFFFFB000  }
0x155: {  	[spmem:s17], [sflag:s16] =	dma.local [hbm:s4], $0xA00  }
0x156: {  	_ =	swait.ge [sflag:s14], $0xA00  }
0x157: {  	[sflag:s14] =	ssyncset.done $0x0  }
0x158: {  	s23 =	simm.s32 $0x13E60;
	[sflag:s14] =	ssyncadd.s32 $0xFFFFF600  }
0x159: {  	s25 =	simm.s32 $0xEE60;
	v1 =	vld [tilespmem:s23+$0xFFFFFFC0]  }
0x15a: {  	v2 =	vld [tilespmem:s25+$0xFFFFFFC0]  }
0x15b: {  	s28 =	simm.s32 $0x9E60  }
0x15c: {  	v3 =	vld [tilespmem:s28+$0xFFFFFFC0];
	_ =	sdelay $0x2  }
0x15d: {  	v1 =	vmul.f32 v1, v2;
	_ =	sdelay $0x1  }
0x15e: {  	v1 =	vadd.f32 v3, v1  }
0x15f: {  	v3 =	vld [tilespmem:s23+$0xFFFFFFD0]  }
0x160: {  	[tilespmem:s23+$0xFFFFFFC0] =	vst v1  }
0x161: {  	v1 =	vld [tilespmem:s28+$0xFFFFFFD0];
	_ =	sdelay $0x2  }
0x162: {  	v2 =	vmul.f32 v3, v2;
	_ =	sdelay $0x1  }
0x163: {  	v1 =	vadd.f32 v1, v2;
	_ =	sdelay $0x1  }
0x164: {  	[tilespmem:s23+$0xFFFFFFD0] =	vst v1;
	v1 =	vld [tilespmem:s23+$0xFFFFFFE0]  }
0x165: {  	v2 =	vld [tilespmem:s25+$0xFFFFFFE0];
	_ =	sdelay $0x1  }
0x166: {  	v3 =	vld [tilespmem:s28+$0xFFFFFFE0];
	_ =	sdelay $0x2  }
0x167: {  	v1 =	vmul.f32 v1, v2;
	_ =	sdelay $0x1  }
0x168: {  	v1 =	vadd.f32 v3, v1  }
0x169: {  	v3 =	vld [tilespmem:s23+$0xFFFFFFF0]  }
0x16a: {  	[tilespmem:s23+$0xFFFFFFE0] =	vst v1  }
0x16b: {  	v1 =	vld [tilespmem:s28+$0xFFFFFFF0];
	_ =	sdelay $0x2  }
0x16c: {  	v2 =	vmul.f32 v3, v2;
	_ =	sdelay $0x1  }
0x16d: {  	v1 =	vadd.f32 v1, v2;
	_ =	sdelay $0x1  }
0x16e: {  	[tilespmem:s23+$0xFFFFFFF0] =	vst v1;
	v1 =	vld [tilespmem:s23+$0x0]  }
0x16f: {  	v2 =	vld [tilespmem:s25+$0x0];
	_ =	sdelay $0x1  }
0x170: {  	v3 =	vld [tilespmem:s28+$0x0];
	_ =	sdelay $0x2  }
0x171: {  	v1 =	vmul.f32 v1, v2;
	_ =	sdelay $0x1  }
0x172: {  	v1 =	vadd.f32 v3, v1  }
0x173: {  	v3 =	vld [tilespmem:s23+$0x10]  }
0x174: {  	[tilespmem:s23+$0x0] =	vst v1  }
0x175: {  	v1 =	vld [tilespmem:s28+$0x10];
	_ =	sdelay $0x2  }
0x176: {  	v2 =	vmul.f32 v3, v2;
	_ =	sdelay $0x1  }
0x177: {  	v1 =	vadd.f32 v1, v2;
	_ =	sdelay $0x1  }
0x178: {  	[tilespmem:s23+$0x10] =	vst v1;
	v1 =	vld [tilespmem:s23+$0x20]  }
0x179: {  	v2 =	vld [tilespmem:s25+$0x20];
	_ =	sdelay $0x1  }
0x17a: {  	v3 =	vld [tilespmem:s28+$0x20];
	_ =	sdelay $0x2  }
0x17b: {  	v1 =	vmul.f32 v1, v2;
	_ =	sdelay $0x1  }
0x17c: {  	v1 =	vadd.f32 v3, v1  }
0x17d: {  	v3 =	vld [tilespmem:s23+$0x30]  }
0x17e: {  	[tilespmem:s23+$0x20] =	vst v1  }
0x17f: {  	v1 =	vld [tilespmem:s28+$0x30];
	_ =	sdelay $0x2  }
0x180: {  	v2 =	vmul.f32 v3, v2;
	_ =	sdelay $0x1  }
0x181: {  	s22 =	simm.s32 $0x13EE0;
	s15 =	simm.s32 $0x0;
	v1 =	vadd.f32 v1, v2  }
.LBB2_13:
0x182: {  	v2 =	vld [tilespmem:s22+$0xFFFFFFD0]  }
0x183: {  	s25 =	sadd.s32 $0x80, s25;
	v3 =	vld [tilespmem:s22+$0xFFFFFFC0];
	[tilespmem:s23+$0x30] =	vst v1;
	s23 =	smov.u32 s22  }
0x184: {  	s15 =	sadd.s32 $0x4, s15;
	s28 =	sadd.s32 $0x80, s28;
	v1 =	vld [tilespmem:s25+$0xFFFFFFC0]  }
0x185: {  	p1 =	slt.u32 s15, $0x27C;
	v4 =	vld [tilespmem:s28+$0xFFFFFFC0];
	_ =	sdelay $0x3  }
0x186: {  	v3 =	vmul.f32 v3, v1;
	v1 =	vmul.f32 v2, v1;
	_ =	sdelay $0x1  }
0x187: {  	v2 =	vadd.f32 v4, v3;
	_ =	sdelay $0x1  }
0x188: {  	[tilespmem:s22+$0xFFFFFFC0] =	vst v2  }
0x189: {  	v2 =	vld [tilespmem:s28+$0xFFFFFFD0];
	_ =	sdelay $0x4  }
0x18a: {  	v1 =	vadd.f32 v2, v1;
	_ =	sdelay $0x1  }
0x18b: {  	[tilespmem:s22+$0xFFFFFFD0] =	vst v1;
	v1 =	vld [tilespmem:s22+$0xFFFFFFE0]  }
0x18c: {  	v2 =	vld [tilespmem:s25+$0xFFFFFFE0];
	_ =	sdelay $0x1  }
0x18d: {  	v3 =	vld [tilespmem:s28+$0xFFFFFFE0];
	_ =	sdelay $0x2  }
0x18e: {  	v1 =	vmul.f32 v1, v2;
	_ =	sdelay $0x1  }
0x18f: {  	v1 =	vadd.f32 v3, v1  }
0x190: {  	v3 =	vld [tilespmem:s22+$0xFFFFFFF0]  }
0x191: {  	[tilespmem:s22+$0xFFFFFFE0] =	vst v1  }
0x192: {  	v1 =	vld [tilespmem:s28+$0xFFFFFFF0];
	_ =	sdelay $0x2  }
0x193: {  	v2 =	vmul.f32 v3, v2;
	_ =	sdelay $0x1  }
0x194: {  	v1 =	vadd.f32 v1, v2;
	_ =	sdelay $0x1  }
0x195: {  	[tilespmem:s22+$0xFFFFFFF0] =	vst v1;
	v1 =	vld [tilespmem:s22+$0x0]  }
0x196: {  	v2 =	vld [tilespmem:s25+$0x0];
	_ =	sdelay $0x1  }
0x197: {  	v3 =	vld [tilespmem:s28+$0x0];
	_ =	sdelay $0x2  }
0x198: {  	v1 =	vmul.f32 v1, v2;
	_ =	sdelay $0x1  }
0x199: {  	v1 =	vadd.f32 v3, v1  }
0x19a: {  	v3 =	vld [tilespmem:s22+$0x10]  }
0x19b: {  	[tilespmem:s22+$0x0] =	vst v1  }
0x19c: {  	v1 =	vld [tilespmem:s28+$0x10];
	_ =	sdelay $0x2  }
0x19d: {  	v2 =	vmul.f32 v3, v2;
	_ =	sdelay $0x1  }
0x19e: {  	v1 =	vadd.f32 v1, v2;
	_ =	sdelay $0x1  }
0x19f: {  	[tilespmem:s22+$0x10] =	vst v1;
	v1 =	vld [tilespmem:s22+$0x20]  }
0x1a0: {  	v2 =	vld [tilespmem:s25+$0x20];
	_ =	sdelay $0x1  }
0x1a1: {  	v3 =	vld [tilespmem:s28+$0x20];
	_ =	sdelay $0x2  }
0x1a2: {  	v1 =	vmul.f32 v1, v2;
	_ =	sdelay $0x1  }
0x1a3: {  	v1 =	vadd.f32 v3, v1  }
0x1a4: {  	v3 =	vld [tilespmem:s22+$0x30]  }
0x1a5: {  	[tilespmem:s22+$0x20] =	vst v1  }
0x1a6: {  	v1 =	vld [tilespmem:s28+$0x30]  }
.Ltmp5:
0x1a7: {  	(pc) =	sbr.rel @p1 .LBB2_13-.Ltmp5, $3  }
0x1a8: {  	_ = 	snop  }
0x1a9: {  	v2 =	vmul.f32 v3, v2;
	_ =	sdelay $0x1  }
0x1aa: {  	s22 =	sadd.s32 $0x80, s22;
	v1 =	vadd.f32 v1, v2  }
0x1ab: {  	s5 =	sadd.s32 $0x1, s5  }
0x1ac: {  	s15 =	simm.s32 $0x0;
	s22 =	rddreg [dreg:$0xb];
	[tilespmem:s23+$0x30] =	vst v1;
	p1 =	sne.s32 s5, $0x9  }
0x1ad: {  	[hbm4b:s22+s15] =	stream.linear.scatter [tilespmem:s21], [sflag:$0xB], $0x5000, $0x38;
	[tilespmem:$0x1DE20] =	vst v63  }
.Ltmp6:
0x1ae: {  	_ =	swait.ge [sflag:s14], $0x5000;
	(pc) =	sbr.rel @p1 .LBB2_10-.Ltmp6, $3  }
0x1af: {  	[sflag:s14] =	ssyncset.done $0x0  }
0x1b0: {  	[sflag:s14] =	ssyncadd.s32 $0xFFFFB000  }
0x1b1: {  	[bflag:$0x0] =	sbarrier.arrive $0xFFFF;
	_ =	sdelay $0x1  }
0x1b2: {  	s5 =	simm.s32 $0x0  }
0x1b3: {  	[tilespmem:s19], [sflag:$0x1] =	stream.indirect.gather [hbm4b:s10+s18], $0x20, s5, s18, $0xb8;
	[tilespmem:$0x1DE20] =	vst v63  }
0x1b4: {  	s25 =	simm.s32 $0x80  }
0x1b5: {  	[tilespmem:s24], [sflag:$0x2] =	stream.indirect.gather [hbm4b:s10+s18], $0x20, s25, s18, $0xb8;
	[tilespmem:$0x1DE20] =	vst v63  }
0x1b6: {  	s28 =	simm.s32 $0x100  }
0x1b7: {  	[tilespmem:s26], [sflag:$0x3] =	stream.indirect.gather [hbm4b:s10+s18], $0x20, s28, s18, $0xb8;
	[tilespmem:$0x1DE20] =	vst v63  }
0x1b8: {  	s31 =	simm.s32 $0x180  }
0x1b9: {  	[tilespmem:s29], [sflag:$0x4] =	stream.indirect.gather [hbm4b:s10+s18], $0x20, s31, s18, $0xb8;
	[tilespmem:$0x1DE20] =	vst v63  }
0x1ba: {  	_ =	swait.ge [sflag:s30], $0xFA0  }
0x1bb: {  	[sflag:s30] =	ssyncset.done $0x0  }
0x1bc: {  	s15 =	simm.s32 $0x2800;
	[sflag:s30] =	ssyncadd.s32 $0xFFFFF060  }
0x1bd: {  	[spmem:s2] =	stream.indirect.scatter.add.f32 [tilespmem:s19], [sflag:$0x6], $0x20, s15, s18, $0xb8;
	[tilespmem:$0x1DE20] =	vst v63  }
0x1be: {  	s22 =	simm.s32 $0x200  }
0x1bf: {  	[tilespmem:s0], [sflag:$0x5] =	stream.indirect.gather [hbm4b:s10+s18], $0x20, s22, s18, $0xb8;
	[tilespmem:$0x1DE20] =	vst v63  }
0x1c0: {  	_ =	swait.ge [sflag:s1], $0xFA0  }
0x1c1: {  	[sflag:s1] =	ssyncset.done $0x0  }
0x1c2: {  	s23 =	simm.s32 $0x2880;
	[sflag:s1] =	ssyncadd.s32 $0xFFFFF060  }
0x1c3: {  	[spmem:s2] =	stream.indirect.scatter.add.f32 [tilespmem:s24], [sflag:$0x7], $0x20, s23, s18, $0xb8;
	[tilespmem:$0x1DE20] =	vst v63  }
0x1c4: {  	_ =	swait.ge [sflag:s20], $0xFA0  }
0x1c5: {  	[sflag:s20] =	ssyncset.done $0x0  }
0x1c6: {  	s25 =	simm.s32 $0x280;
	[sflag:s20] =	ssyncadd.s32 $0xFFFFF060  }
0x1c7: {  	[tilespmem:s19], [sflag:$0x1] =	stream.indirect.gather [hbm4b:s10+s18], $0x20, s25, s18, $0xb8;
	[tilespmem:$0x1DE20] =	vst v63  }
0x1c8: {  	_ =	swait.ge [sflag:s6], $0xFA0  }
0x1c9: {  	[sflag:s6] =	ssyncset.done $0x0  }
0x1ca: {  	s28 =	simm.s32 $0x2900;
	[sflag:s6] =	ssyncadd.s32 $0xFFFFF060  }
0x1cb: {  	[spmem:s2] =	stream.indirect.scatter.add.f32 [tilespmem:s26], [sflag:$0x8], $0x20, s28, s18, $0xb8;
	[tilespmem:$0x1DE20] =	vst v63  }
0x1cc: {  	_ =	swait.ge [sflag:s8], $0xFA0  }
0x1cd: {  	[sflag:s8] =	ssyncset.done $0x0  }
0x1ce: {  	s31 =	simm.s32 $0x300;
	[sflag:s8] =	ssyncadd.s32 $0xFFFFF060  }
0x1cf: {  	[tilespmem:s24], [sflag:$0x2] =	stream.indirect.gather [hbm4b:s10+s18], $0x20, s31, s18, $0xb8;
	[tilespmem:$0x1DE20] =	vst v63  }
0x1d0: {  	_ =	swait.ge [sflag:s9], $0xFA0  }
0x1d1: {  	[sflag:s9] =	ssyncset.done $0x0  }
0x1d2: {  	s15 =	simm.s32 $0x2980;
	[sflag:s9] =	ssyncadd.s32 $0xFFFFF060  }
0x1d3: {  	[spmem:s2] =	stream.indirect.scatter.add.f32 [tilespmem:s29], [sflag:$0x9], $0x20, s15, s18, $0xb8;
	[tilespmem:$0x1DE20] =	vst v63  }
0x1d4: {  	_ =	swait.ge [sflag:s11], $0xFA0  }
0x1d5: {  	[sflag:s11] =	ssyncset.done $0x0  }
0x1d6: {  	s22 =	simm.s32 $0x380;
	[sflag:s11] =	ssyncadd.s32 $0xFFFFF060  }
0x1d7: {  	[tilespmem:s26], [sflag:$0x3] =	stream.indirect.gather [hbm4b:s10+s18], $0x20, s22, s18, $0xb8;
	[tilespmem:$0x1DE20] =	vst v63  }
0x1d8: {  	_ =	swait.ge [sflag:s12], $0xFA0  }
0x1d9: {  	[sflag:s12] =	ssyncset.done $0x0  }
0x1da: {  	s23 =	simm.s32 $0x2A00;
	[sflag:s12] =	ssyncadd.s32 $0xFFFFF060  }
0x1db: {  	[spmem:s2] =	stream.indirect.scatter.add.f32 [tilespmem:s0], [sflag:$0xA], $0x20, s23, s18, $0xb8;
	[tilespmem:$0x1DE20] =	vst v63  }
0x1dc: {  	_ =	swait.ge [sflag:s13], $0xFA0  }
0x1dd: {  	[sflag:s13] =	ssyncset.done $0x0  }
0x1de: {  	s25 =	simm.s32 $0x400;
	[sflag:s13] =	ssyncadd.s32 $0xFFFFF060  }
0x1df: {  	[tilespmem:s29], [sflag:$0x4] =	stream.indirect.gather [hbm4b:s10+s18], $0x20, s25, s18, $0xb8;
	[tilespmem:$0x1DE20] =	vst v63  }
0x1e0: {  	_ =	swait.ge [sflag:s30], $0xFA0  }
0x1e1: {  	[sflag:s30] =	ssyncset.done $0x0  }
0x1e2: {  	s28 =	simm.s32 $0x2A80;
	[sflag:s30] =	ssyncadd.s32 $0xFFFFF060  }
0x1e3: {  	[spmem:s2] =	stream.indirect.scatter.add.f32 [tilespmem:s19], [sflag:$0x6], $0x20, s28, s18, $0xb8;
	[tilespmem:$0x1DE20] =	vst v63  }
0x1e4: {  	_ =	swait.ge [sflag:s3], $0xFA0  }
0x1e5: {  	[sflag:s3] =	ssyncset.done $0x0  }
0x1e6: {  	s31 =	simm.s32 $0x480;
	[sflag:s3] =	ssyncadd.s32 $0xFFFFF060  }
0x1e7: {  	[tilespmem:s0], [sflag:$0x5] =	stream.indirect.gather [hbm4b:s10+s18], $0x20, s31, s18, $0xb8;
	[tilespmem:$0x1DE20] =	vst v63  }
0x1e8: {  	_ =	swait.ge [sflag:s1], $0xFA0  }
0x1e9: {  	[sflag:s1] =	ssyncset.done $0x0  }
0x1ea: {  	s5 =	simm.s32 $0xA00;
	s15 =	simm.s32 $0x2B00;
	[sflag:s1] =	ssyncadd.s32 $0xFFFFF060  }
.LBB2_16:
0x1eb: {  	[spmem:s2] =	stream.indirect.scatter.add.f32 [tilespmem:s24], [sflag:$0x7], $0x20, s15, s18, $0xb8;
	[tilespmem:$0x1DE20] =	vst v63  }
0x1ec: {  	s15 =	smov.u32 s5  }
0x1ed: {  	p1 =	sne.s32 s5, $0x8C00;
	s5 =	sadd.s32 $0xA00, s5;
	_ =	swait.ge [sflag:s20], $0xFA0  }
0x1ee: {  	s15 =	sshra.s32 s15, $0x2;
	[sflag:s20] =	ssyncset.done $0x0  }
0x1ef: {  	s22 =	sadd.s32 $0x280, s15;
	[sflag:s20] =	ssyncadd.s32 $0xFFFFF060  }
0x1f0: {  	[tilespmem:s19], [sflag:$0x1] =	stream.indirect.gather [hbm4b:s10+s18], $0x20, s22, s18, $0xb8;
	[tilespmem:$0x1DE20] =	vst v63  }
0x1f1: {  	_ =	swait.ge [sflag:s6], $0xFA0  }
0x1f2: {  	[sflag:s6] =	ssyncset.done $0x0  }
0x1f3: {  	s22 =	sadd.s32 $0x2900, s15;
	[sflag:s6] =	ssyncadd.s32 $0xFFFFF060  }
0x1f4: {  	[spmem:s2] =	stream.indirect.scatter.add.f32 [tilespmem:s26], [sflag:$0x8], $0x20, s22, s18, $0xb8;
	[tilespmem:$0x1DE20] =	vst v63  }
0x1f5: {  	_ =	swait.ge [sflag:s8], $0xFA0  }
0x1f6: {  	[sflag:s8] =	ssyncset.done $0x0  }
0x1f7: {  	s22 =	sadd.s32 $0x300, s15;
	[sflag:s8] =	ssyncadd.s32 $0xFFFFF060  }
0x1f8: {  	[tilespmem:s24], [sflag:$0x2] =	stream.indirect.gather [hbm4b:s10+s18], $0x20, s22, s18, $0xb8;
	[tilespmem:$0x1DE20] =	vst v63  }
0x1f9: {  	_ =	swait.ge [sflag:s9], $0xFA0  }
0x1fa: {  	[sflag:s9] =	ssyncset.done $0x0  }
0x1fb: {  	s22 =	sadd.s32 $0x2980, s15;
	[sflag:s9] =	ssyncadd.s32 $0xFFFFF060  }
0x1fc: {  	[spmem:s2] =	stream.indirect.scatter.add.f32 [tilespmem:s29], [sflag:$0x9], $0x20, s22, s18, $0xb8;
	[tilespmem:$0x1DE20] =	vst v63  }
0x1fd: {  	_ =	swait.ge [sflag:s11], $0xFA0  }
0x1fe: {  	[sflag:s11] =	ssyncset.done $0x0  }
0x1ff: {  	s22 =	sadd.s32 $0x380, s15;
	[sflag:s11] =	ssyncadd.s32 $0xFFFFF060  }
0x200: {  	[tilespmem:s26], [sflag:$0x3] =	stream.indirect.gather [hbm4b:s10+s18], $0x20, s22, s18, $0xb8;
	[tilespmem:$0x1DE20] =	vst v63  }
0x201: {  	_ =	swait.ge [sflag:s12], $0xFA0  }
0x202: {  	[sflag:s12] =	ssyncset.done $0x0  }
0x203: {  	s22 =	sadd.s32 $0x2A00, s15;
	[sflag:s12] =	ssyncadd.s32 $0xFFFFF060  }
0x204: {  	[spmem:s2] =	stream.indirect.scatter.add.f32 [tilespmem:s0], [sflag:$0xA], $0x20, s22, s18, $0xb8;
	[tilespmem:$0x1DE20] =	vst v63  }
0x205: {  	_ =	swait.ge [sflag:s13], $0xFA0  }
0x206: {  	[sflag:s13] =	ssyncset.done $0x0  }
0x207: {  	s22 =	sadd.s32 $0x400, s15;
	[sflag:s13] =	ssyncadd.s32 $0xFFFFF060  }
0x208: {  	[tilespmem:s29], [sflag:$0x4] =	stream.indirect.gather [hbm4b:s10+s18], $0x20, s22, s18, $0xb8;
	[tilespmem:$0x1DE20] =	vst v63  }
0x209: {  	_ =	swait.ge [sflag:s30], $0xFA0  }
0x20a: {  	[sflag:s30] =	ssyncset.done $0x0  }
0x20b: {  	s22 =	sadd.s32 $0x2A80, s15;
	[sflag:s30] =	ssyncadd.s32 $0xFFFFF060  }
0x20c: {  	[spmem:s2] =	stream.indirect.scatter.add.f32 [tilespmem:s19], [sflag:$0x6], $0x20, s22, s18, $0xb8;
	[tilespmem:$0x1DE20] =	vst v63  }
0x20d: {  	_ =	swait.ge [sflag:s3], $0xFA0  }
0x20e: {  	[sflag:s3] =	ssyncset.done $0x0  }
.Ltmp7:
0x20f: {  	s22 =	sadd.s32 $0x480, s15;
	[sflag:s3] =	ssyncadd.s32 $0xFFFFF060;
	(pc) =	sbr.rel @p1 .LBB2_16-.Ltmp7, $4  }
0x210: {  	[tilespmem:s0], [sflag:$0x5] =	stream.indirect.gather [hbm4b:s10+s18], $0x20, s22, s18, $0xb8;
	[tilespmem:$0x1DE20] =	vst v63  }
0x211: {  	_ =	swait.ge [sflag:s1], $0xFA0  }
0x212: {  	[sflag:s1] =	ssyncset.done $0x0  }
0x213: {  	s15 =	sadd.s32 $0x2B00, s15;
	[sflag:s1] =	ssyncadd.s32 $0xFFFFF060  }
0x214: {  	[spmem:s2] =	stream.indirect.scatter.add.f32 [tilespmem:s24], [sflag:$0x7], $0x20, s15, s18, $0xb8;
	[tilespmem:$0x1DE20] =	vst v63  }
0x215: {  	_ =	swait.ge [sflag:s20], $0xFA0  }
0x216: {  	[sflag:s20] =	ssyncset.done $0x0  }
0x217: {  	[sflag:s20] =	ssyncadd.s32 $0xFFFFF060  }
0x218: {  	_ =	swait.ge [sflag:s6], $0xFA0  }
0x219: {  	[sflag:s6] =	ssyncset.done $0x0  }
0x21a: {  	s5 =	simm.s32 $0x4E80;
	[sflag:s6] =	ssyncadd.s32 $0xFFFFF060  }
0x21b: {  	[spmem:s2] =	stream.indirect.scatter.add.f32 [tilespmem:s26], [sflag:$0x8], $0x20, s5, s18, $0xb8;
	[tilespmem:$0x1DE20] =	vst v63  }
0x21c: {  	_ =	swait.ge [sflag:s8], $0xFA0  }
0x21d: {  	[sflag:s8] =	ssyncset.done $0x0  }
0x21e: {  	[sflag:s8] =	ssyncadd.s32 $0xFFFFF060  }
0x21f: {  	_ =	swait.ge [sflag:s9], $0xFA0  }
0x220: {  	[sflag:s9] =	ssyncset.done $0x0  }
0x221: {  	s23 =	simm.s32 $0x4F00;
	[sflag:s9] =	ssyncadd.s32 $0xFFFFF060  }
0x222: {  	[spmem:s2] =	stream.indirect.scatter.add.f32 [tilespmem:s29], [sflag:$0x9], $0x20, s23, s18, $0xb8;
	[tilespmem:$0x1DE20] =	vst v63  }
0x223: {  	_ =	swait.ge [sflag:s11], $0xFA0  }
0x224: {  	[sflag:s11] =	ssyncset.done $0x0  }
0x225: {  	[sflag:s11] =	ssyncadd.s32 $0xFFFFF060  }
0x226: {  	_ =	swait.ge [sflag:s12], $0xFA0  }
0x227: {  	[sflag:s12] =	ssyncset.done $0x0  }
0x228: {  	s25 =	simm.s32 $0x4F80;
	[sflag:s12] =	ssyncadd.s32 $0xFFFFF060  }
0x229: {  	[spmem:s2] =	stream.indirect.scatter.add.f32 [tilespmem:s0], [sflag:$0xA], $0x20, s25, s18, $0xb8;
	[tilespmem:$0x1DE20] =	vst v63  }
0x22a: {  	_ =	swait.ge [sflag:s13], $0xFA0  }
0x22b: {  	[sflag:s13] =	ssyncset.done $0x0  }
0x22c: {  	[sflag:s13] =	ssyncadd.s32 $0xFFFFF060  }
0x22d: {  	_ =	swait.ge [sflag:s3], $0xFA0  }
0x22e: {  	[sflag:s3] =	ssyncset.done $0x0  }
0x22f: {  	[sflag:s3] =	ssyncadd.s32 $0xFFFFF060  }
0x230: {  	[bflag:$0x0] =	sbarrier.arrive $0xFFFF  }
0x231: {  	[tilespmem:s21], [sflag:$0xB] =	stream.linear.gather [spmem:s7], $0x5000, $0x38;
	[tilespmem:$0x1DE20] =	vst v63  }
0x232: {  	_ =	swait.ge [sflag:s14], $0x5000  }
0x233: {  	[sflag:s14] =	ssyncset.done $0x0  }
0x234: {  	[sflag:s14] =	ssyncadd.s32 $0xFFFFB000  }
0x235: {  	[spmem:s17], [sflag:s16] =	dma.local [hbm:s4], $0xA00  }
0x236: {  	_ =	swait.ge [sflag:s14], $0xA00  }
0x237: {  	[sflag:s14] =	ssyncset.done $0x0  }
0x238: {  	s5 =	simm.s32 $0x13E60;
	[sflag:s14] =	ssyncadd.s32 $0xFFFFF600  }
0x239: {  	s31 =	simm.s32 $0xEE60;
	v1 =	vld [tilespmem:s5+$0xFFFFFFC0]  }
0x23a: {  	v2 =	vld [tilespmem:s31+$0xFFFFFFC0]  }
0x23b: {  	s23 =	simm.s32 $0x9E60  }
0x23c: {  	v3 =	vld [tilespmem:s23+$0xFFFFFFC0];
	_ =	sdelay $0x1  }
0x23d: {  	v4 =	vld [tilespmem:s31+$0xFFFFFFD0]  }
0x23e: {  	v1 =	vmul.f32 v1, v2;
	_ =	sdelay $0x1  }
0x23f: {  	v1 =	vadd.f32 v3, v1;
	_ =	sdelay $0x1  }
0x240: {  	v1 =	vmul.f32 v1, v4  }
0x241: {  	v3 =	vld [tilespmem:s5+$0xFFFFFFD0]  }
0x242: {  	[tilespmem:s5+$0xFFFFFFC0] =	vst v1  }
0x243: {  	v1 =	vld [tilespmem:s23+$0xFFFFFFD0];
	_ =	sdelay $0x2  }
0x244: {  	v2 =	vmul.f32 v3, v2;
	_ =	sdelay $0x1  }
0x245: {  	v1 =	vadd.f32 v1, v2;
	_ =	sdelay $0x1  }
0x246: {  	v1 =	vmul.f32 v1, v4;
	_ =	sdelay $0x1  }
0x247: {  	[tilespmem:s5+$0xFFFFFFD0] =	vst v1;
	v1 =	vld [tilespmem:s5+$0xFFFFFFE0]  }
0x248: {  	v2 =	vld [tilespmem:s31+$0xFFFFFFE0];
	_ =	sdelay $0x1  }
0x249: {  	v3 =	vld [tilespmem:s23+$0xFFFFFFE0];
	_ =	sdelay $0x1  }
0x24a: {  	v61 =	vld [tilespmem:s31+$0xFFFFFFF0]  }
0x24b: {  	v1 =	vmul.f32 v1, v2;
	_ =	sdelay $0x1  }
0x24c: {  	v1 =	vadd.f32 v3, v1;
	_ =	sdelay $0x1  }
0x24d: {  	v1 =	vmul.f32 v1, v61  }
0x24e: {  	v3 =	vld [tilespmem:s5+$0xFFFFFFF0]  }
0x24f: {  	[tilespmem:s5+$0xFFFFFFE0] =	vst v1  }
0x250: {  	v1 =	vld [tilespmem:s23+$0xFFFFFFF0];
	_ =	sdelay $0x2  }
0x251: {  	v2 =	vmul.f32 v3, v2;
	_ =	sdelay $0x1  }
0x252: {  	v1 =	vadd.f32 v1, v2;
	_ =	sdelay $0x1  }
0x253: {  	v1 =	vmul.f32 v1, v61;
	_ =	sdelay $0x1  }
0x254: {  	[tilespmem:s5+$0xFFFFFFF0] =	vst v1;
	v1 =	vld [tilespmem:s5+$0x0]  }
0x255: {  	v2 =	vld [tilespmem:s31+$0x0];
	_ =	sdelay $0x1  }
0x256: {  	v3 =	vld [tilespmem:s23+$0x0];
	_ =	sdelay $0x1  }
0x257: {  	v62 =	vld [tilespmem:s31+$0x10]  }
0x258: {  	v1 =	vmul.f32 v1, v2;
	_ =	sdelay $0x1  }
0x259: {  	v1 =	vadd.f32 v3, v1;
	_ =	sdelay $0x1  }
0x25a: {  	v1 =	vmul.f32 v1, v62  }
0x25b: {  	v3 =	vld [tilespmem:s5+$0x10]  }
0x25c: {  	[tilespmem:s5+$0x0] =	vst v1  }
0x25d: {  	v1 =	vld [tilespmem:s23+$0x10];
	_ =	sdelay $0x2  }
0x25e: {  	v2 =	vmul.f32 v3, v2;
	_ =	sdelay $0x1  }
0x25f: {  	v1 =	vadd.f32 v1, v2;
	_ =	sdelay $0x1  }
0x260: {  	v1 =	vmul.f32 v1, v62;
	_ =	sdelay $0x1  }
0x261: {  	[tilespmem:s5+$0x10] =	vst v1;
	v1 =	vld [tilespmem:s5+$0x20]  }
0x262: {  	v3 =	vld [tilespmem:s31+$0x20];
	_ =	sdelay $0x1  }
0x263: {  	v63 =	vld [tilespmem:s23+$0x20];
	_ =	sdelay $0x1  }
0x264: {  	v5 =	vld [tilespmem:s31+$0x30]  }
0x265: {  	v1 =	vmul.f32 v1, v3;
	_ =	sdelay $0x1  }
0x266: {  	v1 =	vadd.f32 v63, v1;
	_ =	sdelay $0x1  }
0x267: {  	v1 =	vmul.f32 v1, v5  }
0x268: {  	v2 =	vld [tilespmem:s5+$0x30]  }
0x269: {  	[tilespmem:s5+$0x20] =	vst v1  }
0x26a: {  	v1 =	vld [tilespmem:s23+$0x30];
	_ =	sdelay $0x2  }
0x26b: {  	v2 =	vmul.f32 v2, v3;
	_ =	sdelay $0x1  }
0x26c: {  	v1 =	vadd.f32 v1, v2;
	_ =	sdelay $0x1  }
0x26d: {  	s28 =	simm.s32 $0x13EE0;
	s25 =	simm.s32 $0x0;
	v1 =	vmul.f32 v1, v5  }
.LBB2_18:
0x26e: {  	v2 =	vld [tilespmem:s28+$0xFFFFFFD0]  }
0x26f: {  	s31 =	sadd.s32 $0x80, s31;
	v3 =	vld [tilespmem:s28+$0xFFFFFFC0];
	[tilespmem:s5+$0x30] =	vst v1;
	s5 =	smov.u32 s28  }
0x270: {  	s25 =	sadd.s32 $0x4, s25;
	s23 =	sadd.s32 $0x80, s23;
	v1 =	vld [tilespmem:s31+$0xFFFFFFC0]  }
0x271: {  	p1 =	slt.u32 s25, $0x27C;
	v4 =	vld [tilespmem:s23+$0xFFFFFFC0]  }
0x272: {  	v5 =	vld [tilespmem:s31+$0xFFFFFFD0];
	_ =	sdelay $0x2  }
0x273: {  	v3 =	vmul.f32 v3, v1;
	v1 =	vmul.f32 v2, v1;
	_ =	sdelay $0x1  }
0x274: {  	v2 =	vadd.f32 v4, v3;
	_ =	sdelay $0x1  }
0x275: {  	v2 =	vmul.f32 v2, v5;
	_ =	sdelay $0x1  }
0x276: {  	[tilespmem:s28+$0xFFFFFFC0] =	vst v2  }
0x277: {  	v2 =	vld [tilespmem:s23+$0xFFFFFFD0];
	_ =	sdelay $0x4  }
0x278: {  	v1 =	vadd.f32 v2, v1;
	_ =	sdelay $0x1  }
0x279: {  	v1 =	vmul.f32 v1, v5;
	_ =	sdelay $0x1  }
0x27a: {  	[tilespmem:s28+$0xFFFFFFD0] =	vst v1;
	v1 =	vld [tilespmem:s28+$0xFFFFFFE0]  }
0x27b: {  	v2 =	vld [tilespmem:s31+$0xFFFFFFE0];
	_ =	sdelay $0x1  }
0x27c: {  	v3 =	vld [tilespmem:s23+$0xFFFFFFE0];
	_ =	sdelay $0x1  }
0x27d: {  	v4 =	vld [tilespmem:s31+$0xFFFFFFF0]  }
0x27e: {  	v1 =	vmul.f32 v1, v2;
	_ =	sdelay $0x1  }
0x27f: {  	v1 =	vadd.f32 v3, v1;
	_ =	sdelay $0x1  }
0x280: {  	v1 =	vmul.f32 v1, v4  }
0x281: {  	v3 =	vld [tilespmem:s28+$0xFFFFFFF0]  }
0x282: {  	[tilespmem:s28+$0xFFFFFFE0] =	vst v1  }
0x283: {  	v1 =	vld [tilespmem:s23+$0xFFFFFFF0];
	_ =	sdelay $0x2  }
0x284: {  	v2 =	vmul.f32 v3, v2;
	_ =	sdelay $0x1  }
0x285: {  	v1 =	vadd.f32 v1, v2;
	_ =	sdelay $0x1  }
0x286: {  	v1 =	vmul.f32 v1, v4;
	_ =	sdelay $0x1  }
0x287: {  	[tilespmem:s28+$0xFFFFFFF0] =	vst v1;
	v1 =	vld [tilespmem:s28+$0x0]  }
0x288: {  	v2 =	vld [tilespmem:s31+$0x0];
	_ =	sdelay $0x1  }
0x289: {  	v3 =	vld [tilespmem:s23+$0x0];
	_ =	sdelay $0x1  }
0x28a: {  	v4 =	vld [tilespmem:s31+$0x10]  }
0x28b: {  	v1 =	vmul.f32 v1, v2;
	_ =	sdelay $0x1  }
0x28c: {  	v1 =	vadd.f32 v3, v1;
	_ =	sdelay $0x1  }
0x28d: {  	v1 =	vmul.f32 v1, v4  }
0x28e: {  	v3 =	vld [tilespmem:s28+$0x10]  }
0x28f: {  	[tilespmem:s28+$0x0] =	vst v1  }
0x290: {  	v1 =	vld [tilespmem:s23+$0x10];
	_ =	sdelay $0x2  }
0x291: {  	v2 =	vmul.f32 v3, v2;
	_ =	sdelay $0x1  }
0x292: {  	v1 =	vadd.f32 v1, v2;
	_ =	sdelay $0x1  }
0x293: {  	v1 =	vmul.f32 v1, v4  }
0x294: {  	v2 =	vld [tilespmem:s28+$0x30]  }
0x295: {  	[tilespmem:s28+$0x10] =	vst v1;
	v1 =	vld [tilespmem:s28+$0x20]  }
0x296: {  	v3 =	vld [tilespmem:s31+$0x20]  }
0x297: {  	v4 =	vld [tilespmem:s23+$0x20];
	_ =	sdelay $0x2  }
0x298: {  	v5 =	vld [tilespmem:s31+$0x30]  }
0x299: {  	v1 =	vmul.f32 v1, v3;
	v2 =	vmul.f32 v2, v3;
	_ =	sdelay $0x1  }
0x29a: {  	v1 =	vadd.f32 v4, v1;
	_ =	sdelay $0x1  }
0x29b: {  	v1 =	vmul.f32 v1, v5;
	_ =	sdelay $0x1  }
0x29c: {  	[tilespmem:s28+$0x20] =	vst v1  }
0x29d: {  	v1 =	vld [tilespmem:s23+$0x30];
	_ =	sdelay $0x2  }
.Ltmp8:
0x29e: {  	(pc) =	sbr.rel @p1 .LBB2_18-.Ltmp8, $3  }
0x29f: {  	_ = 	snop  }
0x2a0: {  	v1 =	vadd.f32 v1, v2;
	_ =	sdelay $0x1  }
0x2a1: {  	s28 =	sadd.s32 $0x80, s28;
	v1 =	vmul.f32 v1, v5  }
0x2a2: {  	s15 =	simm.s32 @p0 $0x40  }
0x2a3: {  	s22 =	simm.s32 @p0 $0x13E20;
	s23 =	rddreg [dreg:$0x9];
	[tilespmem:s5+$0x30] =	vst v1;
	s5 =	simm.s32 @p0 $0x20  }
0x2a4: {  	[hbm4b:s23+s5] =	stream.strided.scatter @p0 [tilespmem:s22], [sflag:$0xB], $0x3200, s15, s5, $0x38;
	[tilespmem:$0x1DE20] =	vst v63  }
0x2a5: {  	s5 =	simm.s32 @p0 $0xB  }
0x2a6: {  	_ =	swait.ge @p0 [sflag:s5], $0x3200  }
0x2a7: {  	s15 =	simm.s32 @!p0 $0x40;
	s22 =	simm.s32 @!p0 $0x13E20;
	[sflag:s5] =	ssyncset.done @p0 $0x0  }
0x2a8: {  	s23 =	rddreg [dreg:$0x8];
	[sflag:s5] =	ssyncadd.s32 @p0 $0xFFFFCE00;
	s5 =	simm.s32 @!p0 $0x20  }
0x2a9: {  	[hbm4b:s23+s5] =	stream.strided.scatter @!p0 [tilespmem:s22], [sflag:$0xB], $0x5000, s15, s5, $0x38;
	[tilespmem:$0x1DE20] =	vst v63  }
0x2aa: {  	s5 =	simm.s32 @!p0 $0xB  }
0x2ab: {  	_ =	swait.ge @!p0 [sflag:s5], $0x5000  }
0x2ac: {  	s28 =	rddreg [dreg:$0xc]  }
0x2ad: {  	s31 =	rddreg [dreg:$0xa];
	s22 =	sadd.s32 $0x1, s28  }
0x2ae: {  	p1 =	sne.s32 s22, s31  }
.Ltmp9:
0x2af: {  	_ = 	snop;
	(pc) =	sbr.rel @p1 .LBB2_1-.Ltmp9, $3  }
0x2b0: {  	_ =	sdelay $0x1  }
0x2b1: {  	[sflag:s5] =	ssyncset.done @!p0 $0x0  }
0x2b2: {  	[sflag:s5] =	ssyncadd.s32 @!p0 $0xFFFFB000  }
0x2b3: {  	_ =	sfence.sel $0x180000  }
0x2b4: {  	[bflag:$0x0] =	sbarrier.arrive $0xFFFF  }
0x2b5: {  	_ =	strace $0x90000047  }
0x2b6: {  	s0 =	stileid.u32;
	[bflag:$0x2] =	sbarrier.arrive $0xFFFF  }
0x2b7: {  	p0 =	sne.s32 s0, $0x0;
	s0 =	rddreg [dreg:$0x3]  }
0x2b8: {  	s0 =	sadd.s32 @!p0 $0x100000, s0  }
0x2b9: {  	[sflag:s0] =	ssyncadd.tile.s32 @!p0 $0x1;
	_ =	shalt  }
.Lfunc_end2:
_tile_overlayer_lowered:
.L_overlay_start_2:
0x2ba: {  	(tag) =	ssettag $0x2  }
0x2bb: {  	s0 =	rddreg [dreg:$0x0];
	s2 =	stileid.u32  }
0x2bc: {  	s1 =	rddreg [dreg:$0x1];
	p0 =	sne.s32 s2, $0x0  }
0x2bd: {  	s3 =	rddreg [dreg:$0x2];
	[bflag:$0x3] =	sbarrier.arrive $0xFFFF;
	s2 =	simm.s32 @!p0 $0x1C0B  }
0x2be: {  	[timem:s3], [sflag:s2] =	dma.local @!p0 [hbm:s0], s1  }
0x2bf: {  	s0 =	simm.s32 @!p0 $0xB  }
0x2c0: {  	_ =	swait.ge @!p0 [sflag:s0], s1  }
0x2c1: {  	s1 =	ssub.s32 @!p0 $0x0, s1;
	[sflag:s0] =	ssyncset.done @!p0 $0x0  }
0x2c2: {  	[sflag:s0] =	ssyncadd.s32 @!p0 s1  }
0x2c3: {  	[bflag:$0x3] =	sbarrier.arrive $0xFFFF  }
0x2c4: {  	_ =	shalt  }

</sc_bundles>
